<compile_context>
chip_gen: v7x
topology: tpu7x:2x2x1
jax: 0.10.2.dev20260603
libtpu: 0.0.44.dev20260713+nightly
codegen_flags: <defaults>
</compile_context>

<pallas_src>
import functools

import jax
import jax.numpy as jnp
from jax import lax
from jax.experimental import pallas as pl
from jax.experimental.pallas import tpu as pltpu
from jax.experimental.pallas import tpu_sc as plsc

N_ = 10000
NPAD = 10240
E_ = 320000
P_ = 100000
PPAD = 100352

NC, NS = 2, 16
NW = NC * NS

ECH, ECK = 80, 125
EPT = ECH * ECK
PCH, PCK = 28, 112




@functools.lru_cache(maxsize=None)
def _make_seg_sum(width):
    rows_pt = NPAD // NS
    ZCK = 128
    mesh = plsc.VectorSubcoreMesh(core_axis_name="c", subcore_axis_name="s")

    @functools.partial(
        pl.kernel,
        out_type=jax.ShapeDtypeStruct((NC, NPAD, width), jnp.float32),
        mesh=mesh,
        scratch_types=[
            pltpu.VMEM((ECH, ECK), jnp.int32),
            pltpu.VMEM((ECH, ECK), jnp.int32),
            pltpu.VMEM((ECK, width), jnp.float32),
            pltpu.VMEM((ECK, width), jnp.float32),
            pltpu.VMEM((ZCK, width), jnp.float32),
            pltpu.VMEM_SHARED((NPAD, width), jnp.float32),
            pltpu.SemaphoreType.DMA,
            pltpu.SemaphoreType.DMA,
            pltpu.SemaphoreType.DMA,
            pltpu.SemaphoreType.DMA,
        ],
        compiler_params=pltpu.CompilerParams(use_tc_tiling_on_sc=False),
    )
    def seg(vals_hbm, edge_hbm, zeros_hbm, out_hbm,
            src_v, dst_v, buf0, buf1, zbuf, acc, sg0, sg1, ss0, ss1):
        c = lax.axis_index("c")
        s = lax.axis_index("s")
        wid = s * NC + c
        pltpu.sync_copy(zeros_hbm, zbuf)
        for t in range(rows_pt // ZCK):
            pltpu.sync_copy(zbuf, acc.at[pl.ds(s * rows_pt + t * ZCK, ZCK)])
        pltpu.sync_copy(edge_hbm.at[0, wid], src_v)
        pltpu.sync_copy(edge_hbm.at[1, wid], dst_v)
        plsc.subcore_barrier()

        def g_start(j, buf, sem):
            pltpu.async_copy(vals_hbm.at[src_v.at[j]], buf, sem)

        def g_wait(buf, sem):
            pltpu.make_async_copy(vals_hbm.at[src_v.at[0]], buf, sem).wait()

        def s_start(j, buf, sem):
            pltpu.async_copy(buf, acc.at[dst_v.at[j]], sem, add=True)

        def s_wait(buf, sem):
            pltpu.make_async_copy(buf, acc.at[dst_v.at[0]], sem).wait()

        g_start(0, buf0, sg0)

        def body(i, carry):
            j = 2 * i

            @pl.when(i > 0)
            def _():
                s_wait(buf1, ss1)

            g_wait(buf0, sg0)
            g_start(j + 1, buf1, sg1)
            s_start(j, buf0, ss0)
            s_wait(buf0, ss0)

            @pl.when(i < ECH // 2 - 1)
            def _():
                g_start(j + 2, buf0, sg0)

            g_wait(buf1, sg1)
            s_start(j + 1, buf1, ss1)
            return carry

        lax.fori_loop(0, ECH // 2, body, 0)
        s_wait(buf1, ss1)
        plsc.subcore_barrier()
        for t in range(rows_pt // ZCK):
            sl = pl.ds(s * rows_pt + t * ZCK, ZCK)
            pltpu.sync_copy(acc.at[sl], zbuf)
            pltpu.sync_copy(zbuf, out_hbm.at[c, sl])

    return seg


def _seg80(*args):
    return _make_seg_sum(80)(*args)


def _seg32(*args):
    return _make_seg_sum(32)(*args)


@functools.lru_cache(maxsize=None)
def _make_pair_gather():
    ppt = PCH * PCK
    nch = 2 * PCH
    mesh = plsc.VectorSubcoreMesh(core_axis_name="c", subcore_axis_name="s")

    @functools.partial(
        pl.kernel,
        out_type=jax.ShapeDtypeStruct((2, PPAD, 32), jnp.bfloat16),
        mesh=mesh,
        scratch_types=[
            pltpu.VMEM((nch * PCK,), jnp.int32),
            pltpu.VMEM((PCK, 32), jnp.bfloat16),
            pltpu.VMEM((PCK, 32), jnp.bfloat16),
            pltpu.SemaphoreType.DMA,
            pltpu.SemaphoreType.DMA,
            pltpu.SemaphoreType.DMA,
            pltpu.SemaphoreType.DMA,
        ],
        compiler_params=pltpu.CompilerParams(use_tc_tiling_on_sc=False),
    )
    def gat(z_hbm, idx_hbm, out_hbm, idx_v, buf0, buf1, sg0, sg1, sw0, sw1):
        c = lax.axis_index("c")
        s = lax.axis_index("s")
        wid = s * NC + c
        pltpu.sync_copy(idx_hbm.at[0, pl.ds(wid * ppt, ppt)], idx_v.at[pl.ds(0, ppt)])
        pltpu.sync_copy(idx_hbm.at[1, pl.ds(wid * ppt, ppt)], idx_v.at[pl.ds(ppt, ppt)])

        def g_start(j, buf, sem):
            pltpu.async_copy(z_hbm.at[idx_v.at[pl.ds(j * PCK, PCK)]], buf, sem)

        def g_wait(buf, sem):
            pltpu.make_async_copy(z_hbm.at[idx_v.at[pl.ds(0, PCK)]], buf, sem).wait()

        def w_start(j, buf, sem):
            l = j // PCH
            row = wid * ppt + (j - l * PCH) * PCK
            pltpu.async_copy(buf, out_hbm.at[l, pl.ds(row, PCK)], sem)

        def w_wait(buf, sem):
            pltpu.make_async_copy(buf, out_hbm.at[0, pl.ds(0, PCK)], sem).wait()

        g_start(0, buf0, sg0)

        def body(i, carry):
            j = 2 * i

            @pl.when(i > 0)
            def _():
                w_wait(buf1, sw1)

            g_wait(buf0, sg0)
            g_start(j + 1, buf1, sg1)
            w_start(j, buf0, sw0)
            w_wait(buf0, sw0)

            @pl.when(i < nch // 2 - 1)
            def _():
                g_start(j + 2, buf0, sg0)

            g_wait(buf1, sg1)
            w_start(j + 1, buf1, sw1)
            return carry

        lax.fori_loop(0, nch // 2, body, 0)
        w_wait(buf1, sw1)

    return gat


def _pair_gather(*args):
    return _make_pair_gather()(*args)



_BM = 2000


def _enc1_body(x_ref, w_ref, u1e_ref, r1_ref):
    res = jnp.dot(x_ref[...], w_ref[...], preferred_element_type=jnp.float32)
    m = res.shape[0]
    flag = (lax.broadcasted_iota(jnp.int32, (m, 16), 1) == 0).astype(jnp.float32)
    u1e_ref[...] = jnp.concatenate([res[:, :64], flag], axis=1)
    r1_ref[...] = res[:, 64:]


def _enc1(x, wcat):
    return pl.pallas_call(
        _enc1_body,
        grid=(N_ // _BM,),
        in_specs=[
            pl.BlockSpec((_BM, 128), lambda i: (i, 0)),
            pl.BlockSpec((128, 128), lambda i: (0, 0)),
        ],
        out_specs=[
            pl.BlockSpec((_BM, 80), lambda i: (i, 0)),
            pl.BlockSpec((_BM, 64), lambda i: (i, 0)),
        ],
        out_shape=[
            jax.ShapeDtypeStruct((N_, 80), jnp.float32),
            jax.ShapeDtypeStruct((N_, 64), jnp.float32),
        ],
    )(x, wcat)


def _mid_body(p0_ref, p1_ref, r1_ref, w_ref, b1_ref, u2_ref, r2_ref, dinv_ref):
    p = p0_ref[0] + p1_ref[0]
    deg = jnp.sum(p[:, 64:80], axis=1, keepdims=True)
    dinv = 1.0 / jnp.maximum(deg, 1.0)
    z1 = jnp.maximum(p[:, :64] * dinv + b1_ref[...] + r1_ref[...], 0.0)
    res = jnp.dot(z1, w_ref[...], preferred_element_type=jnp.float32)
    u2_ref[...] = res[:, :32]
    r2_ref[...] = res[:, 32:]
    dinv_ref[...] = jnp.broadcast_to(dinv, (dinv.shape[0], 8))


def _mid(parts, r1, w2cat, b1):
    return pl.pallas_call(
        _mid_body,
        grid=(N_ // _BM,),
        in_specs=[
            pl.BlockSpec((1, _BM, 80), lambda i: (0, i, 0)),
            pl.BlockSpec((1, _BM, 80), lambda i: (1, i, 0)),
            pl.BlockSpec((_BM, 64), lambda i: (i, 0)),
            pl.BlockSpec((64, 64), lambda i: (0, 0)),
            pl.BlockSpec((1, 64), lambda i: (0, 0)),
        ],
        out_specs=[
            pl.BlockSpec((_BM, 32), lambda i: (i, 0)),
            pl.BlockSpec((_BM, 32), lambda i: (i, 0)),
            pl.BlockSpec((_BM, 8), lambda i: (i, 0)),
        ],
        out_shape=[
            jax.ShapeDtypeStruct((N_, 32), jnp.float32),
            jax.ShapeDtypeStruct((N_, 32), jnp.float32),
            jax.ShapeDtypeStruct((N_, 8), jnp.float32),
        ],
    )(parts, parts, r1, w2cat, b1)


def _fin_body(q0_ref, q1_ref, r2_ref, dinv_ref, b2_ref, z_ref):
    z = (q0_ref[0] + q1_ref[0]) * dinv_ref[:, 0:1] + b2_ref[...] + r2_ref[...]
    z_ref[...] = z.astype(jnp.bfloat16)


def _fin(parts, r2, dinv, b2):
    return pl.pallas_call(
        _fin_body,
        grid=(N_ // _BM,),
        in_specs=[
            pl.BlockSpec((1, _BM, 32), lambda i: (0, i, 0)),
            pl.BlockSpec((1, _BM, 32), lambda i: (1, i, 0)),
            pl.BlockSpec((_BM, 32), lambda i: (i, 0)),
            pl.BlockSpec((_BM, 8), lambda i: (i, 0)),
            pl.BlockSpec((1, 32), lambda i: (0, 0)),
        ],
        out_specs=pl.BlockSpec((_BM, 32), lambda i: (i, 0)),
        out_shape=jax.ShapeDtypeStruct((N_, 32), jnp.bfloat16),
    )(parts, parts, r2, dinv, b2)


_BMP = 2048


def _mlp_body(zuv_ref, pf_ref, w1_ref, b1_ref, w2_ref, b2_ref, w3_ref, b3_ref, out_ref):
    zu = zuv_ref[0]
    zv = zuv_ref[1]
    feat = jnp.concatenate([zu, zv, jnp.abs(zu - zv), zu * zv, pf_ref[...]], axis=1)
    h = jnp.maximum(jnp.dot(feat, w1_ref[...], preferred_element_type=jnp.float32) + b1_ref[...], 0.0)
    h2 = jnp.maximum(
        jnp.dot(h.astype(jnp.bfloat16), w2_ref[...], preferred_element_type=jnp.float32)
        + b2_ref[...], 0.0)
    out_ref[...] = jnp.sum(h2 * w3_ref[...], axis=1) + b3_ref[0, 0]


def _mlp(zuv3, pf, w1, b1, w2, b2, w3, b3):
    full = lambda r, c: pl.BlockSpec((r, c), lambda i: (0, 0))
    return pl.pallas_call(
        _mlp_body,
        grid=(pl.cdiv(P_, _BMP),),
        in_specs=[
            pl.BlockSpec((2, _BMP, 32), lambda i: (0, i, 0)),
            pl.BlockSpec((_BMP, 6), lambda i: (i, 0)),
            full(134, 64), full(1, 64), full(64, 32), full(1, 32),
            full(1, 32), full(1, 1),
        ],
        out_specs=pl.BlockSpec((_BMP,), lambda i: (i,)),
        out_shape=jax.ShapeDtypeStruct((P_,), jnp.float32),
    )(zuv3, pf, w1, b1, w2, b2, w3, b3)




def kernel(x, edge_index, edge_label_index, pair_feats,
           Wl1, Wr1, b1, Wl2, Wr2, b2, Wm1, bm1, Wm2, bm2, Wm3, bm3):
    wcat1 = jnp.concatenate([Wl1.T, Wr1.T], axis=1)
    w2cat = jnp.concatenate([Wl2.T, Wr2.T], axis=1)

    u1e, r1 = _enc1(x, wcat1)

    edges = edge_index.reshape(2, NW, ECH, ECK)
    zeros80 = jnp.zeros((128, 80), jnp.float32)
    zeros32 = jnp.zeros((128, 32), jnp.float32)

    parts1 = _seg80(u1e, edges, zeros80)
    u2, r2, dinv = _mid(parts1, r1, w2cat, b1.reshape(1, 64))
    parts2 = _seg32(u2, edges, zeros32)
    z = _fin(parts2, r2, dinv, b2.reshape(1, 32))

    elip = jnp.pad(edge_label_index, ((0, 0), (0, PPAD - P_)))
    zuv = _pair_gather(z, elip)

    out1d = _mlp(zuv, pair_feats.astype(jnp.bfloat16),
                 Wm1.T.astype(jnp.bfloat16), bm1.reshape(1, 64),
                 Wm2.T.astype(jnp.bfloat16), bm2.reshape(1, 32),
                 Wm3, bm3.reshape(1, 1))
    return out1d

# --- scband reference (transcript-rebuilt; emitter-appended) ---
"""Pipeline reference for scband-graph-sagelink-predictor-266287972700 (READ-ONLY COPY).

The authoritative reference and input builder live on the scoring server;
editing this copy changes nothing except your own understanding.
"""

import jax, jax.numpy as jnp
import numpy as np

N = 10000
E = 320000
P = 100000
D_IN = 128
H = 64
OUT = 32
PF = 6
MLP_IN = OUT * 4 + PF
MLP_H = 64


def setup_inputs(seed: int = 0) -> dict:
    key = jax.random.key(seed)
    ks = jax.random.split(key, 20)
    x = jax.random.normal(ks[0], (N, D_IN), dtype=jnp.float32)
    edge_index = jax.random.randint(ks[1], (2, E), 0, N, dtype=jnp.int32)
    edge_label_index = jax.random.randint(ks[2], (2, P), 0, N, dtype=jnp.int32)
    pair_feats = jax.random.normal(ks[3], (P, PF), dtype=jnp.float32)
    # SAGEConv1 params (lin_l applied to aggregated neighbors, lin_r to root)
    Wl1 = jax.random.normal(ks[4], (H, D_IN), dtype=jnp.float32) * 0.05
    Wr1 = jax.random.normal(ks[5], (H, D_IN), dtype=jnp.float32) * 0.05
    b1 = jnp.zeros((H,), dtype=jnp.float32)
    # SAGEConv2 params
    Wl2 = jax.random.normal(ks[6], (OUT, H), dtype=jnp.float32) * 0.05
    Wr2 = jax.random.normal(ks[7], (OUT, H), dtype=jnp.float32) * 0.05
    b2 = jnp.zeros((OUT,), dtype=jnp.float32)
    # Decoder MLP params
    Wm1 = jax.random.normal(ks[8], (MLP_H, MLP_IN), dtype=jnp.float32) * 0.05
    bm1 = jnp.zeros((MLP_H,), dtype=jnp.float32)
    Wm2 = jax.random.normal(ks[9], (MLP_H // 2, MLP_H), dtype=jnp.float32) * 0.05
    bm2 = jnp.zeros((MLP_H // 2,), dtype=jnp.float32)
    Wm3 = jax.random.normal(ks[10], (1, MLP_H // 2), dtype=jnp.float32) * 0.05
    bm3 = jnp.zeros((1,), dtype=jnp.float32)
    return {"x": x, "edge_index": edge_index, "edge_label_index": edge_label_index,
            "pair_feats": pair_feats, "Wl1": Wl1, "Wr1": Wr1, "b1": b1,
            "Wl2": Wl2, "Wr2": Wr2, "b2": b2, "Wm1": Wm1, "bm1": bm1,
            "Wm2": Wm2, "bm2": bm2, "Wm3": Wm3, "bm3": bm3}


def _sage_conv(x, edge_index, Wl, Wr, b):
    src = edge_index[0]
    dst = edge_index[1]
    msgs = jnp.take(x, src, axis=0)
    agg = jax.ops.segment_sum(msgs, dst, num_segments=N)
    deg = jax.ops.segment_sum(jnp.ones((edge_index.shape[1],), dtype=x.dtype), dst, num_segments=N)
    agg = agg / jnp.clip(deg, 1.0, None)[:, None]
    return agg @ Wl.T + b + x @ Wr.T


def reference(x, edge_index, edge_label_index, pair_feats,
              Wl1, Wr1, b1, Wl2, Wr2, b2, Wm1, bm1, Wm2, bm2, Wm3, bm3):
    # Encoder (eval mode: dropout is identity)
    z = _sage_conv(x, edge_index, Wl1, Wr1, b1)
    z = jax.nn.relu(z)
    z = _sage_conv(z, edge_index, Wl2, Wr2, b2)
    # Decoder
    z_u = jnp.take(z, edge_label_index[0], axis=0)
    z_v = jnp.take(z, edge_label_index[1], axis=0)
    feat = jnp.concatenate([z_u, z_v, jnp.abs(z_u - z_v), z_u * z_v, pair_feats], axis=1)
    h = jax.nn.relu(feat @ Wm1.T + bm1)
    h = jax.nn.relu(h @ Wm2.T + bm2)
    out = h @ Wm3.T + bm3
    return out.reshape(-1)

if __name__ == "__main__":
    import jax
    _d = setup_inputs()
    print(jax.jit(kernel)(*tuple(_d.values())))

</pallas_src>

<mosaic_0001>
#map = affine_map<(d0, d1) -> (0, 0)>
#map1 = affine_map<(d0, d1) -> (0, 0, 0, 0)>
#map2 = affine_map<(d0, d1) -> (0, 0, 0)>
module attributes {stable_mosaic.version = 14 : i64} {
  func.func @seg(%arg0: i32, %arg1: i32, %arg2: memref<10000x80xf32, #tpu.memory_space<hbm>>, %arg3: memref<2x32x80x125xi32, #tpu.memory_space<hbm>>, %arg4: memref<128x80xf32, #tpu.memory_space<hbm>>, %arg5: memref<2x10240x80xf32, #tpu.memory_space<hbm>>, %arg6: memref<80x125xi32, #tpu.memory_space<vmem>>, %arg7: memref<80x125xi32, #tpu.memory_space<vmem>>, %arg8: memref<125x80xf32, #tpu.memory_space<vmem>>, %arg9: memref<125x80xf32, #tpu.memory_space<vmem>>, %arg10: memref<128x80xf32, #tpu.memory_space<vmem>>, %arg11: memref<10240x80xf32, #tpu.memory_space<vmem_shared>>, %arg12: memref<!tpu.dma_semaphore, #tpu.memory_space<semaphore_mem>>, %arg13: memref<!tpu.dma_semaphore, #tpu.memory_space<semaphore_mem>>, %arg14: memref<!tpu.dma_semaphore, #tpu.memory_space<semaphore_mem>>, %arg15: memref<!tpu.dma_semaphore, #tpu.memory_space<semaphore_mem>>) attributes {dimension_semantics = [#tpu.dimension_semantics<core_parallel>, #tpu.dimension_semantics<subcore_parallel>], iteration_bounds = array<i64: 2, 16>, scalar_prefetch = 0 : i64, scratch_operands = 10 : i64, tpu.core_type = #tpu.core_type<sc_vector_subcore>, window_params = [{transform_indices = #map}, {transform_indices = #map1}, {transform_indices = #map}, {transform_indices = #map2}]} {
    %mul3A = arith.constant 2 : i32
    %mul3A_0 = arith.muli %arg1, %mul3A : i32
    %add3A = arith.addi %mul3A_0, %arg0 : i32
    "tpu.region"() ({
      %run_scoped3A_60 = tpu.sem_alloc : memref<!tpu.dma_semaphore, #tpu.memory_space<semaphore_mem>>
      tpu.enqueue_dma source(%arg4 : memref<128x80xf32, #tpu.memory_space<hbm>>) target(%arg10 : memref<128x80xf32, #tpu.memory_space<vmem>>) target_semaphore(%run_scoped3A_60 : memref<!tpu.dma_semaphore, #tpu.memory_space<semaphore_mem>>)
      tpu.wait_dma2 semaphore(%run_scoped3A_60 : memref<!tpu.dma_semaphore, #tpu.memory_space<semaphore_mem>>) src(%arg4 : memref<128x80xf32, #tpu.memory_space<hbm>>) dst(%arg10 : memref<128x80xf32, #tpu.memory_space<vmem>>)
      tpu.yield
    }) : () -> ()
    %mul3A_1 = arith.constant 640 : i32
    %mul3A_2 = arith.muli %arg1, %mul3A_1 : i32
    %add3A_3 = arith.constant 0 : i32
    %add3A_4 = arith.addi %mul3A_2, %add3A_3 : i32
    "tpu.region"() ({
      %run_scoped3A_60 = tpu.sem_alloc : memref<!tpu.dma_semaphore, #tpu.memory_space<semaphore_mem>>
      %dma_start3A_61 = arith.constant 0 : i32
      %dma_start3A_62 = tpu.memref_slice %arg11[%add3A_4, %dma_start3A_61] : memref<10240x80xf32, #tpu.memory_space<vmem_shared>> -> memref<128x80xf32, #tpu.memory_space<vmem_shared>>
      %dma_start3A_63 = arith.constant 0 : i32
      %dma_start3A_64 = tpu.memref_slice %arg11[%add3A_4, %dma_start3A_63] : memref<10240x80xf32, #tpu.memory_space<vmem_shared>> -> memref<128x80xf32, #tpu.memory_space<vmem_shared>>
      tpu.enqueue_dma source(%arg10 : memref<128x80xf32, #tpu.memory_space<vmem>>) target(%dma_start3A_64 : memref<128x80xf32, #tpu.memory_space<vmem_shared>>) target_semaphore(%run_scoped3A_60 : memref<!tpu.dma_semaphore, #tpu.memory_space<semaphore_mem>>)
      %dma_wait3A_65 = arith.constant 0 : i32
      %dma_wait3A_66 = tpu.memref_slice %arg11[%add3A_4, %dma_wait3A_65] : memref<10240x80xf32, #tpu.memory_space<vmem_shared>> -> memref<128x80xf32, #tpu.memory_space<vmem_shared>>
      %dma_wait3A_67 = arith.constant 0 : i32
      %dma_wait3A_68 = tpu.memref_slice %arg11[%add3A_4, %dma_wait3A_67] : memref<10240x80xf32, #tpu.memory_space<vmem_shared>> -> memref<128x80xf32, #tpu.memory_space<vmem_shared>>
      tpu.wait_dma2 semaphore(%run_scoped3A_60 : memref<!tpu.dma_semaphore, #tpu.memory_space<semaphore_mem>>) src(%arg10 : memref<128x80xf32, #tpu.memory_space<vmem>>) dst(%dma_wait3A_68 : memref<128x80xf32, #tpu.memory_space<vmem_shared>>)
      tpu.yield
    }) : () -> ()
    %mul3A_5 = arith.constant 640 : i32
    %mul3A_6 = arith.muli %arg1, %mul3A_5 : i32
    %add3A_7 = arith.constant 128 : i32
    %add3A_8 = arith.addi %mul3A_6, %add3A_7 : i32
    "tpu.region"() ({
      %run_scoped3A_60 = tpu.sem_alloc : memref<!tpu.dma_semaphore, #tpu.memory_space<semaphore_mem>>
      %dma_start3A_61 = arith.constant 0 : i32
      %dma_start3A_62 = tpu.memref_slice %arg11[%add3A_8, %dma_start3A_61] : memref<10240x80xf32, #tpu.memory_space<vmem_shared>> -> memref<128x80xf32, #tpu.memory_space<vmem_shared>>
      %dma_start3A_63 = arith.constant 0 : i32
      %dma_start3A_64 = tpu.memref_slice %arg11[%add3A_8, %dma_start3A_63] : memref<10240x80xf32, #tpu.memory_space<vmem_shared>> -> memref<128x80xf32, #tpu.memory_space<vmem_shared>>
      tpu.enqueue_dma source(%arg10 : memref<128x80xf32, #tpu.memory_space<vmem>>) target(%dma_start3A_64 : memref<128x80xf32, #tpu.memory_space<vmem_shared>>) target_semaphore(%run_scoped3A_60 : memref<!tpu.dma_semaphore, #tpu.memory_space<semaphore_mem>>)
      %dma_wait3A_65 = arith.constant 0 : i32
      %dma_wait3A_66 = tpu.memref_slice %arg11[%add3A_8, %dma_wait3A_65] : memref<10240x80xf32, #tpu.memory_space<vmem_shared>> -> memref<128x80xf32, #tpu.memory_space<vmem_shared>>
      %dma_wait3A_67 = arith.constant 0 : i32
      %dma_wait3A_68 = tpu.memref_slice %arg11[%add3A_8, %dma_wait3A_67] : memref<10240x80xf32, #tpu.memory_space<vmem_shared>> -> memref<128x80xf32, #tpu.memory_space<vmem_shared>>
      tpu.wait_dma2 semaphore(%run_scoped3A_60 : memref<!tpu.dma_semaphore, #tpu.memory_space<semaphore_mem>>) src(%arg10 : memref<128x80xf32, #tpu.memory_space<vmem>>) dst(%dma_wait3A_68 : memref<128x80xf32, #tpu.memory_space<vmem_shared>>)
      tpu.yield
    }) : () -> ()
    %mul3A_9 = arith.constant 640 : i32
    %mul3A_10 = arith.muli %arg1, %mul3A_9 : i32
    %add3A_11 = arith.constant 256 : i32
    %add3A_12 = arith.addi %mul3A_10, %add3A_11 : i32
    "tpu.region"() ({
      %run_scoped3A_60 = tpu.sem_alloc : memref<!tpu.dma_semaphore, #tpu.memory_space<semaphore_mem>>
      %dma_start3A_61 = arith.constant 0 : i32
      %dma_start3A_62 = tpu.memref_slice %arg11[%add3A_12, %dma_start3A_61] : memref<10240x80xf32, #tpu.memory_space<vmem_shared>> -> memref<128x80xf32, #tpu.memory_space<vmem_shared>>
      %dma_start3A_63 = arith.constant 0 : i32
      %dma_start3A_64 = tpu.memref_slice %arg11[%add3A_12, %dma_start3A_63] : memref<10240x80xf32, #tpu.memory_space<vmem_shared>> -> memref<128x80xf32, #tpu.memory_space<vmem_shared>>
      tpu.enqueue_dma source(%arg10 : memref<128x80xf32, #tpu.memory_space<vmem>>) target(%dma_start3A_64 : memref<128x80xf32, #tpu.memory_space<vmem_shared>>) target_semaphore(%run_scoped3A_60 : memref<!tpu.dma_semaphore, #tpu.memory_space<semaphore_mem>>)
      %dma_wait3A_65 = arith.constant 0 : i32
      %dma_wait3A_66 = tpu.memref_slice %arg11[%add3A_12, %dma_wait3A_65] : memref<10240x80xf32, #tpu.memory_space<vmem_shared>> -> memref<128x80xf32, #tpu.memory_space<vmem_shared>>
      %dma_wait3A_67 = arith.constant 0 : i32
      %dma_wait3A_68 = tpu.memref_slice %arg11[%add3A_12, %dma_wait3A_67] : memref<10240x80xf32, #tpu.memory_space<vmem_shared>> -> memref<128x80xf32, #tpu.memory_space<vmem_shared>>
      tpu.wait_dma2 semaphore(%run_scoped3A_60 : memref<!tpu.dma_semaphore, #tpu.memory_space<semaphore_mem>>) src(%arg10 : memref<128x80xf32, #tpu.memory_space<vmem>>) dst(%dma_wait3A_68 : memref<128x80xf32, #tpu.memory_space<vmem_shared>>)
      tpu.yield
    }) : () -> ()
    %mul3A_13 = arith.constant 640 : i32
    %mul3A_14 = arith.muli %arg1, %mul3A_13 : i32
    %add3A_15 = arith.constant 384 : i32
    %add3A_16 = arith.addi %mul3A_14, %add3A_15 : i32
    "tpu.region"() ({
      %run_scoped3A_60 = tpu.sem_alloc : memref<!tpu.dma_semaphore, #tpu.memory_space<semaphore_mem>>
      %dma_start3A_61 = arith.constant 0 : i32
      %dma_start3A_62 = tpu.memref_slice %arg11[%add3A_16, %dma_start3A_61] : memref<10240x80xf32, #tpu.memory_space<vmem_shared>> -> memref<128x80xf32, #tpu.memory_space<vmem_shared>>
      %dma_start3A_63 = arith.constant 0 : i32
      %dma_start3A_64 = tpu.memref_slice %arg11[%add3A_16, %dma_start3A_63] : memref<10240x80xf32, #tpu.memory_space<vmem_shared>> -> memref<128x80xf32, #tpu.memory_space<vmem_shared>>
      tpu.enqueue_dma source(%arg10 : memref<128x80xf32, #tpu.memory_space<vmem>>) target(%dma_start3A_64 : memref<128x80xf32, #tpu.memory_space<vmem_shared>>) target_semaphore(%run_scoped3A_60 : memref<!tpu.dma_semaphore, #tpu.memory_space<semaphore_mem>>)
      %dma_wait3A_65 = arith.constant 0 : i32
      %dma_wait3A_66 = tpu.memref_slice %arg11[%add3A_16, %dma_wait3A_65] : memref<10240x80xf32, #tpu.memory_space<vmem_shared>> -> memref<128x80xf32, #tpu.memory_space<vmem_shared>>
      %dma_wait3A_67 = arith.constant 0 : i32
      %dma_wait3A_68 = tpu.memref_slice %arg11[%add3A_16, %dma_wait3A_67] : memref<10240x80xf32, #tpu.memory_space<vmem_shared>> -> memref<128x80xf32, #tpu.memory_space<vmem_shared>>
      tpu.wait_dma2 semaphore(%run_scoped3A_60 : memref<!tpu.dma_semaphore, #tpu.memory_space<semaphore_mem>>) src(%arg10 : memref<128x80xf32, #tpu.memory_space<vmem>>) dst(%dma_wait3A_68 : memref<128x80xf32, #tpu.memory_space<vmem_shared>>)
      tpu.yield
    }) : () -> ()
    %mul3A_17 = arith.constant 640 : i32
    %mul3A_18 = arith.muli %arg1, %mul3A_17 : i32
    %add3A_19 = arith.constant 512 : i32
    %add3A_20 = arith.addi %mul3A_18, %add3A_19 : i32
    "tpu.region"() ({
      %run_scoped3A_60 = tpu.sem_alloc : memref<!tpu.dma_semaphore, #tpu.memory_space<semaphore_mem>>
      %dma_start3A_61 = arith.constant 0 : i32
      %dma_start3A_62 = tpu.memref_slice %arg11[%add3A_20, %dma_start3A_61] : memref<10240x80xf32, #tpu.memory_space<vmem_shared>> -> memref<128x80xf32, #tpu.memory_space<vmem_shared>>
      %dma_start3A_63 = arith.constant 0 : i32
      %dma_start3A_64 = tpu.memref_slice %arg11[%add3A_20, %dma_start3A_63] : memref<10240x80xf32, #tpu.memory_space<vmem_shared>> -> memref<128x80xf32, #tpu.memory_space<vmem_shared>>
      tpu.enqueue_dma source(%arg10 : memref<128x80xf32, #tpu.memory_space<vmem>>) target(%dma_start3A_64 : memref<128x80xf32, #tpu.memory_space<vmem_shared>>) target_semaphore(%run_scoped3A_60 : memref<!tpu.dma_semaphore, #tpu.memory_space<semaphore_mem>>)
      %dma_wait3A_65 = arith.constant 0 : i32
      %dma_wait3A_66 = tpu.memref_slice %arg11[%add3A_20, %dma_wait3A_65] : memref<10240x80xf32, #tpu.memory_space<vmem_shared>> -> memref<128x80xf32, #tpu.memory_space<vmem_shared>>
      %dma_wait3A_67 = arith.constant 0 : i32
      %dma_wait3A_68 = tpu.memref_slice %arg11[%add3A_20, %dma_wait3A_67] : memref<10240x80xf32, #tpu.memory_space<vmem_shared>> -> memref<128x80xf32, #tpu.memory_space<vmem_shared>>
      tpu.wait_dma2 semaphore(%run_scoped3A_60 : memref<!tpu.dma_semaphore, #tpu.memory_space<semaphore_mem>>) src(%arg10 : memref<128x80xf32, #tpu.memory_space<vmem>>) dst(%dma_wait3A_68 : memref<128x80xf32, #tpu.memory_space<vmem_shared>>)
      tpu.yield
    }) : () -> ()
    %run_scoped3A = arith.constant 0 : i32
    "tpu.region"() ({
      %run_scoped3A_60 = tpu.sem_alloc : memref<!tpu.dma_semaphore, #tpu.memory_space<semaphore_mem>>
      %dma_start3A_61 = arith.constant 0 : i32
      %dma_start3A_62 = arith.constant 0 : i32
      %dma_start3A_63 = tpu.memref_slice %arg3[%run_scoped3A, %add3A, %dma_start3A_61, %dma_start3A_62] : memref<2x32x80x125xi32, #tpu.memory_space<hbm>> -> memref<1x1x80x125xi32, #tpu.memory_space<hbm>>
      %dma_start3A_64 = tpu.memref_squeeze %dma_start3A_63 : memref<1x1x80x125xi32, #tpu.memory_space<hbm>> -> memref<80x125xi32, #tpu.memory_space<hbm>>
      %dma_start3A_65 = arith.constant 0 : i32
      %dma_start3A_66 = arith.constant 0 : i32
      %dma_start3A_67 = tpu.memref_slice %arg3[%run_scoped3A, %add3A, %dma_start3A_65, %dma_start3A_66] : memref<2x32x80x125xi32, #tpu.memory_space<hbm>> -> memref<1x1x80x125xi32, #tpu.memory_space<hbm>>
      %dma_start3A_68 = tpu.memref_squeeze %dma_start3A_67 : memref<1x1x80x125xi32, #tpu.memory_space<hbm>> -> memref<80x125xi32, #tpu.memory_space<hbm>>
      tpu.enqueue_dma source(%dma_start3A_68 : memref<80x125xi32, #tpu.memory_space<hbm>>) target(%arg6 : memref<80x125xi32, #tpu.memory_space<vmem>>) target_semaphore(%run_scoped3A_60 : memref<!tpu.dma_semaphore, #tpu.memory_space<semaphore_mem>>)
      %dma_wait3A_69 = arith.constant 0 : i32
      %dma_wait3A_70 = arith.constant 0 : i32
      %dma_wait3A_71 = tpu.memref_slice %arg3[%run_scoped3A, %add3A, %dma_wait3A_69, %dma_wait3A_70] : memref<2x32x80x125xi32, #tpu.memory_space<hbm>> -> memref<1x1x80x125xi32, #tpu.memory_space<hbm>>
      %dma_wait3A_72 = tpu.memref_squeeze %dma_wait3A_71 : memref<1x1x80x125xi32, #tpu.memory_space<hbm>> -> memref<80x125xi32, #tpu.memory_space<hbm>>
      %dma_wait3A_73 = arith.constant 0 : i32
      %dma_wait3A_74 = arith.constant 0 : i32
      %dma_wait3A_75 = tpu.memref_slice %arg3[%run_scoped3A, %add3A, %dma_wait3A_73, %dma_wait3A_74] : memref<2x32x80x125xi32, #tpu.memory_space<hbm>> -> memref<1x1x80x125xi32, #tpu.memory_space<hbm>>
      %dma_wait3A_76 = tpu.memref_squeeze %dma_wait3A_75 : memref<1x1x80x125xi32, #tpu.memory_space<hbm>> -> memref<80x125xi32, #tpu.memory_space<hbm>>
      tpu.wait_dma2 semaphore(%run_scoped3A_60 : memref<!tpu.dma_semaphore, #tpu.memory_space<semaphore_mem>>) src(%dma_wait3A_76 : memref<80x125xi32, #tpu.memory_space<hbm>>) dst(%arg6 : memref<80x125xi32, #tpu.memory_space<vmem>>)
      tpu.yield
    }) : () -> ()
    %run_scoped3A_21 = arith.constant 1 : i32
    "tpu.region"() ({
      %run_scoped3A_60 = tpu.sem_alloc : memref<!tpu.dma_semaphore, #tpu.memory_space<semaphore_mem>>
      %dma_start3A_61 = arith.constant 0 : i32
      %dma_start3A_62 = arith.constant 0 : i32
      %dma_start3A_63 = tpu.memref_slice %arg3[%run_scoped3A_21, %add3A, %dma_start3A_61, %dma_start3A_62] : memref<2x32x80x125xi32, #tpu.memory_space<hbm>> -> memref<1x1x80x125xi32, #tpu.memory_space<hbm>>
      %dma_start3A_64 = tpu.memref_squeeze %dma_start3A_63 : memref<1x1x80x125xi32, #tpu.memory_space<hbm>> -> memref<80x125xi32, #tpu.memory_space<hbm>>
      %dma_start3A_65 = arith.constant 0 : i32
      %dma_start3A_66 = arith.constant 0 : i32
      %dma_start3A_67 = tpu.memref_slice %arg3[%run_scoped3A_21, %add3A, %dma_start3A_65, %dma_start3A_66] : memref<2x32x80x125xi32, #tpu.memory_space<hbm>> -> memref<1x1x80x125xi32, #tpu.memory_space<hbm>>
      %dma_start3A_68 = tpu.memref_squeeze %dma_start3A_67 : memref<1x1x80x125xi32, #tpu.memory_space<hbm>> -> memref<80x125xi32, #tpu.memory_space<hbm>>
      tpu.enqueue_dma source(%dma_start3A_68 : memref<80x125xi32, #tpu.memory_space<hbm>>) target(%arg7 : memref<80x125xi32, #tpu.memory_space<vmem>>) target_semaphore(%run_scoped3A_60 : memref<!tpu.dma_semaphore, #tpu.memory_space<semaphore_mem>>)
      %dma_wait3A_69 = arith.constant 0 : i32
      %dma_wait3A_70 = arith.constant 0 : i32
      %dma_wait3A_71 = tpu.memref_slice %arg3[%run_scoped3A_21, %add3A, %dma_wait3A_69, %dma_wait3A_70] : memref<2x32x80x125xi32, #tpu.memory_space<hbm>> -> memref<1x1x80x125xi32, #tpu.memory_space<hbm>>
      %dma_wait3A_72 = tpu.memref_squeeze %dma_wait3A_71 : memref<1x1x80x125xi32, #tpu.memory_space<hbm>> -> memref<80x125xi32, #tpu.memory_space<hbm>>
      %dma_wait3A_73 = arith.constant 0 : i32
      %dma_wait3A_74 = arith.constant 0 : i32
      %dma_wait3A_75 = tpu.memref_slice %arg3[%run_scoped3A_21, %add3A, %dma_wait3A_73, %dma_wait3A_74] : memref<2x32x80x125xi32, #tpu.memory_space<hbm>> -> memref<1x1x80x125xi32, #tpu.memory_space<hbm>>
      %dma_wait3A_76 = tpu.memref_squeeze %dma_wait3A_75 : memref<1x1x80x125xi32, #tpu.memory_space<hbm>> -> memref<80x125xi32, #tpu.memory_space<hbm>>
      tpu.wait_dma2 semaphore(%run_scoped3A_60 : memref<!tpu.dma_semaphore, #tpu.memory_space<semaphore_mem>>) src(%dma_wait3A_76 : memref<80x125xi32, #tpu.memory_space<hbm>>) dst(%arg7 : memref<80x125xi32, #tpu.memory_space<vmem>>)
      tpu.yield
    }) : () -> ()
    %barrier3A = arith.constant 0 : index
    tpu.barrier barrier_id(%barrier3A)
    %dma_start3A = arith.constant 0 : i32
    %dma_start3A_22 = arith.constant 0 : i32
    %dma_start3A_23 = tpu.memref_slice %arg6[%dma_start3A, %dma_start3A_22] : memref<80x125xi32, #tpu.memory_space<vmem>> -> memref<1x125xi32, #tpu.memory_space<vmem>>
    %dma_start3A_24 = tpu.memref_squeeze %dma_start3A_23 : memref<1x125xi32, #tpu.memory_space<vmem>> -> memref<125xi32, #tpu.memory_space<vmem>>
    %dma_start3A_25 = arith.constant 0 : i32
    %dma_start3A_26 = arith.constant 0 : i32
    %dma_start3A_27 = tpu.memref_slice %arg2[%dma_start3A_25, %dma_start3A_26] : memref<10000x80xf32, #tpu.memory_space<hbm>> -> memref<10000x80xf32, #tpu.memory_space<hbm>>
    tpu.enqueue_indirect_dma source(%dma_start3A_27 : memref<10000x80xf32, #tpu.memory_space<hbm>>) target(%arg8 : memref<125x80xf32, #tpu.memory_space<vmem>>) offsets(%dma_start3A_24 : memref<125xi32, #tpu.memory_space<vmem>>) semaphore(%arg12 : memref<!tpu.dma_semaphore, #tpu.memory_space<semaphore_mem>>)
    %scan3A = arith.constant 0 : i32
    %scan3A_28 = arith.constant 0 : i32
    %scan3A_29 = arith.constant 40 : i32
    %scan3A_30 = arith.addi %scan3A_28, %scan3A_29 : i32
    %scan3A_31 = arith.constant 1 : i32
    scf.for %scan3A_60 = %scan3A_28 to %scan3A_30 step %scan3A_31  : i32 {
      %mul3A_61 = arith.constant 2 : i32
      %mul3A_62 = arith.muli %mul3A_61, %scan3A_60 : i32
      %gt3A = arith.constant 0 : i32
      %gt3A_63 = arith.cmpi sgt, %scan3A_60, %gt3A : i32
      %convert_element_type3A = arith.extui %gt3A_63 : i1 to i32
      %cond3A = arith.constant 0 : i32
      %cond3A_64 = arith.cmpi ne, %convert_element_type3A, %cond3A : i32
      scf.if %cond3A_64 {
        %dma_wait3A_112 = arith.constant 0 : i32
        %dma_wait3A_113 = arith.constant 0 : i32
        %dma_wait3A_114 = tpu.memref_slice %arg7[%dma_wait3A_112, %dma_wait3A_113] : memref<80x125xi32, #tpu.memory_space<vmem>> -> memref<1x125xi32, #tpu.memory_space<vmem>>
        %dma_wait3A_115 = tpu.memref_squeeze %dma_wait3A_114 : memref<1x125xi32, #tpu.memory_space<vmem>> -> memref<125xi32, #tpu.memory_space<vmem>>
        %dma_wait3A_116 = arith.constant 0 : i32
        %dma_wait3A_117 = arith.constant 0 : i32
        %dma_wait3A_118 = tpu.memref_slice %arg11[%dma_wait3A_116, %dma_wait3A_117] : memref<10240x80xf32, #tpu.memory_space<vmem_shared>> -> memref<10240x80xf32, #tpu.memory_space<vmem_shared>>
        tpu.wait_indirect_dma semaphore(%arg15 : memref<!tpu.dma_semaphore, #tpu.memory_space<semaphore_mem>>) src(%arg9 : memref<125x80xf32, #tpu.memory_space<vmem>>) dst(%dma_wait3A_118 : memref<10240x80xf32, #tpu.memory_space<vmem_shared>>)
      } else {
      }
      %dma_wait3A_65 = arith.constant 0 : i32
      %dma_wait3A_66 = arith.constant 0 : i32
      %dma_wait3A_67 = tpu.memref_slice %arg6[%dma_wait3A_65, %dma_wait3A_66] : memref<80x125xi32, #tpu.memory_space<vmem>> -> memref<1x125xi32, #tpu.memory_space<vmem>>
      %dma_wait3A_68 = tpu.memref_squeeze %dma_wait3A_67 : memref<1x125xi32, #tpu.memory_space<vmem>> -> memref<125xi32, #tpu.memory_space<vmem>>
      %dma_wait3A_69 = arith.constant 0 : i32
      %dma_wait3A_70 = arith.constant 0 : i32
      %dma_wait3A_71 = tpu.memref_slice %arg2[%dma_wait3A_69, %dma_wait3A_70] : memref<10000x80xf32, #tpu.memory_space<hbm>> -> memref<10000x80xf32, #tpu.memory_space<hbm>>
      tpu.wait_indirect_dma semaphore(%arg12 : memref<!tpu.dma_semaphore, #tpu.memory_space<semaphore_mem>>) src(%dma_wait3A_71 : memref<10000x80xf32, #tpu.memory_space<hbm>>) dst(%arg8 : memref<125x80xf32, #tpu.memory_space<vmem>>)
      %add3A_72 = arith.constant 1 : i32
      %add3A_73 = arith.addi %mul3A_62, %add3A_72 : i32
      %dma_start3A_74 = arith.constant 0 : i32
      %dma_start3A_75 = tpu.memref_slice %arg6[%add3A_73, %dma_start3A_74] : memref<80x125xi32, #tpu.memory_space<vmem>> -> memref<1x125xi32, #tpu.memory_space<vmem>>
      %dma_start3A_76 = tpu.memref_squeeze %dma_start3A_75 : memref<1x125xi32, #tpu.memory_space<vmem>> -> memref<125xi32, #tpu.memory_space<vmem>>
      %dma_start3A_77 = arith.constant 0 : i32
      %dma_start3A_78 = arith.constant 0 : i32
      %dma_start3A_79 = tpu.memref_slice %arg2[%dma_start3A_77, %dma_start3A_78] : memref<10000x80xf32, #tpu.memory_space<hbm>> -> memref<10000x80xf32, #tpu.memory_space<hbm>>
      tpu.enqueue_indirect_dma source(%dma_start3A_79 : memref<10000x80xf32, #tpu.memory_space<hbm>>) target(%arg9 : memref<125x80xf32, #tpu.memory_space<vmem>>) offsets(%dma_start3A_76 : memref<125xi32, #tpu.memory_space<vmem>>) semaphore(%arg13 : memref<!tpu.dma_semaphore, #tpu.memory_space<semaphore_mem>>)
      %dma_start3A_80 = arith.constant 0 : i32
      %dma_start3A_81 = tpu.memref_slice %arg7[%mul3A_62, %dma_start3A_80] : memref<80x125xi32, #tpu.memory_space<vmem>> -> memref<1x125xi32, #tpu.memory_space<vmem>>
      %dma_start3A_82 = tpu.memref_squeeze %dma_start3A_81 : memref<1x125xi32, #tpu.memory_space<vmem>> -> memref<125xi32, #tpu.memory_space<vmem>>
      %dma_start3A_83 = arith.constant 0 : i32
      %dma_start3A_84 = arith.constant 0 : i32
      %dma_start3A_85 = tpu.memref_slice %arg11[%dma_start3A_83, %dma_start3A_84] : memref<10240x80xf32, #tpu.memory_space<vmem_shared>> -> memref<10240x80xf32, #tpu.memory_space<vmem_shared>>
      tpu.enqueue_indirect_dma source(%arg8 : memref<125x80xf32, #tpu.memory_space<vmem>>) target(%dma_start3A_85 : memref<10240x80xf32, #tpu.memory_space<vmem_shared>>) offsets(%dma_start3A_82 : memref<125xi32, #tpu.memory_space<vmem>>) semaphore(%arg14 : memref<!tpu.dma_semaphore, #tpu.memory_space<semaphore_mem>>) {add = true}
      %dma_wait3A_86 = arith.constant 0 : i32
      %dma_wait3A_87 = arith.constant 0 : i32
      %dma_wait3A_88 = tpu.memref_slice %arg7[%dma_wait3A_86, %dma_wait3A_87] : memref<80x125xi32, #tpu.memory_space<vmem>> -> memref<1x125xi32, #tpu.memory_space<vmem>>
      %dma_wait3A_89 = tpu.memref_squeeze %dma_wait3A_88 : memref<1x125xi32, #tpu.memory_space<vmem>> -> memref<125xi32, #tpu.memory_space<vmem>>
      %dma_wait3A_90 = arith.constant 0 : i32
      %dma_wait3A_91 = arith.constant 0 : i32
      %dma_wait3A_92 = tpu.memref_slice %arg11[%dma_wait3A_90, %dma_wait3A_91] : memref<10240x80xf32, #tpu.memory_space<vmem_shared>> -> memref<10240x80xf32, #tpu.memory_space<vmem_shared>>
      tpu.wait_indirect_dma semaphore(%arg14 : memref<!tpu.dma_semaphore, #tpu.memory_space<semaphore_mem>>) src(%arg8 : memref<125x80xf32, #tpu.memory_space<vmem>>) dst(%dma_wait3A_92 : memref<10240x80xf32, #tpu.memory_space<vmem_shared>>)
      %lt3A = arith.constant 39 : i32
      %lt3A_93 = arith.cmpi slt, %scan3A_60, %lt3A : i32
      %convert_element_type3A_94 = arith.extui %lt3A_93 : i1 to i32
      %cond3A_95 = arith.constant 0 : i32
      %cond3A_96 = arith.cmpi ne, %convert_element_type3A_94, %cond3A_95 : i32
      scf.if %cond3A_96 {
        %add3A_112 = arith.constant 2 : i32
        %add3A_113 = arith.addi %mul3A_62, %add3A_112 : i32
        %dma_start3A_114 = arith.constant 0 : i32
        %dma_start3A_115 = tpu.memref_slice %arg6[%add3A_113, %dma_start3A_114] : memref<80x125xi32, #tpu.memory_space<vmem>> -> memref<1x125xi32, #tpu.memory_space<vmem>>
        %dma_start3A_116 = tpu.memref_squeeze %dma_start3A_115 : memref<1x125xi32, #tpu.memory_space<vmem>> -> memref<125xi32, #tpu.memory_space<vmem>>
        %dma_start3A_117 = arith.constant 0 : i32
        %dma_start3A_118 = arith.constant 0 : i32
        %dma_start3A_119 = tpu.memref_slice %arg2[%dma_start3A_117, %dma_start3A_118] : memref<10000x80xf32, #tpu.memory_space<hbm>> -> memref<10000x80xf32, #tpu.memory_space<hbm>>
        tpu.enqueue_indirect_dma source(%dma_start3A_119 : memref<10000x80xf32, #tpu.memory_space<hbm>>) target(%arg8 : memref<125x80xf32, #tpu.memory_space<vmem>>) offsets(%dma_start3A_116 : memref<125xi32, #tpu.memory_space<vmem>>) semaphore(%arg12 : memref<!tpu.dma_semaphore, #tpu.memory_space<semaphore_mem>>)
      } else {
      }
      %dma_wait3A_97 = arith.constant 0 : i32
      %dma_wait3A_98 = arith.constant 0 : i32
      %dma_wait3A_99 = tpu.memref_slice %arg6[%dma_wait3A_97, %dma_wait3A_98] : memref<80x125xi32, #tpu.memory_space<vmem>> -> memref<1x125xi32, #tpu.memory_space<vmem>>
      %dma_wait3A_100 = tpu.memref_squeeze %dma_wait3A_99 : memref<1x125xi32, #tpu.memory_space<vmem>> -> memref<125xi32, #tpu.memory_space<vmem>>
      %dma_wait3A_101 = arith.constant 0 : i32
      %dma_wait3A_102 = arith.constant 0 : i32
      %dma_wait3A_103 = tpu.memref_slice %arg2[%dma_wait3A_101, %dma_wait3A_102] : memref<10000x80xf32, #tpu.memory_space<hbm>> -> memref<10000x80xf32, #tpu.memory_space<hbm>>
      tpu.wait_indirect_dma semaphore(%arg13 : memref<!tpu.dma_semaphore, #tpu.memory_space<semaphore_mem>>) src(%dma_wait3A_103 : memref<10000x80xf32, #tpu.memory_space<hbm>>) dst(%arg9 : memref<125x80xf32, #tpu.memory_space<vmem>>)
      %add3A_104 = arith.constant 1 : i32
      %add3A_105 = arith.addi %mul3A_62, %add3A_104 : i32
      %dma_start3A_106 = arith.constant 0 : i32
      %dma_start3A_107 = tpu.memref_slice %arg7[%add3A_105, %dma_start3A_106] : memref<80x125xi32, #tpu.memory_space<vmem>> -> memref<1x125xi32, #tpu.memory_space<vmem>>
      %dma_start3A_108 = tpu.memref_squeeze %dma_start3A_107 : memref<1x125xi32, #tpu.memory_space<vmem>> -> memref<125xi32, #tpu.memory_space<vmem>>
      %dma_start3A_109 = arith.constant 0 : i32
      %dma_start3A_110 = arith.constant 0 : i32
      %dma_start3A_111 = tpu.memref_slice %arg11[%dma_start3A_109, %dma_start3A_110] : memref<10240x80xf32, #tpu.memory_space<vmem_shared>> -> memref<10240x80xf32, #tpu.memory_space<vmem_shared>>
      tpu.enqueue_indirect_dma source(%arg9 : memref<125x80xf32, #tpu.memory_space<vmem>>) target(%dma_start3A_111 : memref<10240x80xf32, #tpu.memory_space<vmem_shared>>) offsets(%dma_start3A_108 : memref<125xi32, #tpu.memory_space<vmem>>) semaphore(%arg15 : memref<!tpu.dma_semaphore, #tpu.memory_space<semaphore_mem>>) {add = true}
    }
    %scan3A_32 = arith.constant 40 : i32
    %dma_wait3A = arith.constant 0 : i32
    %dma_wait3A_33 = arith.constant 0 : i32
    %dma_wait3A_34 = tpu.memref_slice %arg7[%dma_wait3A, %dma_wait3A_33] : memref<80x125xi32, #tpu.memory_space<vmem>> -> memref<1x125xi32, #tpu.memory_space<vmem>>
    %dma_wait3A_35 = tpu.memref_squeeze %dma_wait3A_34 : memref<1x125xi32, #tpu.memory_space<vmem>> -> memref<125xi32, #tpu.memory_space<vmem>>
    %dma_wait3A_36 = arith.constant 0 : i32
    %dma_wait3A_37 = arith.constant 0 : i32
    %dma_wait3A_38 = tpu.memref_slice %arg11[%dma_wait3A_36, %dma_wait3A_37] : memref<10240x80xf32, #tpu.memory_space<vmem_shared>> -> memref<10240x80xf32, #tpu.memory_space<vmem_shared>>
    tpu.wait_indirect_dma semaphore(%arg15 : memref<!tpu.dma_semaphore, #tpu.memory_space<semaphore_mem>>) src(%arg9 : memref<125x80xf32, #tpu.memory_space<vmem>>) dst(%dma_wait3A_38 : memref<10240x80xf32, #tpu.memory_space<vmem_shared>>)
    %barrier3A_39 = arith.constant 0 : index
    tpu.barrier barrier_id(%barrier3A_39)
    %mul3A_40 = arith.constant 640 : i32
    %mul3A_41 = arith.muli %arg1, %mul3A_40 : i32
    %add3A_42 = arith.constant 0 : i32
    %add3A_43 = arith.addi %mul3A_41, %add3A_42 : i32
    "tpu.region"() ({
      %run_scoped3A_60 = tpu.sem_alloc : memref<!tpu.dma_semaphore, #tpu.memory_space<semaphore_mem>>
      %dma_start3A_61 = arith.constant 0 : i32
      %dma_start3A_62 = tpu.memref_slice %arg11[%add3A_43, %dma_start3A_61] : memref<10240x80xf32, #tpu.memory_space<vmem_shared>> -> memref<128x80xf32, #tpu.memory_space<vmem_shared>>
      %dma_start3A_63 = arith.constant 0 : i32
      %dma_start3A_64 = tpu.memref_slice %arg11[%add3A_43, %dma_start3A_63] : memref<10240x80xf32, #tpu.memory_space<vmem_shared>> -> memref<128x80xf32, #tpu.memory_space<vmem_shared>>
      tpu.enqueue_dma source(%dma_start3A_64 : memref<128x80xf32, #tpu.memory_space<vmem_shared>>) target(%arg10 : memref<128x80xf32, #tpu.memory_space<vmem>>) target_semaphore(%run_scoped3A_60 : memref<!tpu.dma_semaphore, #tpu.memory_space<semaphore_mem>>)
      %dma_wait3A_65 = arith.constant 0 : i32
      %dma_wait3A_66 = tpu.memref_slice %arg11[%add3A_43, %dma_wait3A_65] : memref<10240x80xf32, #tpu.memory_space<vmem_shared>> -> memref<128x80xf32, #tpu.memory_space<vmem_shared>>
      %dma_wait3A_67 = arith.constant 0 : i32
      %dma_wait3A_68 = tpu.memref_slice %arg11[%add3A_43, %dma_wait3A_67] : memref<10240x80xf32, #tpu.memory_space<vmem_shared>> -> memref<128x80xf32, #tpu.memory_space<vmem_shared>>
      tpu.wait_dma2 semaphore(%run_scoped3A_60 : memref<!tpu.dma_semaphore, #tpu.memory_space<semaphore_mem>>) src(%dma_wait3A_68 : memref<128x80xf32, #tpu.memory_space<vmem_shared>>) dst(%arg10 : memref<128x80xf32, #tpu.memory_space<vmem>>)
      tpu.yield
    }) : () -> ()
    "tpu.region"() ({
      %run_scoped3A_60 = tpu.sem_alloc : memref<!tpu.dma_semaphore, #tpu.memory_space<semaphore_mem>>
      %dma_start3A_61 = arith.constant 0 : i32
      %dma_start3A_62 = tpu.memref_slice %arg5[%arg0, %add3A_43, %dma_start3A_61] : memref<2x10240x80xf32, #tpu.memory_space<hbm>> -> memref<1x128x80xf32, #tpu.memory_space<hbm>>
      %dma_start3A_63 = tpu.memref_squeeze %dma_start3A_62 : memref<1x128x80xf32, #tpu.memory_space<hbm>> -> memref<128x80xf32, #tpu.memory_space<hbm>>
      %dma_start3A_64 = arith.constant 0 : i32
      %dma_start3A_65 = tpu.memref_slice %arg5[%arg0, %add3A_43, %dma_start3A_64] : memref<2x10240x80xf32, #tpu.memory_space<hbm>> -> memref<1x128x80xf32, #tpu.memory_space<hbm>>
      %dma_start3A_66 = tpu.memref_squeeze %dma_start3A_65 : memref<1x128x80xf32, #tpu.memory_space<hbm>> -> memref<128x80xf32, #tpu.memory_space<hbm>>
      tpu.enqueue_dma source(%arg10 : memref<128x80xf32, #tpu.memory_space<vmem>>) target(%dma_start3A_66 : memref<128x80xf32, #tpu.memory_space<hbm>>) target_semaphore(%run_scoped3A_60 : memref<!tpu.dma_semaphore, #tpu.memory_space<semaphore_mem>>)
      %dma_wait3A_67 = arith.constant 0 : i32
      %dma_wait3A_68 = tpu.memref_slice %arg5[%arg0, %add3A_43, %dma_wait3A_67] : memref<2x10240x80xf32, #tpu.memory_space<hbm>> -> memref<1x128x80xf32, #tpu.memory_space<hbm>>
      %dma_wait3A_69 = tpu.memref_squeeze %dma_wait3A_68 : memref<1x128x80xf32, #tpu.memory_space<hbm>> -> memref<128x80xf32, #tpu.memory_space<hbm>>
      %dma_wait3A_70 = arith.constant 0 : i32
      %dma_wait3A_71 = tpu.memref_slice %arg5[%arg0, %add3A_43, %dma_wait3A_70] : memref<2x10240x80xf32, #tpu.memory_space<hbm>> -> memref<1x128x80xf32, #tpu.memory_space<hbm>>
      %dma_wait3A_72 = tpu.memref_squeeze %dma_wait3A_71 : memref<1x128x80xf32, #tpu.memory_space<hbm>> -> memref<128x80xf32, #tpu.memory_space<hbm>>
      tpu.wait_dma2 semaphore(%run_scoped3A_60 : memref<!tpu.dma_semaphore, #tpu.memory_space<semaphore_mem>>) src(%arg10 : memref<128x80xf32, #tpu.memory_space<vmem>>) dst(%dma_wait3A_72 : memref<128x80xf32, #tpu.memory_space<hbm>>)
      tpu.yield
    }) : () -> ()
    %mul3A_44 = arith.constant 640 : i32
    %mul3A_45 = arith.muli %arg1, %mul3A_44 : i32
    %add3A_46 = arith.constant 128 : i32
    %add3A_47 = arith.addi %mul3A_45, %add3A_46 : i32
    "tpu.region"() ({
      %run_scoped3A_60 = tpu.sem_alloc : memref<!tpu.dma_semaphore, #tpu.memory_space<semaphore_mem>>
      %dma_start3A_61 = arith.constant 0 : i32
      %dma_start3A_62 = tpu.memref_slice %arg11[%add3A_47, %dma_start3A_61] : memref<10240x80xf32, #tpu.memory_space<vmem_shared>> -> memref<128x80xf32, #tpu.memory_space<vmem_shared>>
      %dma_start3A_63 = arith.constant 0 : i32
      %dma_start3A_64 = tpu.memref_slice %arg11[%add3A_47, %dma_start3A_63] : memref<10240x80xf32, #tpu.memory_space<vmem_shared>> -> memref<128x80xf32, #tpu.memory_space<vmem_shared>>
      tpu.enqueue_dma source(%dma_start3A_64 : memref<128x80xf32, #tpu.memory_space<vmem_shared>>) target(%arg10 : memref<128x80xf32, #tpu.memory_space<vmem>>) target_semaphore(%run_scoped3A_60 : memref<!tpu.dma_semaphore, #tpu.memory_space<semaphore_mem>>)
      %dma_wait3A_65 = arith.constant 0 : i32
      %dma_wait3A_66 = tpu.memref_slice %arg11[%add3A_47, %dma_wait3A_65] : memref<10240x80xf32, #tpu.memory_space<vmem_shared>> -> memref<128x80xf32, #tpu.memory_space<vmem_shared>>
      %dma_wait3A_67 = arith.constant 0 : i32
      %dma_wait3A_68 = tpu.memref_slice %arg11[%add3A_47, %dma_wait3A_67] : memref<10240x80xf32, #tpu.memory_space<vmem_shared>> -> memref<128x80xf32, #tpu.memory_space<vmem_shared>>
      tpu.wait_dma2 semaphore(%run_scoped3A_60 : memref<!tpu.dma_semaphore, #tpu.memory_space<semaphore_mem>>) src(%dma_wait3A_68 : memref<128x80xf32, #tpu.memory_space<vmem_shared>>) dst(%arg10 : memref<128x80xf32, #tpu.memory_space<vmem>>)
      tpu.yield
    }) : () -> ()
    "tpu.region"() ({
      %run_scoped3A_60 = tpu.sem_alloc : memref<!tpu.dma_semaphore, #tpu.memory_space<semaphore_mem>>
      %dma_start3A_61 = arith.constant 0 : i32
      %dma_start3A_62 = tpu.memref_slice %arg5[%arg0, %add3A_47, %dma_start3A_61] : memref<2x10240x80xf32, #tpu.memory_space<hbm>> -> memref<1x128x80xf32, #tpu.memory_space<hbm>>
      %dma_start3A_63 = tpu.memref_squeeze %dma_start3A_62 : memref<1x128x80xf32, #tpu.memory_space<hbm>> -> memref<128x80xf32, #tpu.memory_space<hbm>>
      %dma_start3A_64 = arith.constant 0 : i32
      %dma_start3A_65 = tpu.memref_slice %arg5[%arg0, %add3A_47, %dma_start3A_64] : memref<2x10240x80xf32, #tpu.memory_space<hbm>> -> memref<1x128x80xf32, #tpu.memory_space<hbm>>
      %dma_start3A_66 = tpu.memref_squeeze %dma_start3A_65 : memref<1x128x80xf32, #tpu.memory_space<hbm>> -> memref<128x80xf32, #tpu.memory_space<hbm>>
      tpu.enqueue_dma source(%arg10 : memref<128x80xf32, #tpu.memory_space<vmem>>) target(%dma_start3A_66 : memref<128x80xf32, #tpu.memory_space<hbm>>) target_semaphore(%run_scoped3A_60 : memref<!tpu.dma_semaphore, #tpu.memory_space<semaphore_mem>>)
      %dma_wait3A_67 = arith.constant 0 : i32
      %dma_wait3A_68 = tpu.memref_slice %arg5[%arg0, %add3A_47, %dma_wait3A_67] : memref<2x10240x80xf32, #tpu.memory_space<hbm>> -> memref<1x128x80xf32, #tpu.memory_space<hbm>>
      %dma_wait3A_69 = tpu.memref_squeeze %dma_wait3A_68 : memref<1x128x80xf32, #tpu.memory_space<hbm>> -> memref<128x80xf32, #tpu.memory_space<hbm>>
      %dma_wait3A_70 = arith.constant 0 : i32
      %dma_wait3A_71 = tpu.memref_slice %arg5[%arg0, %add3A_47, %dma_wait3A_70] : memref<2x10240x80xf32, #tpu.memory_space<hbm>> -> memref<1x128x80xf32, #tpu.memory_space<hbm>>
      %dma_wait3A_72 = tpu.memref_squeeze %dma_wait3A_71 : memref<1x128x80xf32, #tpu.memory_space<hbm>> -> memref<128x80xf32, #tpu.memory_space<hbm>>
      tpu.wait_dma2 semaphore(%run_scoped3A_60 : memref<!tpu.dma_semaphore, #tpu.memory_space<semaphore_mem>>) src(%arg10 : memref<128x80xf32, #tpu.memory_space<vmem>>) dst(%dma_wait3A_72 : memref<128x80xf32, #tpu.memory_space<hbm>>)
      tpu.yield
    }) : () -> ()
    %mul3A_48 = arith.constant 640 : i32
    %mul3A_49 = arith.muli %arg1, %mul3A_48 : i32
    %add3A_50 = arith.constant 256 : i32
    %add3A_51 = arith.addi %mul3A_49, %add3A_50 : i32
    "tpu.region"() ({
      %run_scoped3A_60 = tpu.sem_alloc : memref<!tpu.dma_semaphore, #tpu.memory_space<semaphore_mem>>
      %dma_start3A_61 = arith.constant 0 : i32
      %dma_start3A_62 = tpu.memref_slice %arg11[%add3A_51, %dma_start3A_61] : memref<10240x80xf32, #tpu.memory_space<vmem_shared>> -> memref<128x80xf32, #tpu.memory_space<vmem_shared>>
      %dma_start3A_63 = arith.constant 0 : i32
      %dma_start3A_64 = tpu.memref_slice %arg11[%add3A_51, %dma_start3A_63] : memref<10240x80xf32, #tpu.memory_space<vmem_shared>> -> memref<128x80xf32, #tpu.memory_space<vmem_shared>>
      tpu.enqueue_dma source(%dma_start3A_64 : memref<128x80xf32, #tpu.memory_space<vmem_shared>>) target(%arg10 : memref<128x80xf32, #tpu.memory_space<vmem>>) target_semaphore(%run_scoped3A_60 : memref<!tpu.dma_semaphore, #tpu.memory_space<semaphore_mem>>)
      %dma_wait3A_65 = arith.constant 0 : i32
      %dma_wait3A_66 = tpu.memref_slice %arg11[%add3A_51, %dma_wait3A_65] : memref<10240x80xf32, #tpu.memory_space<vmem_shared>> -> memref<128x80xf32, #tpu.memory_space<vmem_shared>>
      %dma_wait3A_67 = arith.constant 0 : i32
      %dma_wait3A_68 = tpu.memref_slice %arg11[%add3A_51, %dma_wait3A_67] : memref<10240x80xf32, #tpu.memory_space<vmem_shared>> -> memref<128x80xf32, #tpu.memory_space<vmem_shared>>
      tpu.wait_dma2 semaphore(%run_scoped3A_60 : memref<!tpu.dma_semaphore, #tpu.memory_space<semaphore_mem>>) src(%dma_wait3A_68 : memref<128x80xf32, #tpu.memory_space<vmem_shared>>) dst(%arg10 : memref<128x80xf32, #tpu.memory_space<vmem>>)
      tpu.yield
    }) : () -> ()
    "tpu.region"() ({
      %run_scoped3A_60 = tpu.sem_alloc : memref<!tpu.dma_semaphore, #tpu.memory_space<semaphore_mem>>
      %dma_start3A_61 = arith.constant 0 : i32
      %dma_start3A_62 = tpu.memref_slice %arg5[%arg0, %add3A_51, %dma_start3A_61] : memref<2x10240x80xf32, #tpu.memory_space<hbm>> -> memref<1x128x80xf32, #tpu.memory_space<hbm>>
      %dma_start3A_63 = tpu.memref_squeeze %dma_start3A_62 : memref<1x128x80xf32, #tpu.memory_space<hbm>> -> memref<128x80xf32, #tpu.memory_space<hbm>>
      %dma_start3A_64 = arith.constant 0 : i32
      %dma_start3A_65 = tpu.memref_slice %arg5[%arg0, %add3A_51, %dma_start3A_64] : memref<2x10240x80xf32, #tpu.memory_space<hbm>> -> memref<1x128x80xf32, #tpu.memory_space<hbm>>
      %dma_start3A_66 = tpu.memref_squeeze %dma_start3A_65 : memref<1x128x80xf32, #tpu.memory_space<hbm>> -> memref<128x80xf32, #tpu.memory_space<hbm>>
      tpu.enqueue_dma source(%arg10 : memref<128x80xf32, #tpu.memory_space<vmem>>) target(%dma_start3A_66 : memref<128x80xf32, #tpu.memory_space<hbm>>) target_semaphore(%run_scoped3A_60 : memref<!tpu.dma_semaphore, #tpu.memory_space<semaphore_mem>>)
      %dma_wait3A_67 = arith.constant 0 : i32
      %dma_wait3A_68 = tpu.memref_slice %arg5[%arg0, %add3A_51, %dma_wait3A_67] : memref<2x10240x80xf32, #tpu.memory_space<hbm>> -> memref<1x128x80xf32, #tpu.memory_space<hbm>>
      %dma_wait3A_69 = tpu.memref_squeeze %dma_wait3A_68 : memref<1x128x80xf32, #tpu.memory_space<hbm>> -> memref<128x80xf32, #tpu.memory_space<hbm>>
      %dma_wait3A_70 = arith.constant 0 : i32
      %dma_wait3A_71 = tpu.memref_slice %arg5[%arg0, %add3A_51, %dma_wait3A_70] : memref<2x10240x80xf32, #tpu.memory_space<hbm>> -> memref<1x128x80xf32, #tpu.memory_space<hbm>>
      %dma_wait3A_72 = tpu.memref_squeeze %dma_wait3A_71 : memref<1x128x80xf32, #tpu.memory_space<hbm>> -> memref<128x80xf32, #tpu.memory_space<hbm>>
      tpu.wait_dma2 semaphore(%run_scoped3A_60 : memref<!tpu.dma_semaphore, #tpu.memory_space<semaphore_mem>>) src(%arg10 : memref<128x80xf32, #tpu.memory_space<vmem>>) dst(%dma_wait3A_72 : memref<128x80xf32, #tpu.memory_space<hbm>>)
      tpu.yield
    }) : () -> ()
    %mul3A_52 = arith.constant 640 : i32
    %mul3A_53 = arith.muli %arg1, %mul3A_52 : i32
    %add3A_54 = arith.constant 384 : i32
    %add3A_55 = arith.addi %mul3A_53, %add3A_54 : i32
    "tpu.region"() ({
      %run_scoped3A_60 = tpu.sem_alloc : memref<!tpu.dma_semaphore, #tpu.memory_space<semaphore_mem>>
      %dma_start3A_61 = arith.constant 0 : i32
      %dma_start3A_62 = tpu.memref_slice %arg11[%add3A_55, %dma_start3A_61] : memref<10240x80xf32, #tpu.memory_space<vmem_shared>> -> memref<128x80xf32, #tpu.memory_space<vmem_shared>>
      %dma_start3A_63 = arith.constant 0 : i32
      %dma_start3A_64 = tpu.memref_slice %arg11[%add3A_55, %dma_start3A_63] : memref<10240x80xf32, #tpu.memory_space<vmem_shared>> -> memref<128x80xf32, #tpu.memory_space<vmem_shared>>
      tpu.enqueue_dma source(%dma_start3A_64 : memref<128x80xf32, #tpu.memory_space<vmem_shared>>) target(%arg10 : memref<128x80xf32, #tpu.memory_space<vmem>>) target_semaphore(%run_scoped3A_60 : memref<!tpu.dma_semaphore, #tpu.memory_space<semaphore_mem>>)
      %dma_wait3A_65 = arith.constant 0 : i32
      %dma_wait3A_66 = tpu.memref_slice %arg11[%add3A_55, %dma_wait3A_65] : memref<10240x80xf32, #tpu.memory_space<vmem_shared>> -> memref<128x80xf32, #tpu.memory_space<vmem_shared>>
      %dma_wait3A_67 = arith.constant 0 : i32
      %dma_wait3A_68 = tpu.memref_slice %arg11[%add3A_55, %dma_wait3A_67] : memref<10240x80xf32, #tpu.memory_space<vmem_shared>> -> memref<128x80xf32, #tpu.memory_space<vmem_shared>>
      tpu.wait_dma2 semaphore(%run_scoped3A_60 : memref<!tpu.dma_semaphore, #tpu.memory_space<semaphore_mem>>) src(%dma_wait3A_68 : memref<128x80xf32, #tpu.memory_space<vmem_shared>>) dst(%arg10 : memref<128x80xf32, #tpu.memory_space<vmem>>)
      tpu.yield
    }) : () -> ()
    "tpu.region"() ({
      %run_scoped3A_60 = tpu.sem_alloc : memref<!tpu.dma_semaphore, #tpu.memory_space<semaphore_mem>>
      %dma_start3A_61 = arith.constant 0 : i32
      %dma_start3A_62 = tpu.memref_slice %arg5[%arg0, %add3A_55, %dma_start3A_61] : memref<2x10240x80xf32, #tpu.memory_space<hbm>> -> memref<1x128x80xf32, #tpu.memory_space<hbm>>
      %dma_start3A_63 = tpu.memref_squeeze %dma_start3A_62 : memref<1x128x80xf32, #tpu.memory_space<hbm>> -> memref<128x80xf32, #tpu.memory_space<hbm>>
      %dma_start3A_64 = arith.constant 0 : i32
      %dma_start3A_65 = tpu.memref_slice %arg5[%arg0, %add3A_55, %dma_start3A_64] : memref<2x10240x80xf32, #tpu.memory_space<hbm>> -> memref<1x128x80xf32, #tpu.memory_space<hbm>>
      %dma_start3A_66 = tpu.memref_squeeze %dma_start3A_65 : memref<1x128x80xf32, #tpu.memory_space<hbm>> -> memref<128x80xf32, #tpu.memory_space<hbm>>
      tpu.enqueue_dma source(%arg10 : memref<128x80xf32, #tpu.memory_space<vmem>>) target(%dma_start3A_66 : memref<128x80xf32, #tpu.memory_space<hbm>>) target_semaphore(%run_scoped3A_60 : memref<!tpu.dma_semaphore, #tpu.memory_space<semaphore_mem>>)
      %dma_wait3A_67 = arith.constant 0 : i32
      %dma_wait3A_68 = tpu.memref_slice %arg5[%arg0, %add3A_55, %dma_wait3A_67] : memref<2x10240x80xf32, #tpu.memory_space<hbm>> -> memref<1x128x80xf32, #tpu.memory_space<hbm>>
      %dma_wait3A_69 = tpu.memref_squeeze %dma_wait3A_68 : memref<1x128x80xf32, #tpu.memory_space<hbm>> -> memref<128x80xf32, #tpu.memory_space<hbm>>
      %dma_wait3A_70 = arith.constant 0 : i32
      %dma_wait3A_71 = tpu.memref_slice %arg5[%arg0, %add3A_55, %dma_wait3A_70] : memref<2x10240x80xf32, #tpu.memory_space<hbm>> -> memref<1x128x80xf32, #tpu.memory_space<hbm>>
      %dma_wait3A_72 = tpu.memref_squeeze %dma_wait3A_71 : memref<1x128x80xf32, #tpu.memory_space<hbm>> -> memref<128x80xf32, #tpu.memory_space<hbm>>
      tpu.wait_dma2 semaphore(%run_scoped3A_60 : memref<!tpu.dma_semaphore, #tpu.memory_space<semaphore_mem>>) src(%arg10 : memref<128x80xf32, #tpu.memory_space<vmem>>) dst(%dma_wait3A_72 : memref<128x80xf32, #tpu.memory_space<hbm>>)
      tpu.yield
    }) : () -> ()
    %mul3A_56 = arith.constant 640 : i32
    %mul3A_57 = arith.muli %arg1, %mul3A_56 : i32
    %add3A_58 = arith.constant 512 : i32
    %add3A_59 = arith.addi %mul3A_57, %add3A_58 : i32
    "tpu.region"() ({
      %run_scoped3A_60 = tpu.sem_alloc : memref<!tpu.dma_semaphore, #tpu.memory_space<semaphore_mem>>
      %dma_start3A_61 = arith.constant 0 : i32
      %dma_start3A_62 = tpu.memref_slice %arg11[%add3A_59, %dma_start3A_61] : memref<10240x80xf32, #tpu.memory_space<vmem_shared>> -> memref<128x80xf32, #tpu.memory_space<vmem_shared>>
      %dma_start3A_63 = arith.constant 0 : i32
      %dma_start3A_64 = tpu.memref_slice %arg11[%add3A_59, %dma_start3A_63] : memref<10240x80xf32, #tpu.memory_space<vmem_shared>> -> memref<128x80xf32, #tpu.memory_space<vmem_shared>>
      tpu.enqueue_dma source(%dma_start3A_64 : memref<128x80xf32, #tpu.memory_space<vmem_shared>>) target(%arg10 : memref<128x80xf32, #tpu.memory_space<vmem>>) target_semaphore(%run_scoped3A_60 : memref<!tpu.dma_semaphore, #tpu.memory_space<semaphore_mem>>)
      %dma_wait3A_65 = arith.constant 0 : i32
      %dma_wait3A_66 = tpu.memref_slice %arg11[%add3A_59, %dma_wait3A_65] : memref<10240x80xf32, #tpu.memory_space<vmem_shared>> -> memref<128x80xf32, #tpu.memory_space<vmem_shared>>
      %dma_wait3A_67 = arith.constant 0 : i32
      %dma_wait3A_68 = tpu.memref_slice %arg11[%add3A_59, %dma_wait3A_67] : memref<10240x80xf32, #tpu.memory_space<vmem_shared>> -> memref<128x80xf32, #tpu.memory_space<vmem_shared>>
      tpu.wait_dma2 semaphore(%run_scoped3A_60 : memref<!tpu.dma_semaphore, #tpu.memory_space<semaphore_mem>>) src(%dma_wait3A_68 : memref<128x80xf32, #tpu.memory_space<vmem_shared>>) dst(%arg10 : memref<128x80xf32, #tpu.memory_space<vmem>>)
      tpu.yield
    }) : () -> ()
    "tpu.region"() ({
      %run_scoped3A_60 = tpu.sem_alloc : memref<!tpu.dma_semaphore, #tpu.memory_space<semaphore_mem>>
      %dma_start3A_61 = arith.constant 0 : i32
      %dma_start3A_62 = tpu.memref_slice %arg5[%arg0, %add3A_59, %dma_start3A_61] : memref<2x10240x80xf32, #tpu.memory_space<hbm>> -> memref<1x128x80xf32, #tpu.memory_space<hbm>>
      %dma_start3A_63 = tpu.memref_squeeze %dma_start3A_62 : memref<1x128x80xf32, #tpu.memory_space<hbm>> -> memref<128x80xf32, #tpu.memory_space<hbm>>
      %dma_start3A_64 = arith.constant 0 : i32
      %dma_start3A_65 = tpu.memref_slice %arg5[%arg0, %add3A_59, %dma_start3A_64] : memref<2x10240x80xf32, #tpu.memory_space<hbm>> -> memref<1x128x80xf32, #tpu.memory_space<hbm>>
      %dma_start3A_66 = tpu.memref_squeeze %dma_start3A_65 : memref<1x128x80xf32, #tpu.memory_space<hbm>> -> memref<128x80xf32, #tpu.memory_space<hbm>>
      tpu.enqueue_dma source(%arg10 : memref<128x80xf32, #tpu.memory_space<vmem>>) target(%dma_start3A_66 : memref<128x80xf32, #tpu.memory_space<hbm>>) target_semaphore(%run_scoped3A_60 : memref<!tpu.dma_semaphore, #tpu.memory_space<semaphore_mem>>)
      %dma_wait3A_67 = arith.constant 0 : i32
      %dma_wait3A_68 = tpu.memref_slice %arg5[%arg0, %add3A_59, %dma_wait3A_67] : memref<2x10240x80xf32, #tpu.memory_space<hbm>> -> memref<1x128x80xf32, #tpu.memory_space<hbm>>
      %dma_wait3A_69 = tpu.memref_squeeze %dma_wait3A_68 : memref<1x128x80xf32, #tpu.memory_space<hbm>> -> memref<128x80xf32, #tpu.memory_space<hbm>>
      %dma_wait3A_70 = arith.constant 0 : i32
      %dma_wait3A_71 = tpu.memref_slice %arg5[%arg0, %add3A_59, %dma_wait3A_70] : memref<2x10240x80xf32, #tpu.memory_space<hbm>> -> memref<1x128x80xf32, #tpu.memory_space<hbm>>
      %dma_wait3A_72 = tpu.memref_squeeze %dma_wait3A_71 : memref<1x128x80xf32, #tpu.memory_space<hbm>> -> memref<128x80xf32, #tpu.memory_space<hbm>>
      tpu.wait_dma2 semaphore(%run_scoped3A_60 : memref<!tpu.dma_semaphore, #tpu.memory_space<semaphore_mem>>) src(%arg10 : memref<128x80xf32, #tpu.memory_space<vmem>>) dst(%dma_wait3A_72 : memref<128x80xf32, #tpu.memory_space<hbm>>)
      tpu.yield
    }) : () -> ()
    return
  }
}

#map = affine_map<(d0, d1) -> (0, 0)>
#map1 = affine_map<(d0, d1) -> (0, 0, 0)>
module attributes {stable_mosaic.version = 14 : i64} {
  func.func @gat(%arg0: i32, %arg1: i32, %arg2: memref<10000x32xbf16, #tpu.memory_space<hbm>>, %arg3: memref<2x100352xi32, #tpu.memory_space<hbm>>, %arg4: memref<2x100352x32xbf16, #tpu.memory_space<hbm>>, %arg5: memref<6272xi32, #tpu.memory_space<vmem>>, %arg6: memref<112x32xbf16, #tpu.memory_space<vmem>>, %arg7: memref<112x32xbf16, #tpu.memory_space<vmem>>, %arg8: memref<!tpu.dma_semaphore, #tpu.memory_space<semaphore_mem>>, %arg9: memref<!tpu.dma_semaphore, #tpu.memory_space<semaphore_mem>>, %arg10: memref<!tpu.dma_semaphore, #tpu.memory_space<semaphore_mem>>, %arg11: memref<!tpu.dma_semaphore, #tpu.memory_space<semaphore_mem>>) attributes {dimension_semantics = [#tpu.dimension_semantics<core_parallel>, #tpu.dimension_semantics<subcore_parallel>], iteration_bounds = array<i64: 2, 16>, scalar_prefetch = 0 : i64, scratch_operands = 7 : i64, tpu.core_type = #tpu.core_type<sc_vector_subcore>, window_params = [{transform_indices = #map}, {transform_indices = #map}, {transform_indices = #map1}]} {
    %mul3A = arith.constant 2 : i32
    %mul3A_0 = arith.muli %arg1, %mul3A : i32
    %add3A = arith.addi %mul3A_0, %arg0 : i32
    %mul3A_1 = arith.constant 3136 : i32
    %mul3A_2 = arith.muli %add3A, %mul3A_1 : i32
    %run_scoped3A = arith.constant 0 : i32
    "tpu.region"() ({
      %run_scoped3A_23 = tpu.sem_alloc : memref<!tpu.dma_semaphore, #tpu.memory_space<semaphore_mem>>
      %dma_start3A_24 = arith.constant 0 : i32
      %dma_start3A_25 = tpu.memref_slice %arg5[%dma_start3A_24] : memref<6272xi32, #tpu.memory_space<vmem>> -> memref<3136xi32, #tpu.memory_space<vmem>>
      %dma_start3A_26 = tpu.memref_slice %arg3[%run_scoped3A, %mul3A_2] : memref<2x100352xi32, #tpu.memory_space<hbm>> -> memref<1x3136xi32, #tpu.memory_space<hbm>>
      %dma_start3A_27 = tpu.memref_squeeze %dma_start3A_26 : memref<1x3136xi32, #tpu.memory_space<hbm>> -> memref<3136xi32, #tpu.memory_space<hbm>>
      %dma_start3A_28 = arith.constant 0 : i32
      %dma_start3A_29 = tpu.memref_slice %arg5[%dma_start3A_28] : memref<6272xi32, #tpu.memory_space<vmem>> -> memref<3136xi32, #tpu.memory_space<vmem>>
      %dma_start3A_30 = tpu.memref_slice %arg3[%run_scoped3A, %mul3A_2] : memref<2x100352xi32, #tpu.memory_space<hbm>> -> memref<1x3136xi32, #tpu.memory_space<hbm>>
      %dma_start3A_31 = tpu.memref_squeeze %dma_start3A_30 : memref<1x3136xi32, #tpu.memory_space<hbm>> -> memref<3136xi32, #tpu.memory_space<hbm>>
      tpu.enqueue_dma source(%dma_start3A_31 : memref<3136xi32, #tpu.memory_space<hbm>>) target(%dma_start3A_29 : memref<3136xi32, #tpu.memory_space<vmem>>) target_semaphore(%run_scoped3A_23 : memref<!tpu.dma_semaphore, #tpu.memory_space<semaphore_mem>>)
      %dma_wait3A_32 = arith.constant 0 : i32
      %dma_wait3A_33 = tpu.memref_slice %arg5[%dma_wait3A_32] : memref<6272xi32, #tpu.memory_space<vmem>> -> memref<3136xi32, #tpu.memory_space<vmem>>
      %dma_wait3A_34 = tpu.memref_slice %arg3[%run_scoped3A, %mul3A_2] : memref<2x100352xi32, #tpu.memory_space<hbm>> -> memref<1x3136xi32, #tpu.memory_space<hbm>>
      %dma_wait3A_35 = tpu.memref_squeeze %dma_wait3A_34 : memref<1x3136xi32, #tpu.memory_space<hbm>> -> memref<3136xi32, #tpu.memory_space<hbm>>
      %dma_wait3A_36 = arith.constant 0 : i32
      %dma_wait3A_37 = tpu.memref_slice %arg5[%dma_wait3A_36] : memref<6272xi32, #tpu.memory_space<vmem>> -> memref<3136xi32, #tpu.memory_space<vmem>>
      %dma_wait3A_38 = tpu.memref_slice %arg3[%run_scoped3A, %mul3A_2] : memref<2x100352xi32, #tpu.memory_space<hbm>> -> memref<1x3136xi32, #tpu.memory_space<hbm>>
      %dma_wait3A_39 = tpu.memref_squeeze %dma_wait3A_38 : memref<1x3136xi32, #tpu.memory_space<hbm>> -> memref<3136xi32, #tpu.memory_space<hbm>>
      tpu.wait_dma2 semaphore(%run_scoped3A_23 : memref<!tpu.dma_semaphore, #tpu.memory_space<semaphore_mem>>) src(%dma_wait3A_39 : memref<3136xi32, #tpu.memory_space<hbm>>) dst(%dma_wait3A_37 : memref<3136xi32, #tpu.memory_space<vmem>>)
      tpu.yield
    }) : () -> ()
    %mul3A_3 = arith.constant 3136 : i32
    %mul3A_4 = arith.muli %add3A, %mul3A_3 : i32
    %run_scoped3A_5 = arith.constant 1 : i32
    "tpu.region"() ({
      %run_scoped3A_23 = tpu.sem_alloc : memref<!tpu.dma_semaphore, #tpu.memory_space<semaphore_mem>>
      %dma_start3A_24 = arith.constant 3136 : i32
      %dma_start3A_25 = tpu.memref_slice %arg5[%dma_start3A_24] : memref<6272xi32, #tpu.memory_space<vmem>> -> memref<3136xi32, #tpu.memory_space<vmem>>
      %dma_start3A_26 = tpu.memref_slice %arg3[%run_scoped3A_5, %mul3A_4] : memref<2x100352xi32, #tpu.memory_space<hbm>> -> memref<1x3136xi32, #tpu.memory_space<hbm>>
      %dma_start3A_27 = tpu.memref_squeeze %dma_start3A_26 : memref<1x3136xi32, #tpu.memory_space<hbm>> -> memref<3136xi32, #tpu.memory_space<hbm>>
      %dma_start3A_28 = arith.constant 3136 : i32
      %dma_start3A_29 = tpu.memref_slice %arg5[%dma_start3A_28] : memref<6272xi32, #tpu.memory_space<vmem>> -> memref<3136xi32, #tpu.memory_space<vmem>>
      %dma_start3A_30 = tpu.memref_slice %arg3[%run_scoped3A_5, %mul3A_4] : memref<2x100352xi32, #tpu.memory_space<hbm>> -> memref<1x3136xi32, #tpu.memory_space<hbm>>
      %dma_start3A_31 = tpu.memref_squeeze %dma_start3A_30 : memref<1x3136xi32, #tpu.memory_space<hbm>> -> memref<3136xi32, #tpu.memory_space<hbm>>
      tpu.enqueue_dma source(%dma_start3A_31 : memref<3136xi32, #tpu.memory_space<hbm>>) target(%dma_start3A_29 : memref<3136xi32, #tpu.memory_space<vmem>>) target_semaphore(%run_scoped3A_23 : memref<!tpu.dma_semaphore, #tpu.memory_space<semaphore_mem>>)
      %dma_wait3A_32 = arith.constant 3136 : i32
      %dma_wait3A_33 = tpu.memref_slice %arg5[%dma_wait3A_32] : memref<6272xi32, #tpu.memory_space<vmem>> -> memref<3136xi32, #tpu.memory_space<vmem>>
      %dma_wait3A_34 = tpu.memref_slice %arg3[%run_scoped3A_5, %mul3A_4] : memref<2x100352xi32, #tpu.memory_space<hbm>> -> memref<1x3136xi32, #tpu.memory_space<hbm>>
      %dma_wait3A_35 = tpu.memref_squeeze %dma_wait3A_34 : memref<1x3136xi32, #tpu.memory_space<hbm>> -> memref<3136xi32, #tpu.memory_space<hbm>>
      %dma_wait3A_36 = arith.constant 3136 : i32
      %dma_wait3A_37 = tpu.memref_slice %arg5[%dma_wait3A_36] : memref<6272xi32, #tpu.memory_space<vmem>> -> memref<3136xi32, #tpu.memory_space<vmem>>
      %dma_wait3A_38 = tpu.memref_slice %arg3[%run_scoped3A_5, %mul3A_4] : memref<2x100352xi32, #tpu.memory_space<hbm>> -> memref<1x3136xi32, #tpu.memory_space<hbm>>
      %dma_wait3A_39 = tpu.memref_squeeze %dma_wait3A_38 : memref<1x3136xi32, #tpu.memory_space<hbm>> -> memref<3136xi32, #tpu.memory_space<hbm>>
      tpu.wait_dma2 semaphore(%run_scoped3A_23 : memref<!tpu.dma_semaphore, #tpu.memory_space<semaphore_mem>>) src(%dma_wait3A_39 : memref<3136xi32, #tpu.memory_space<hbm>>) dst(%dma_wait3A_37 : memref<3136xi32, #tpu.memory_space<vmem>>)
      tpu.yield
    }) : () -> ()
    %dma_start3A = arith.constant 0 : i32
    %dma_start3A_6 = tpu.memref_slice %arg5[%dma_start3A] : memref<6272xi32, #tpu.memory_space<vmem>> -> memref<112xi32, #tpu.memory_space<vmem>>
    %dma_start3A_7 = arith.constant 0 : i32
    %dma_start3A_8 = arith.constant 0 : i32
    %dma_start3A_9 = tpu.memref_slice %arg2[%dma_start3A_7, %dma_start3A_8] : memref<10000x32xbf16, #tpu.memory_space<hbm>> -> memref<10000x32xbf16, #tpu.memory_space<hbm>>
    tpu.enqueue_indirect_dma source(%dma_start3A_9 : memref<10000x32xbf16, #tpu.memory_space<hbm>>) target(%arg6 : memref<112x32xbf16, #tpu.memory_space<vmem>>) offsets(%dma_start3A_6 : memref<112xi32, #tpu.memory_space<vmem>>) semaphore(%arg8 : memref<!tpu.dma_semaphore, #tpu.memory_space<semaphore_mem>>)
    %scan3A = arith.constant 0 : i32
    %scan3A_10 = arith.constant 0 : i32
    %scan3A_11 = arith.constant 28 : i32
    %scan3A_12 = arith.addi %scan3A_10, %scan3A_11 : i32
    %scan3A_13 = arith.constant 1 : i32
    scf.for %scan3A_23 = %scan3A_10 to %scan3A_12 step %scan3A_13  : i32 {
      %mul3A_24 = arith.constant 2 : i32
      %mul3A_25 = arith.muli %mul3A_24, %scan3A_23 : i32
      %gt3A = arith.constant 0 : i32
      %gt3A_26 = arith.cmpi sgt, %scan3A_23, %gt3A : i32
      %convert_element_type3A = arith.extui %gt3A_26 : i1 to i32
      %cond3A = arith.constant 0 : i32
      %cond3A_27 = arith.cmpi ne, %convert_element_type3A, %cond3A : i32
      scf.if %cond3A_27 {
        %dma_wait3A_129 = arith.constant 0 : i32
        %dma_wait3A_130 = arith.constant 0 : i32
        %dma_wait3A_131 = arith.constant 0 : i32
        %dma_wait3A_132 = tpu.memref_slice %arg4[%dma_wait3A_129, %dma_wait3A_130, %dma_wait3A_131] : memref<2x100352x32xbf16, #tpu.memory_space<hbm>> -> memref<1x112x32xbf16, #tpu.memory_space<hbm>>
        %dma_wait3A_133 = tpu.memref_squeeze %dma_wait3A_132 : memref<1x112x32xbf16, #tpu.memory_space<hbm>> -> memref<112x32xbf16, #tpu.memory_space<hbm>>
        %dma_wait3A_134 = arith.constant 0 : i32
        %dma_wait3A_135 = arith.constant 0 : i32
        %dma_wait3A_136 = tpu.memref_slice %arg4[%dma_wait3A_129, %dma_wait3A_134, %dma_wait3A_135] : memref<2x100352x32xbf16, #tpu.memory_space<hbm>> -> memref<1x112x32xbf16, #tpu.memory_space<hbm>>
        %dma_wait3A_137 = tpu.memref_squeeze %dma_wait3A_136 : memref<1x112x32xbf16, #tpu.memory_space<hbm>> -> memref<112x32xbf16, #tpu.memory_space<hbm>>
        tpu.wait_dma2 semaphore(%arg11 : memref<!tpu.dma_semaphore, #tpu.memory_space<semaphore_mem>>) src(%arg7 : memref<112x32xbf16, #tpu.memory_space<vmem>>) dst(%dma_wait3A_137 : memref<112x32xbf16, #tpu.memory_space<hbm>>)
      } else {
      }
      %dma_wait3A_28 = arith.constant 0 : i32
      %dma_wait3A_29 = tpu.memref_slice %arg5[%dma_wait3A_28] : memref<6272xi32, #tpu.memory_space<vmem>> -> memref<112xi32, #tpu.memory_space<vmem>>
      %dma_wait3A_30 = arith.constant 0 : i32
      %dma_wait3A_31 = arith.constant 0 : i32
      %dma_wait3A_32 = tpu.memref_slice %arg2[%dma_wait3A_30, %dma_wait3A_31] : memref<10000x32xbf16, #tpu.memory_space<hbm>> -> memref<10000x32xbf16, #tpu.memory_space<hbm>>
      tpu.wait_indirect_dma semaphore(%arg8 : memref<!tpu.dma_semaphore, #tpu.memory_space<semaphore_mem>>) src(%dma_wait3A_32 : memref<10000x32xbf16, #tpu.memory_space<hbm>>) dst(%arg6 : memref<112x32xbf16, #tpu.memory_space<vmem>>)
      %add3A_33 = arith.constant 1 : i32
      %add3A_34 = arith.addi %mul3A_25, %add3A_33 : i32
      %mul3A_35 = arith.constant 112 : i32
      %mul3A_36 = arith.muli %add3A_34, %mul3A_35 : i32
      %dma_start3A_37 = tpu.memref_slice %arg5[%mul3A_36] : memref<6272xi32, #tpu.memory_space<vmem>> -> memref<112xi32, #tpu.memory_space<vmem>>
      %dma_start3A_38 = arith.constant 0 : i32
      %dma_start3A_39 = arith.constant 0 : i32
      %dma_start3A_40 = tpu.memref_slice %arg2[%dma_start3A_38, %dma_start3A_39] : memref<10000x32xbf16, #tpu.memory_space<hbm>> -> memref<10000x32xbf16, #tpu.memory_space<hbm>>
      tpu.enqueue_indirect_dma source(%dma_start3A_40 : memref<10000x32xbf16, #tpu.memory_space<hbm>>) target(%arg7 : memref<112x32xbf16, #tpu.memory_space<vmem>>) offsets(%dma_start3A_37 : memref<112xi32, #tpu.memory_space<vmem>>) semaphore(%arg9 : memref<!tpu.dma_semaphore, #tpu.memory_space<semaphore_mem>>)
      %jit3A = arith.constant 28 : i32
      %div3A = arith.divsi %mul3A_25, %jit3A : i32
      %sign3A = arith.constant 0 : i32
      %sign3A_41 = arith.cmpi sgt, %mul3A_25, %sign3A : i32
      %sign3A_42 = arith.extui %sign3A_41 : i1 to i32
      %sign3A_43 = arith.constant 0 : i32
      %sign3A_44 = arith.cmpi slt, %mul3A_25, %sign3A_43 : i32
      %sign3A_45 = arith.extui %sign3A_44 : i1 to i32
      %sign3A_46 = arith.subi %sign3A_42, %sign3A_45 : i32
      %sign3A_47 = arith.constant 0 : i32
      %sign3A_48 = arith.cmpi sgt, %jit3A, %sign3A_47 : i32
      %sign3A_49 = arith.extui %sign3A_48 : i1 to i32
      %sign3A_50 = arith.constant 0 : i32
      %sign3A_51 = arith.cmpi slt, %jit3A, %sign3A_50 : i32
      %sign3A_52 = arith.extui %sign3A_51 : i1 to i32
      %sign3A_53 = arith.subi %sign3A_49, %sign3A_52 : i32
      %ne3A = arith.cmpi ne, %sign3A_46, %sign3A_53 : i32
      %rem3A = arith.remsi %mul3A_25, %jit3A : i32
      %ne3A_54 = arith.constant 0 : i32
      %ne3A_55 = arith.cmpi ne, %rem3A, %ne3A_54 : i32
      %and3A = arith.andi %ne3A, %ne3A_55 : i1
      %sub3A = arith.constant 1 : i32
      %sub3A_56 = arith.subi %div3A, %sub3A : i32
      %select_n3A = arith.select %and3A, %sub3A_56, %div3A : i32
      %mul3A_57 = arith.constant 3136 : i32
      %mul3A_58 = arith.muli %add3A, %mul3A_57 : i32
      %mul3A_59 = arith.constant 28 : i32
      %mul3A_60 = arith.muli %select_n3A, %mul3A_59 : i32
      %sub3A_61 = arith.subi %mul3A_25, %mul3A_60 : i32
      %mul3A_62 = arith.constant 112 : i32
      %mul3A_63 = arith.muli %sub3A_61, %mul3A_62 : i32
      %add3A_64 = arith.addi %mul3A_58, %mul3A_63 : i32
      %dma_start3A_65 = arith.constant 0 : i32
      %dma_start3A_66 = tpu.memref_slice %arg4[%select_n3A, %add3A_64, %dma_start3A_65] : memref<2x100352x32xbf16, #tpu.memory_space<hbm>> -> memref<1x112x32xbf16, #tpu.memory_space<hbm>>
      %dma_start3A_67 = tpu.memref_squeeze %dma_start3A_66 : memref<1x112x32xbf16, #tpu.memory_space<hbm>> -> memref<112x32xbf16, #tpu.memory_space<hbm>>
      %dma_start3A_68 = arith.constant 0 : i32
      %dma_start3A_69 = tpu.memref_slice %arg4[%select_n3A, %add3A_64, %dma_start3A_68] : memref<2x100352x32xbf16, #tpu.memory_space<hbm>> -> memref<1x112x32xbf16, #tpu.memory_space<hbm>>
      %dma_start3A_70 = tpu.memref_squeeze %dma_start3A_69 : memref<1x112x32xbf16, #tpu.memory_space<hbm>> -> memref<112x32xbf16, #tpu.memory_space<hbm>>
      tpu.enqueue_dma source(%arg6 : memref<112x32xbf16, #tpu.memory_space<vmem>>) target(%dma_start3A_70 : memref<112x32xbf16, #tpu.memory_space<hbm>>) target_semaphore(%arg10 : memref<!tpu.dma_semaphore, #tpu.memory_space<semaphore_mem>>)
      %dma_wait3A_71 = arith.constant 0 : i32
      %dma_wait3A_72 = arith.constant 0 : i32
      %dma_wait3A_73 = arith.constant 0 : i32
      %dma_wait3A_74 = tpu.memref_slice %arg4[%dma_wait3A_71, %dma_wait3A_72, %dma_wait3A_73] : memref<2x100352x32xbf16, #tpu.memory_space<hbm>> -> memref<1x112x32xbf16, #tpu.memory_space<hbm>>
      %dma_wait3A_75 = tpu.memref_squeeze %dma_wait3A_74 : memref<1x112x32xbf16, #tpu.memory_space<hbm>> -> memref<112x32xbf16, #tpu.memory_space<hbm>>
      %dma_wait3A_76 = arith.constant 0 : i32
      %dma_wait3A_77 = arith.constant 0 : i32
      %dma_wait3A_78 = tpu.memref_slice %arg4[%dma_wait3A_71, %dma_wait3A_76, %dma_wait3A_77] : memref<2x100352x32xbf16, #tpu.memory_space<hbm>> -> memref<1x112x32xbf16, #tpu.memory_space<hbm>>
      %dma_wait3A_79 = tpu.memref_squeeze %dma_wait3A_78 : memref<1x112x32xbf16, #tpu.memory_space<hbm>> -> memref<112x32xbf16, #tpu.memory_space<hbm>>
      tpu.wait_dma2 semaphore(%arg10 : memref<!tpu.dma_semaphore, #tpu.memory_space<semaphore_mem>>) src(%arg6 : memref<112x32xbf16, #tpu.memory_space<vmem>>) dst(%dma_wait3A_79 : memref<112x32xbf16, #tpu.memory_space<hbm>>)
      %lt3A = arith.constant 27 : i32
      %lt3A_80 = arith.cmpi slt, %scan3A_23, %lt3A : i32
      %convert_element_type3A_81 = arith.extui %lt3A_80 : i1 to i32
      %cond3A_82 = arith.constant 0 : i32
      %cond3A_83 = arith.cmpi ne, %convert_element_type3A_81, %cond3A_82 : i32
      scf.if %cond3A_83 {
        %add3A_129 = arith.constant 2 : i32
        %add3A_130 = arith.addi %mul3A_25, %add3A_129 : i32
        %mul3A_131 = arith.constant 112 : i32
        %mul3A_132 = arith.muli %add3A_130, %mul3A_131 : i32
        %dma_start3A_133 = tpu.memref_slice %arg5[%mul3A_132] : memref<6272xi32, #tpu.memory_space<vmem>> -> memref<112xi32, #tpu.memory_space<vmem>>
        %dma_start3A_134 = arith.constant 0 : i32
        %dma_start3A_135 = arith.constant 0 : i32
        %dma_start3A_136 = tpu.memref_slice %arg2[%dma_start3A_134, %dma_start3A_135] : memref<10000x32xbf16, #tpu.memory_space<hbm>> -> memref<10000x32xbf16, #tpu.memory_space<hbm>>
        tpu.enqueue_indirect_dma source(%dma_start3A_136 : memref<10000x32xbf16, #tpu.memory_space<hbm>>) target(%arg6 : memref<112x32xbf16, #tpu.memory_space<vmem>>) offsets(%dma_start3A_133 : memref<112xi32, #tpu.memory_space<vmem>>) semaphore(%arg8 : memref<!tpu.dma_semaphore, #tpu.memory_space<semaphore_mem>>)
      } else {
      }
      %dma_wait3A_84 = arith.constant 0 : i32
      %dma_wait3A_85 = tpu.memref_slice %arg5[%dma_wait3A_84] : memref<6272xi32, #tpu.memory_space<vmem>> -> memref<112xi32, #tpu.memory_space<vmem>>
      %dma_wait3A_86 = arith.constant 0 : i32
      %dma_wait3A_87 = arith.constant 0 : i32
      %dma_wait3A_88 = tpu.memref_slice %arg2[%dma_wait3A_86, %dma_wait3A_87] : memref<10000x32xbf16, #tpu.memory_space<hbm>> -> memref<10000x32xbf16, #tpu.memory_space<hbm>>
      tpu.wait_indirect_dma semaphore(%arg9 : memref<!tpu.dma_semaphore, #tpu.memory_space<semaphore_mem>>) src(%dma_wait3A_88 : memref<10000x32xbf16, #tpu.memory_space<hbm>>) dst(%arg7 : memref<112x32xbf16, #tpu.memory_space<vmem>>)
      %add3A_89 = arith.constant 1 : i32
      %add3A_90 = arith.addi %mul3A_25, %add3A_89 : i32
      %jit3A_91 = arith.constant 28 : i32
      %div3A_92 = arith.divsi %add3A_90, %jit3A_91 : i32
      %sign3A_93 = arith.constant 0 : i32
      %sign3A_94 = arith.cmpi sgt, %add3A_90, %sign3A_93 : i32
      %sign3A_95 = arith.extui %sign3A_94 : i1 to i32
      %sign3A_96 = arith.constant 0 : i32
      %sign3A_97 = arith.cmpi slt, %add3A_90, %sign3A_96 : i32
      %sign3A_98 = arith.extui %sign3A_97 : i1 to i32
      %sign3A_99 = arith.subi %sign3A_95, %sign3A_98 : i32
      %sign3A_100 = arith.constant 0 : i32
      %sign3A_101 = arith.cmpi sgt, %jit3A_91, %sign3A_100 : i32
      %sign3A_102 = arith.extui %sign3A_101 : i1 to i32
      %sign3A_103 = arith.constant 0 : i32
      %sign3A_104 = arith.cmpi slt, %jit3A_91, %sign3A_103 : i32
      %sign3A_105 = arith.extui %sign3A_104 : i1 to i32
      %sign3A_106 = arith.subi %sign3A_102, %sign3A_105 : i32
      %ne3A_107 = arith.cmpi ne, %sign3A_99, %sign3A_106 : i32
      %rem3A_108 = arith.remsi %add3A_90, %jit3A_91 : i32
      %ne3A_109 = arith.constant 0 : i32
      %ne3A_110 = arith.cmpi ne, %rem3A_108, %ne3A_109 : i32
      %and3A_111 = arith.andi %ne3A_107, %ne3A_110 : i1
      %sub3A_112 = arith.constant 1 : i32
      %sub3A_113 = arith.subi %div3A_92, %sub3A_112 : i32
      %select_n3A_114 = arith.select %and3A_111, %sub3A_113, %div3A_92 : i32
      %mul3A_115 = arith.constant 3136 : i32
      %mul3A_116 = arith.muli %add3A, %mul3A_115 : i32
      %mul3A_117 = arith.constant 28 : i32
      %mul3A_118 = arith.muli %select_n3A_114, %mul3A_117 : i32
      %sub3A_119 = arith.subi %add3A_90, %mul3A_118 : i32
      %mul3A_120 = arith.constant 112 : i32
      %mul3A_121 = arith.muli %sub3A_119, %mul3A_120 : i32
      %add3A_122 = arith.addi %mul3A_116, %mul3A_121 : i32
      %dma_start3A_123 = arith.constant 0 : i32
      %dma_start3A_124 = tpu.memref_slice %arg4[%select_n3A_114, %add3A_122, %dma_start3A_123] : memref<2x100352x32xbf16, #tpu.memory_space<hbm>> -> memref<1x112x32xbf16, #tpu.memory_space<hbm>>
      %dma_start3A_125 = tpu.memref_squeeze %dma_start3A_124 : memref<1x112x32xbf16, #tpu.memory_space<hbm>> -> memref<112x32xbf16, #tpu.memory_space<hbm>>
      %dma_start3A_126 = arith.constant 0 : i32
      %dma_start3A_127 = tpu.memref_slice %arg4[%select_n3A_114, %add3A_122, %dma_start3A_126] : memref<2x100352x32xbf16, #tpu.memory_space<hbm>> -> memref<1x112x32xbf16, #tpu.memory_space<hbm>>
      %dma_start3A_128 = tpu.memref_squeeze %dma_start3A_127 : memref<1x112x32xbf16, #tpu.memory_space<hbm>> -> memref<112x32xbf16, #tpu.memory_space<hbm>>
      tpu.enqueue_dma source(%arg7 : memref<112x32xbf16, #tpu.memory_space<vmem>>) target(%dma_start3A_128 : memref<112x32xbf16, #tpu.memory_space<hbm>>) target_semaphore(%arg11 : memref<!tpu.dma_semaphore, #tpu.memory_space<semaphore_mem>>)
    }
    %scan3A_14 = arith.constant 28 : i32
    %dma_wait3A = arith.constant 0 : i32
    %dma_wait3A_15 = arith.constant 0 : i32
    %dma_wait3A_16 = arith.constant 0 : i32
    %dma_wait3A_17 = tpu.memref_slice %arg4[%dma_wait3A, %dma_wait3A_15, %dma_wait3A_16] : memref<2x100352x32xbf16, #tpu.memory_space<hbm>> -> memref<1x112x32xbf16, #tpu.memory_space<hbm>>
    %dma_wait3A_18 = tpu.memref_squeeze %dma_wait3A_17 : memref<1x112x32xbf16, #tpu.memory_space<hbm>> -> memref<112x32xbf16, #tpu.memory_space<hbm>>
    %dma_wait3A_19 = arith.constant 0 : i32
    %dma_wait3A_20 = arith.constant 0 : i32
    %dma_wait3A_21 = tpu.memref_slice %arg4[%dma_wait3A, %dma_wait3A_19, %dma_wait3A_20] : memref<2x100352x32xbf16, #tpu.memory_space<hbm>> -> memref<1x112x32xbf16, #tpu.memory_space<hbm>>
    %dma_wait3A_22 = tpu.memref_squeeze %dma_wait3A_21 : memref<1x112x32xbf16, #tpu.memory_space<hbm>> -> memref<112x32xbf16, #tpu.memory_space<hbm>>
    tpu.wait_dma2 semaphore(%arg11 : memref<!tpu.dma_semaphore, #tpu.memory_space<semaphore_mem>>) src(%arg7 : memref<112x32xbf16, #tpu.memory_space<vmem>>) dst(%dma_wait3A_22 : memref<112x32xbf16, #tpu.memory_space<hbm>>)
    return
  }
}

#map = affine_map<(d0, d1) -> (0, 0)>
#map1 = affine_map<(d0, d1) -> (0, 0, 0, 0)>
#map2 = affine_map<(d0, d1) -> (0, 0, 0)>
module attributes {stable_mosaic.version = 14 : i64} {
  func.func @seg(%arg0: i32, %arg1: i32, %arg2: memref<10000x32xf32, #tpu.memory_space<hbm>>, %arg3: memref<2x32x80x125xi32, #tpu.memory_space<hbm>>, %arg4: memref<128x32xf32, #tpu.memory_space<hbm>>, %arg5: memref<2x10240x32xf32, #tpu.memory_space<hbm>>, %arg6: memref<80x125xi32, #tpu.memory_space<vmem>>, %arg7: memref<80x125xi32, #tpu.memory_space<vmem>>, %arg8: memref<125x32xf32, #tpu.memory_space<vmem>>, %arg9: memref<125x32xf32, #tpu.memory_space<vmem>>, %arg10: memref<128x32xf32, #tpu.memory_space<vmem>>, %arg11: memref<10240x32xf32, #tpu.memory_space<vmem_shared>>, %arg12: memref<!tpu.dma_semaphore, #tpu.memory_space<semaphore_mem>>, %arg13: memref<!tpu.dma_semaphore, #tpu.memory_space<semaphore_mem>>, %arg14: memref<!tpu.dma_semaphore, #tpu.memory_space<semaphore_mem>>, %arg15: memref<!tpu.dma_semaphore, #tpu.memory_space<semaphore_mem>>) attributes {dimension_semantics = [#tpu.dimension_semantics<core_parallel>, #tpu.dimension_semantics<subcore_parallel>], iteration_bounds = array<i64: 2, 16>, scalar_prefetch = 0 : i64, scratch_operands = 10 : i64, tpu.core_type = #tpu.core_type<sc_vector_subcore>, window_params = [{transform_indices = #map}, {transform_indices = #map1}, {transform_indices = #map}, {transform_indices = #map2}]} {
    %mul3A = arith.constant 2 : i32
    %mul3A_0 = arith.muli %arg1, %mul3A : i32
    %add3A = arith.addi %mul3A_0, %arg0 : i32
    "tpu.region"() ({
      %run_scoped3A_60 = tpu.sem_alloc : memref<!tpu.dma_semaphore, #tpu.memory_space<semaphore_mem>>
      tpu.enqueue_dma source(%arg4 : memref<128x32xf32, #tpu.memory_space<hbm>>) target(%arg10 : memref<128x32xf32, #tpu.memory_space<vmem>>) target_semaphore(%run_scoped3A_60 : memref<!tpu.dma_semaphore, #tpu.memory_space<semaphore_mem>>)
      tpu.wait_dma2 semaphore(%run_scoped3A_60 : memref<!tpu.dma_semaphore, #tpu.memory_space<semaphore_mem>>) src(%arg4 : memref<128x32xf32, #tpu.memory_space<hbm>>) dst(%arg10 : memref<128x32xf32, #tpu.memory_space<vmem>>)
      tpu.yield
    }) : () -> ()
    %mul3A_1 = arith.constant 640 : i32
    %mul3A_2 = arith.muli %arg1, %mul3A_1 : i32
    %add3A_3 = arith.constant 0 : i32
    %add3A_4 = arith.addi %mul3A_2, %add3A_3 : i32
    "tpu.region"() ({
      %run_scoped3A_60 = tpu.sem_alloc : memref<!tpu.dma_semaphore, #tpu.memory_space<semaphore_mem>>
      %dma_start3A_61 = arith.constant 0 : i32
      %dma_start3A_62 = tpu.memref_slice %arg11[%add3A_4, %dma_start3A_61] : memref<10240x32xf32, #tpu.memory_space<vmem_shared>> -> memref<128x32xf32, #tpu.memory_space<vmem_shared>>
      %dma_start3A_63 = arith.constant 0 : i32
      %dma_start3A_64 = tpu.memref_slice %arg11[%add3A_4, %dma_start3A_63] : memref<10240x32xf32, #tpu.memory_space<vmem_shared>> -> memref<128x32xf32, #tpu.memory_space<vmem_shared>>
      tpu.enqueue_dma source(%arg10 : memref<128x32xf32, #tpu.memory_space<vmem>>) target(%dma_start3A_64 : memref<128x32xf32, #tpu.memory_space<vmem_shared>>) target_semaphore(%run_scoped3A_60 : memref<!tpu.dma_semaphore, #tpu.memory_space<semaphore_mem>>)
      %dma_wait3A_65 = arith.constant 0 : i32
      %dma_wait3A_66 = tpu.memref_slice %arg11[%add3A_4, %dma_wait3A_65] : memref<10240x32xf32, #tpu.memory_space<vmem_shared>> -> memref<128x32xf32, #tpu.memory_space<vmem_shared>>
      %dma_wait3A_67 = arith.constant 0 : i32
      %dma_wait3A_68 = tpu.memref_slice %arg11[%add3A_4, %dma_wait3A_67] : memref<10240x32xf32, #tpu.memory_space<vmem_shared>> -> memref<128x32xf32, #tpu.memory_space<vmem_shared>>
      tpu.wait_dma2 semaphore(%run_scoped3A_60 : memref<!tpu.dma_semaphore, #tpu.memory_space<semaphore_mem>>) src(%arg10 : memref<128x32xf32, #tpu.memory_space<vmem>>) dst(%dma_wait3A_68 : memref<128x32xf32, #tpu.memory_space<vmem_shared>>)
      tpu.yield
    }) : () -> ()
    %mul3A_5 = arith.constant 640 : i32
    %mul3A_6 = arith.muli %arg1, %mul3A_5 : i32
    %add3A_7 = arith.constant 128 : i32
    %add3A_8 = arith.addi %mul3A_6, %add3A_7 : i32
    "tpu.region"() ({
      %run_scoped3A_60 = tpu.sem_alloc : memref<!tpu.dma_semaphore, #tpu.memory_space<semaphore_mem>>
      %dma_start3A_61 = arith.constant 0 : i32
      %dma_start3A_62 = tpu.memref_slice %arg11[%add3A_8, %dma_start3A_61] : memref<10240x32xf32, #tpu.memory_space<vmem_shared>> -> memref<128x32xf32, #tpu.memory_space<vmem_shared>>
      %dma_start3A_63 = arith.constant 0 : i32
      %dma_start3A_64 = tpu.memref_slice %arg11[%add3A_8, %dma_start3A_63] : memref<10240x32xf32, #tpu.memory_space<vmem_shared>> -> memref<128x32xf32, #tpu.memory_space<vmem_shared>>
      tpu.enqueue_dma source(%arg10 : memref<128x32xf32, #tpu.memory_space<vmem>>) target(%dma_start3A_64 : memref<128x32xf32, #tpu.memory_space<vmem_shared>>) target_semaphore(%run_scoped3A_60 : memref<!tpu.dma_semaphore, #tpu.memory_space<semaphore_mem>>)
      %dma_wait3A_65 = arith.constant 0 : i32
      %dma_wait3A_66 = tpu.memref_slice %arg11[%add3A_8, %dma_wait3A_65] : memref<10240x32xf32, #tpu.memory_space<vmem_shared>> -> memref<128x32xf32, #tpu.memory_space<vmem_shared>>
      %dma_wait3A_67 = arith.constant 0 : i32
      %dma_wait3A_68 = tpu.memref_slice %arg11[%add3A_8, %dma_wait3A_67] : memref<10240x32xf32, #tpu.memory_space<vmem_shared>> -> memref<128x32xf32, #tpu.memory_space<vmem_shared>>
      tpu.wait_dma2 semaphore(%run_scoped3A_60 : memref<!tpu.dma_semaphore, #tpu.memory_space<semaphore_mem>>) src(%arg10 : memref<128x32xf32, #tpu.memory_space<vmem>>) dst(%dma_wait3A_68 : memref<128x32xf32, #tpu.memory_space<vmem_shared>>)
      tpu.yield
    }) : () -> ()
    %mul3A_9 = arith.constant 640 : i32
    %mul3A_10 = arith.muli %arg1, %mul3A_9 : i32
    %add3A_11 = arith.constant 256 : i32
    %add3A_12 = arith.addi %mul3A_10, %add3A_11 : i32
    "tpu.region"() ({
      %run_scoped3A_60 = tpu.sem_alloc : memref<!tpu.dma_semaphore, #tpu.memory_space<semaphore_mem>>
      %dma_start3A_61 = arith.constant 0 : i32
      %dma_start3A_62 = tpu.memref_slice %arg11[%add3A_12, %dma_start3A_61] : memref<10240x32xf32, #tpu.memory_space<vmem_shared>> -> memref<128x32xf32, #tpu.memory_space<vmem_shared>>
      %dma_start3A_63 = arith.constant 0 : i32
      %dma_start3A_64 = tpu.memref_slice %arg11[%add3A_12, %dma_start3A_63] : memref<10240x32xf32, #tpu.memory_space<vmem_shared>> -> memref<128x32xf32, #tpu.memory_space<vmem_shared>>
      tpu.enqueue_dma source(%arg10 : memref<128x32xf32, #tpu.memory_space<vmem>>) target(%dma_start3A_64 : memref<128x32xf32, #tpu.memory_space<vmem_shared>>) target_semaphore(%run_scoped3A_60 : memref<!tpu.dma_semaphore, #tpu.memory_space<semaphore_mem>>)
      %dma_wait3A_65 = arith.constant 0 : i32
      %dma_wait3A_66 = tpu.memref_slice %arg11[%add3A_12, %dma_wait3A_65] : memref<10240x32xf32, #tpu.memory_space<vmem_shared>> -> memref<128x32xf32, #tpu.memory_space<vmem_shared>>
      %dma_wait3A_67 = arith.constant 0 : i32
      %dma_wait3A_68 = tpu.memref_slice %arg11[%add3A_12, %dma_wait3A_67] : memref<10240x32xf32, #tpu.memory_space<vmem_shared>> -> memref<128x32xf32, #tpu.memory_space<vmem_shared>>
      tpu.wait_dma2 semaphore(%run_scoped3A_60 : memref<!tpu.dma_semaphore, #tpu.memory_space<semaphore_mem>>) src(%arg10 : memref<128x32xf32, #tpu.memory_space<vmem>>) dst(%dma_wait3A_68 : memref<128x32xf32, #tpu.memory_space<vmem_shared>>)
      tpu.yield
    }) : () -> ()
    %mul3A_13 = arith.constant 640 : i32
    %mul3A_14 = arith.muli %arg1, %mul3A_13 : i32
    %add3A_15 = arith.constant 384 : i32
    %add3A_16 = arith.addi %mul3A_14, %add3A_15 : i32
    "tpu.region"() ({
      %run_scoped3A_60 = tpu.sem_alloc : memref<!tpu.dma_semaphore, #tpu.memory_space<semaphore_mem>>
      %dma_start3A_61 = arith.constant 0 : i32
      %dma_start3A_62 = tpu.memref_slice %arg11[%add3A_16, %dma_start3A_61] : memref<10240x32xf32, #tpu.memory_space<vmem_shared>> -> memref<128x32xf32, #tpu.memory_space<vmem_shared>>
      %dma_start3A_63 = arith.constant 0 : i32
      %dma_start3A_64 = tpu.memref_slice %arg11[%add3A_16, %dma_start3A_63] : memref<10240x32xf32, #tpu.memory_space<vmem_shared>> -> memref<128x32xf32, #tpu.memory_space<vmem_shared>>
      tpu.enqueue_dma source(%arg10 : memref<128x32xf32, #tpu.memory_space<vmem>>) target(%dma_start3A_64 : memref<128x32xf32, #tpu.memory_space<vmem_shared>>) target_semaphore(%run_scoped3A_60 : memref<!tpu.dma_semaphore, #tpu.memory_space<semaphore_mem>>)
      %dma_wait3A_65 = arith.constant 0 : i32
      %dma_wait3A_66 = tpu.memref_slice %arg11[%add3A_16, %dma_wait3A_65] : memref<10240x32xf32, #tpu.memory_space<vmem_shared>> -> memref<128x32xf32, #tpu.memory_space<vmem_shared>>
      %dma_wait3A_67 = arith.constant 0 : i32
      %dma_wait3A_68 = tpu.memref_slice %arg11[%add3A_16, %dma_wait3A_67] : memref<10240x32xf32, #tpu.memory_space<vmem_shared>> -> memref<128x32xf32, #tpu.memory_space<vmem_shared>>
      tpu.wait_dma2 semaphore(%run_scoped3A_60 : memref<!tpu.dma_semaphore, #tpu.memory_space<semaphore_mem>>) src(%arg10 : memref<128x32xf32, #tpu.memory_space<vmem>>) dst(%dma_wait3A_68 : memref<128x32xf32, #tpu.memory_space<vmem_shared>>)
      tpu.yield
    }) : () -> ()
    %mul3A_17 = arith.constant 640 : i32
    %mul3A_18 = arith.muli %arg1, %mul3A_17 : i32
    %add3A_19 = arith.constant 512 : i32
    %add3A_20 = arith.addi %mul3A_18, %add3A_19 : i32
    "tpu.region"() ({
      %run_scoped3A_60 = tpu.sem_alloc : memref<!tpu.dma_semaphore, #tpu.memory_space<semaphore_mem>>
      %dma_start3A_61 = arith.constant 0 : i32
      %dma_start3A_62 = tpu.memref_slice %arg11[%add3A_20, %dma_start3A_61] : memref<10240x32xf32, #tpu.memory_space<vmem_shared>> -> memref<128x32xf32, #tpu.memory_space<vmem_shared>>
      %dma_start3A_63 = arith.constant 0 : i32
      %dma_start3A_64 = tpu.memref_slice %arg11[%add3A_20, %dma_start3A_63] : memref<10240x32xf32, #tpu.memory_space<vmem_shared>> -> memref<128x32xf32, #tpu.memory_space<vmem_shared>>
      tpu.enqueue_dma source(%arg10 : memref<128x32xf32, #tpu.memory_space<vmem>>) target(%dma_start3A_64 : memref<128x32xf32, #tpu.memory_space<vmem_shared>>) target_semaphore(%run_scoped3A_60 : memref<!tpu.dma_semaphore, #tpu.memory_space<semaphore_mem>>)
      %dma_wait3A_65 = arith.constant 0 : i32
      %dma_wait3A_66 = tpu.memref_slice %arg11[%add3A_20, %dma_wait3A_65] : memref<10240x32xf32, #tpu.memory_space<vmem_shared>> -> memref<128x32xf32, #tpu.memory_space<vmem_shared>>
      %dma_wait3A_67 = arith.constant 0 : i32
      %dma_wait3A_68 = tpu.memref_slice %arg11[%add3A_20, %dma_wait3A_67] : memref<10240x32xf32, #tpu.memory_space<vmem_shared>> -> memref<128x32xf32, #tpu.memory_space<vmem_shared>>
      tpu.wait_dma2 semaphore(%run_scoped3A_60 : memref<!tpu.dma_semaphore, #tpu.memory_space<semaphore_mem>>) src(%arg10 : memref<128x32xf32, #tpu.memory_space<vmem>>) dst(%dma_wait3A_68 : memref<128x32xf32, #tpu.memory_space<vmem_shared>>)
      tpu.yield
    }) : () -> ()
    %run_scoped3A = arith.constant 0 : i32
    "tpu.region"() ({
      %run_scoped3A_60 = tpu.sem_alloc : memref<!tpu.dma_semaphore, #tpu.memory_space<semaphore_mem>>
      %dma_start3A_61 = arith.constant 0 : i32
      %dma_start3A_62 = arith.constant 0 : i32
      %dma_start3A_63 = tpu.memref_slice %arg3[%run_scoped3A, %add3A, %dma_start3A_61, %dma_start3A_62] : memref<2x32x80x125xi32, #tpu.memory_space<hbm>> -> memref<1x1x80x125xi32, #tpu.memory_space<hbm>>
      %dma_start3A_64 = tpu.memref_squeeze %dma_start3A_63 : memref<1x1x80x125xi32, #tpu.memory_space<hbm>> -> memref<80x125xi32, #tpu.memory_space<hbm>>
      %dma_start3A_65 = arith.constant 0 : i32
      %dma_start3A_66 = arith.constant 0 : i32
      %dma_start3A_67 = tpu.memref_slice %arg3[%run_scoped3A, %add3A, %dma_start3A_65, %dma_start3A_66] : memref<2x32x80x125xi32, #tpu.memory_space<hbm>> -> memref<1x1x80x125xi32, #tpu.memory_space<hbm>>
      %dma_start3A_68 = tpu.memref_squeeze %dma_start3A_67 : memref<1x1x80x125xi32, #tpu.memory_space<hbm>> -> memref<80x125xi32, #tpu.memory_space<hbm>>
      tpu.enqueue_dma source(%dma_start3A_68 : memref<80x125xi32, #tpu.memory_space<hbm>>) target(%arg6 : memref<80x125xi32, #tpu.memory_space<vmem>>) target_semaphore(%run_scoped3A_60 : memref<!tpu.dma_semaphore, #tpu.memory_space<semaphore_mem>>)
      %dma_wait3A_69 = arith.constant 0 : i32
      %dma_wait3A_70 = arith.constant 0 : i32
      %dma_wait3A_71 = tpu.memref_slice %arg3[%run_scoped3A, %add3A, %dma_wait3A_69, %dma_wait3A_70] : memref<2x32x80x125xi32, #tpu.memory_space<hbm>> -> memref<1x1x80x125xi32, #tpu.memory_space<hbm>>
      %dma_wait3A_72 = tpu.memref_squeeze %dma_wait3A_71 : memref<1x1x80x125xi32, #tpu.memory_space<hbm>> -> memref<80x125xi32, #tpu.memory_space<hbm>>
      %dma_wait3A_73 = arith.constant 0 : i32
      %dma_wait3A_74 = arith.constant 0 : i32
      %dma_wait3A_75 = tpu.memref_slice %arg3[%run_scoped3A, %add3A, %dma_wait3A_73, %dma_wait3A_74] : memref<2x32x80x125xi32, #tpu.memory_space<hbm>> -> memref<1x1x80x125xi32, #tpu.memory_space<hbm>>
      %dma_wait3A_76 = tpu.memref_squeeze %dma_wait3A_75 : memref<1x1x80x125xi32, #tpu.memory_space<hbm>> -> memref<80x125xi32, #tpu.memory_space<hbm>>
      tpu.wait_dma2 semaphore(%run_scoped3A_60 : memref<!tpu.dma_semaphore, #tpu.memory_space<semaphore_mem>>) src(%dma_wait3A_76 : memref<80x125xi32, #tpu.memory_space<hbm>>) dst(%arg6 : memref<80x125xi32, #tpu.memory_space<vmem>>)
      tpu.yield
    }) : () -> ()
    %run_scoped3A_21 = arith.constant 1 : i32
    "tpu.region"() ({
      %run_scoped3A_60 = tpu.sem_alloc : memref<!tpu.dma_semaphore, #tpu.memory_space<semaphore_mem>>
      %dma_start3A_61 = arith.constant 0 : i32
      %dma_start3A_62 = arith.constant 0 : i32
      %dma_start3A_63 = tpu.memref_slice %arg3[%run_scoped3A_21, %add3A, %dma_start3A_61, %dma_start3A_62] : memref<2x32x80x125xi32, #tpu.memory_space<hbm>> -> memref<1x1x80x125xi32, #tpu.memory_space<hbm>>
      %dma_start3A_64 = tpu.memref_squeeze %dma_start3A_63 : memref<1x1x80x125xi32, #tpu.memory_space<hbm>> -> memref<80x125xi32, #tpu.memory_space<hbm>>
      %dma_start3A_65 = arith.constant 0 : i32
      %dma_start3A_66 = arith.constant 0 : i32
      %dma_start3A_67 = tpu.memref_slice %arg3[%run_scoped3A_21, %add3A, %dma_start3A_65, %dma_start3A_66] : memref<2x32x80x125xi32, #tpu.memory_space<hbm>> -> memref<1x1x80x125xi32, #tpu.memory_space<hbm>>
      %dma_start3A_68 = tpu.memref_squeeze %dma_start3A_67 : memref<1x1x80x125xi32, #tpu.memory_space<hbm>> -> memref<80x125xi32, #tpu.memory_space<hbm>>
      tpu.enqueue_dma source(%dma_start3A_68 : memref<80x125xi32, #tpu.memory_space<hbm>>) target(%arg7 : memref<80x125xi32, #tpu.memory_space<vmem>>) target_semaphore(%run_scoped3A_60 : memref<!tpu.dma_semaphore, #tpu.memory_space<semaphore_mem>>)
      %dma_wait3A_69 = arith.constant 0 : i32
      %dma_wait3A_70 = arith.constant 0 : i32
      %dma_wait3A_71 = tpu.memref_slice %arg3[%run_scoped3A_21, %add3A, %dma_wait3A_69, %dma_wait3A_70] : memref<2x32x80x125xi32, #tpu.memory_space<hbm>> -> memref<1x1x80x125xi32, #tpu.memory_space<hbm>>
      %dma_wait3A_72 = tpu.memref_squeeze %dma_wait3A_71 : memref<1x1x80x125xi32, #tpu.memory_space<hbm>> -> memref<80x125xi32, #tpu.memory_space<hbm>>
      %dma_wait3A_73 = arith.constant 0 : i32
      %dma_wait3A_74 = arith.constant 0 : i32
      %dma_wait3A_75 = tpu.memref_slice %arg3[%run_scoped3A_21, %add3A, %dma_wait3A_73, %dma_wait3A_74] : memref<2x32x80x125xi32, #tpu.memory_space<hbm>> -> memref<1x1x80x125xi32, #tpu.memory_space<hbm>>
      %dma_wait3A_76 = tpu.memref_squeeze %dma_wait3A_75 : memref<1x1x80x125xi32, #tpu.memory_space<hbm>> -> memref<80x125xi32, #tpu.memory_space<hbm>>
      tpu.wait_dma2 semaphore(%run_scoped3A_60 : memref<!tpu.dma_semaphore, #tpu.memory_space<semaphore_mem>>) src(%dma_wait3A_76 : memref<80x125xi32, #tpu.memory_space<hbm>>) dst(%arg7 : memref<80x125xi32, #tpu.memory_space<vmem>>)
      tpu.yield
    }) : () -> ()
    %barrier3A = arith.constant 0 : index
    tpu.barrier barrier_id(%barrier3A)
    %dma_start3A = arith.constant 0 : i32
    %dma_start3A_22 = arith.constant 0 : i32
    %dma_start3A_23 = tpu.memref_slice %arg6[%dma_start3A, %dma_start3A_22] : memref<80x125xi32, #tpu.memory_space<vmem>> -> memref<1x125xi32, #tpu.memory_space<vmem>>
    %dma_start3A_24 = tpu.memref_squeeze %dma_start3A_23 : memref<1x125xi32, #tpu.memory_space<vmem>> -> memref<125xi32, #tpu.memory_space<vmem>>
    %dma_start3A_25 = arith.constant 0 : i32
    %dma_start3A_26 = arith.constant 0 : i32
    %dma_start3A_27 = tpu.memref_slice %arg2[%dma_start3A_25, %dma_start3A_26] : memref<10000x32xf32, #tpu.memory_space<hbm>> -> memref<10000x32xf32, #tpu.memory_space<hbm>>
    tpu.enqueue_indirect_dma source(%dma_start3A_27 : memref<10000x32xf32, #tpu.memory_space<hbm>>) target(%arg8 : memref<125x32xf32, #tpu.memory_space<vmem>>) offsets(%dma_start3A_24 : memref<125xi32, #tpu.memory_space<vmem>>) semaphore(%arg12 : memref<!tpu.dma_semaphore, #tpu.memory_space<semaphore_mem>>)
    %scan3A = arith.constant 0 : i32
    %scan3A_28 = arith.constant 0 : i32
    %scan3A_29 = arith.constant 40 : i32
    %scan3A_30 = arith.addi %scan3A_28, %scan3A_29 : i32
    %scan3A_31 = arith.constant 1 : i32
    scf.for %scan3A_60 = %scan3A_28 to %scan3A_30 step %scan3A_31  : i32 {
      %mul3A_61 = arith.constant 2 : i32
      %mul3A_62 = arith.muli %mul3A_61, %scan3A_60 : i32
      %gt3A = arith.constant 0 : i32
      %gt3A_63 = arith.cmpi sgt, %scan3A_60, %gt3A : i32
      %convert_element_type3A = arith.extui %gt3A_63 : i1 to i32
      %cond3A = arith.constant 0 : i32
      %cond3A_64 = arith.cmpi ne, %convert_element_type3A, %cond3A : i32
      scf.if %cond3A_64 {
        %dma_wait3A_112 = arith.constant 0 : i32
        %dma_wait3A_113 = arith.constant 0 : i32
        %dma_wait3A_114 = tpu.memref_slice %arg7[%dma_wait3A_112, %dma_wait3A_113] : memref<80x125xi32, #tpu.memory_space<vmem>> -> memref<1x125xi32, #tpu.memory_space<vmem>>
        %dma_wait3A_115 = tpu.memref_squeeze %dma_wait3A_114 : memref<1x125xi32, #tpu.memory_space<vmem>> -> memref<125xi32, #tpu.memory_space<vmem>>
        %dma_wait3A_116 = arith.constant 0 : i32
        %dma_wait3A_117 = arith.constant 0 : i32
        %dma_wait3A_118 = tpu.memref_slice %arg11[%dma_wait3A_116, %dma_wait3A_117] : memref<10240x32xf32, #tpu.memory_space<vmem_shared>> -> memref<10240x32xf32, #tpu.memory_space<vmem_shared>>
        tpu.wait_indirect_dma semaphore(%arg15 : memref<!tpu.dma_semaphore, #tpu.memory_space<semaphore_mem>>) src(%arg9 : memref<125x32xf32, #tpu.memory_space<vmem>>) dst(%dma_wait3A_118 : memref<10240x32xf32, #tpu.memory_space<vmem_shared>>)
      } else {
      }
      %dma_wait3A_65 = arith.constant 0 : i32
      %dma_wait3A_66 = arith.constant 0 : i32
      %dma_wait3A_67 = tpu.memref_slice %arg6[%dma_wait3A_65, %dma_wait3A_66] : memref<80x125xi32, #tpu.memory_space<vmem>> -> memref<1x125xi32, #tpu.memory_space<vmem>>
      %dma_wait3A_68 = tpu.memref_squeeze %dma_wait3A_67 : memref<1x125xi32, #tpu.memory_space<vmem>> -> memref<125xi32, #tpu.memory_space<vmem>>
      %dma_wait3A_69 = arith.constant 0 : i32
      %dma_wait3A_70 = arith.constant 0 : i32
      %dma_wait3A_71 = tpu.memref_slice %arg2[%dma_wait3A_69, %dma_wait3A_70] : memref<10000x32xf32, #tpu.memory_space<hbm>> -> memref<10000x32xf32, #tpu.memory_space<hbm>>
      tpu.wait_indirect_dma semaphore(%arg12 : memref<!tpu.dma_semaphore, #tpu.memory_space<semaphore_mem>>) src(%dma_wait3A_71 : memref<10000x32xf32, #tpu.memory_space<hbm>>) dst(%arg8 : memref<125x32xf32, #tpu.memory_space<vmem>>)
      %add3A_72 = arith.constant 1 : i32
      %add3A_73 = arith.addi %mul3A_62, %add3A_72 : i32
      %dma_start3A_74 = arith.constant 0 : i32
      %dma_start3A_75 = tpu.memref_slice %arg6[%add3A_73, %dma_start3A_74] : memref<80x125xi32, #tpu.memory_space<vmem>> -> memref<1x125xi32, #tpu.memory_space<vmem>>
      %dma_start3A_76 = tpu.memref_squeeze %dma_start3A_75 : memref<1x125xi32, #tpu.memory_space<vmem>> -> memref<125xi32, #tpu.memory_space<vmem>>
      %dma_start3A_77 = arith.constant 0 : i32
      %dma_start3A_78 = arith.constant 0 : i32
      %dma_start3A_79 = tpu.memref_slice %arg2[%dma_start3A_77, %dma_start3A_78] : memref<10000x32xf32, #tpu.memory_space<hbm>> -> memref<10000x32xf32, #tpu.memory_space<hbm>>
      tpu.enqueue_indirect_dma source(%dma_start3A_79 : memref<10000x32xf32, #tpu.memory_space<hbm>>) target(%arg9 : memref<125x32xf32, #tpu.memory_space<vmem>>) offsets(%dma_start3A_76 : memref<125xi32, #tpu.memory_space<vmem>>) semaphore(%arg13 : memref<!tpu.dma_semaphore, #tpu.memory_space<semaphore_mem>>)
      %dma_start3A_80 = arith.constant 0 : i32
      %dma_start3A_81 = tpu.memref_slice %arg7[%mul3A_62, %dma_start3A_80] : memref<80x125xi32, #tpu.memory_space<vmem>> -> memref<1x125xi32, #tpu.memory_space<vmem>>
      %dma_start3A_82 = tpu.memref_squeeze %dma_start3A_81 : memref<1x125xi32, #tpu.memory_space<vmem>> -> memref<125xi32, #tpu.memory_space<vmem>>
      %dma_start3A_83 = arith.constant 0 : i32
      %dma_start3A_84 = arith.constant 0 : i32
      %dma_start3A_85 = tpu.memref_slice %arg11[%dma_start3A_83, %dma_start3A_84] : memref<10240x32xf32, #tpu.memory_space<vmem_shared>> -> memref<10240x32xf32, #tpu.memory_space<vmem_shared>>
      tpu.enqueue_indirect_dma source(%arg8 : memref<125x32xf32, #tpu.memory_space<vmem>>) target(%dma_start3A_85 : memref<10240x32xf32, #tpu.memory_space<vmem_shared>>) offsets(%dma_start3A_82 : memref<125xi32, #tpu.memory_space<vmem>>) semaphore(%arg14 : memref<!tpu.dma_semaphore, #tpu.memory_space<semaphore_mem>>) {add = true}
      %dma_wait3A_86 = arith.constant 0 : i32
      %dma_wait3A_87 = arith.constant 0 : i32
      %dma_wait3A_88 = tpu.memref_slice %arg7[%dma_wait3A_86, %dma_wait3A_87] : memref<80x125xi32, #tpu.memory_space<vmem>> -> memref<1x125xi32, #tpu.memory_space<vmem>>
      %dma_wait3A_89 = tpu.memref_squeeze %dma_wait3A_88 : memref<1x125xi32, #tpu.memory_space<vmem>> -> memref<125xi32, #tpu.memory_space<vmem>>
      %dma_wait3A_90 = arith.constant 0 : i32
      %dma_wait3A_91 = arith.constant 0 : i32
      %dma_wait3A_92 = tpu.memref_slice %arg11[%dma_wait3A_90, %dma_wait3A_91] : memref<10240x32xf32, #tpu.memory_space<vmem_shared>> -> memref<10240x32xf32, #tpu.memory_space<vmem_shared>>
      tpu.wait_indirect_dma semaphore(%arg14 : memref<!tpu.dma_semaphore, #tpu.memory_space<semaphore_mem>>) src(%arg8 : memref<125x32xf32, #tpu.memory_space<vmem>>) dst(%dma_wait3A_92 : memref<10240x32xf32, #tpu.memory_space<vmem_shared>>)
      %lt3A = arith.constant 39 : i32
      %lt3A_93 = arith.cmpi slt, %scan3A_60, %lt3A : i32
      %convert_element_type3A_94 = arith.extui %lt3A_93 : i1 to i32
      %cond3A_95 = arith.constant 0 : i32
      %cond3A_96 = arith.cmpi ne, %convert_element_type3A_94, %cond3A_95 : i32
      scf.if %cond3A_96 {
        %add3A_112 = arith.constant 2 : i32
        %add3A_113 = arith.addi %mul3A_62, %add3A_112 : i32
        %dma_start3A_114 = arith.constant 0 : i32
        %dma_start3A_115 = tpu.memref_slice %arg6[%add3A_113, %dma_start3A_114] : memref<80x125xi32, #tpu.memory_space<vmem>> -> memref<1x125xi32, #tpu.memory_space<vmem>>
        %dma_start3A_116 = tpu.memref_squeeze %dma_start3A_115 : memref<1x125xi32, #tpu.memory_space<vmem>> -> memref<125xi32, #tpu.memory_space<vmem>>
        %dma_start3A_117 = arith.constant 0 : i32
        %dma_start3A_118 = arith.constant 0 : i32
        %dma_start3A_119 = tpu.memref_slice %arg2[%dma_start3A_117, %dma_start3A_118] : memref<10000x32xf32, #tpu.memory_space<hbm>> -> memref<10000x32xf32, #tpu.memory_space<hbm>>
        tpu.enqueue_indirect_dma source(%dma_start3A_119 : memref<10000x32xf32, #tpu.memory_space<hbm>>) target(%arg8 : memref<125x32xf32, #tpu.memory_space<vmem>>) offsets(%dma_start3A_116 : memref<125xi32, #tpu.memory_space<vmem>>) semaphore(%arg12 : memref<!tpu.dma_semaphore, #tpu.memory_space<semaphore_mem>>)
      } else {
      }
      %dma_wait3A_97 = arith.constant 0 : i32
      %dma_wait3A_98 = arith.constant 0 : i32
      %dma_wait3A_99 = tpu.memref_slice %arg6[%dma_wait3A_97, %dma_wait3A_98] : memref<80x125xi32, #tpu.memory_space<vmem>> -> memref<1x125xi32, #tpu.memory_space<vmem>>
      %dma_wait3A_100 = tpu.memref_squeeze %dma_wait3A_99 : memref<1x125xi32, #tpu.memory_space<vmem>> -> memref<125xi32, #tpu.memory_space<vmem>>
      %dma_wait3A_101 = arith.constant 0 : i32
      %dma_wait3A_102 = arith.constant 0 : i32
      %dma_wait3A_103 = tpu.memref_slice %arg2[%dma_wait3A_101, %dma_wait3A_102] : memref<10000x32xf32, #tpu.memory_space<hbm>> -> memref<10000x32xf32, #tpu.memory_space<hbm>>
      tpu.wait_indirect_dma semaphore(%arg13 : memref<!tpu.dma_semaphore, #tpu.memory_space<semaphore_mem>>) src(%dma_wait3A_103 : memref<10000x32xf32, #tpu.memory_space<hbm>>) dst(%arg9 : memref<125x32xf32, #tpu.memory_space<vmem>>)
      %add3A_104 = arith.constant 1 : i32
      %add3A_105 = arith.addi %mul3A_62, %add3A_104 : i32
      %dma_start3A_106 = arith.constant 0 : i32
      %dma_start3A_107 = tpu.memref_slice %arg7[%add3A_105, %dma_start3A_106] : memref<80x125xi32, #tpu.memory_space<vmem>> -> memref<1x125xi32, #tpu.memory_space<vmem>>
      %dma_start3A_108 = tpu.memref_squeeze %dma_start3A_107 : memref<1x125xi32, #tpu.memory_space<vmem>> -> memref<125xi32, #tpu.memory_space<vmem>>
      %dma_start3A_109 = arith.constant 0 : i32
      %dma_start3A_110 = arith.constant 0 : i32
      %dma_start3A_111 = tpu.memref_slice %arg11[%dma_start3A_109, %dma_start3A_110] : memref<10240x32xf32, #tpu.memory_space<vmem_shared>> -> memref<10240x32xf32, #tpu.memory_space<vmem_shared>>
      tpu.enqueue_indirect_dma source(%arg9 : memref<125x32xf32, #tpu.memory_space<vmem>>) target(%dma_start3A_111 : memref<10240x32xf32, #tpu.memory_space<vmem_shared>>) offsets(%dma_start3A_108 : memref<125xi32, #tpu.memory_space<vmem>>) semaphore(%arg15 : memref<!tpu.dma_semaphore, #tpu.memory_space<semaphore_mem>>) {add = true}
    }
    %scan3A_32 = arith.constant 40 : i32
    %dma_wait3A = arith.constant 0 : i32
    %dma_wait3A_33 = arith.constant 0 : i32
    %dma_wait3A_34 = tpu.memref_slice %arg7[%dma_wait3A, %dma_wait3A_33] : memref<80x125xi32, #tpu.memory_space<vmem>> -> memref<1x125xi32, #tpu.memory_space<vmem>>
    %dma_wait3A_35 = tpu.memref_squeeze %dma_wait3A_34 : memref<1x125xi32, #tpu.memory_space<vmem>> -> memref<125xi32, #tpu.memory_space<vmem>>
    %dma_wait3A_36 = arith.constant 0 : i32
    %dma_wait3A_37 = arith.constant 0 : i32
    %dma_wait3A_38 = tpu.memref_slice %arg11[%dma_wait3A_36, %dma_wait3A_37] : memref<10240x32xf32, #tpu.memory_space<vmem_shared>> -> memref<10240x32xf32, #tpu.memory_space<vmem_shared>>
    tpu.wait_indirect_dma semaphore(%arg15 : memref<!tpu.dma_semaphore, #tpu.memory_space<semaphore_mem>>) src(%arg9 : memref<125x32xf32, #tpu.memory_space<vmem>>) dst(%dma_wait3A_38 : memref<10240x32xf32, #tpu.memory_space<vmem_shared>>)
    %barrier3A_39 = arith.constant 0 : index
    tpu.barrier barrier_id(%barrier3A_39)
    %mul3A_40 = arith.constant 640 : i32
    %mul3A_41 = arith.muli %arg1, %mul3A_40 : i32
    %add3A_42 = arith.constant 0 : i32
    %add3A_43 = arith.addi %mul3A_41, %add3A_42 : i32
    "tpu.region"() ({
      %run_scoped3A_60 = tpu.sem_alloc : memref<!tpu.dma_semaphore, #tpu.memory_space<semaphore_mem>>
      %dma_start3A_61 = arith.constant 0 : i32
      %dma_start3A_62 = tpu.memref_slice %arg11[%add3A_43, %dma_start3A_61] : memref<10240x32xf32, #tpu.memory_space<vmem_shared>> -> memref<128x32xf32, #tpu.memory_space<vmem_shared>>
      %dma_start3A_63 = arith.constant 0 : i32
      %dma_start3A_64 = tpu.memref_slice %arg11[%add3A_43, %dma_start3A_63] : memref<10240x32xf32, #tpu.memory_space<vmem_shared>> -> memref<128x32xf32, #tpu.memory_space<vmem_shared>>
      tpu.enqueue_dma source(%dma_start3A_64 : memref<128x32xf32, #tpu.memory_space<vmem_shared>>) target(%arg10 : memref<128x32xf32, #tpu.memory_space<vmem>>) target_semaphore(%run_scoped3A_60 : memref<!tpu.dma_semaphore, #tpu.memory_space<semaphore_mem>>)
      %dma_wait3A_65 = arith.constant 0 : i32
      %dma_wait3A_66 = tpu.memref_slice %arg11[%add3A_43, %dma_wait3A_65] : memref<10240x32xf32, #tpu.memory_space<vmem_shared>> -> memref<128x32xf32, #tpu.memory_space<vmem_shared>>
      %dma_wait3A_67 = arith.constant 0 : i32
      %dma_wait3A_68 = tpu.memref_slice %arg11[%add3A_43, %dma_wait3A_67] : memref<10240x32xf32, #tpu.memory_space<vmem_shared>> -> memref<128x32xf32, #tpu.memory_space<vmem_shared>>
      tpu.wait_dma2 semaphore(%run_scoped3A_60 : memref<!tpu.dma_semaphore, #tpu.memory_space<semaphore_mem>>) src(%dma_wait3A_68 : memref<128x32xf32, #tpu.memory_space<vmem_shared>>) dst(%arg10 : memref<128x32xf32, #tpu.memory_space<vmem>>)
      tpu.yield
    }) : () -> ()
    "tpu.region"() ({
      %run_scoped3A_60 = tpu.sem_alloc : memref<!tpu.dma_semaphore, #tpu.memory_space<semaphore_mem>>
      %dma_start3A_61 = arith.constant 0 : i32
      %dma_start3A_62 = tpu.memref_slice %arg5[%arg0, %add3A_43, %dma_start3A_61] : memref<2x10240x32xf32, #tpu.memory_space<hbm>> -> memref<1x128x32xf32, #tpu.memory_space<hbm>>
      %dma_start3A_63 = tpu.memref_squeeze %dma_start3A_62 : memref<1x128x32xf32, #tpu.memory_space<hbm>> -> memref<128x32xf32, #tpu.memory_space<hbm>>
      %dma_start3A_64 = arith.constant 0 : i32
      %dma_start3A_65 = tpu.memref_slice %arg5[%arg0, %add3A_43, %dma_start3A_64] : memref<2x10240x32xf32, #tpu.memory_space<hbm>> -> memref<1x128x32xf32, #tpu.memory_space<hbm>>
      %dma_start3A_66 = tpu.memref_squeeze %dma_start3A_65 : memref<1x128x32xf32, #tpu.memory_space<hbm>> -> memref<128x32xf32, #tpu.memory_space<hbm>>
      tpu.enqueue_dma source(%arg10 : memref<128x32xf32, #tpu.memory_space<vmem>>) target(%dma_start3A_66 : memref<128x32xf32, #tpu.memory_space<hbm>>) target_semaphore(%run_scoped3A_60 : memref<!tpu.dma_semaphore, #tpu.memory_space<semaphore_mem>>)
      %dma_wait3A_67 = arith.constant 0 : i32
      %dma_wait3A_68 = tpu.memref_slice %arg5[%arg0, %add3A_43, %dma_wait3A_67] : memref<2x10240x32xf32, #tpu.memory_space<hbm>> -> memref<1x128x32xf32, #tpu.memory_space<hbm>>
      %dma_wait3A_69 = tpu.memref_squeeze %dma_wait3A_68 : memref<1x128x32xf32, #tpu.memory_space<hbm>> -> memref<128x32xf32, #tpu.memory_space<hbm>>
      %dma_wait3A_70 = arith.constant 0 : i32
      %dma_wait3A_71 = tpu.memref_slice %arg5[%arg0, %add3A_43, %dma_wait3A_70] : memref<2x10240x32xf32, #tpu.memory_space<hbm>> -> memref<1x128x32xf32, #tpu.memory_space<hbm>>
      %dma_wait3A_72 = tpu.memref_squeeze %dma_wait3A_71 : memref<1x128x32xf32, #tpu.memory_space<hbm>> -> memref<128x32xf32, #tpu.memory_space<hbm>>
      tpu.wait_dma2 semaphore(%run_scoped3A_60 : memref<!tpu.dma_semaphore, #tpu.memory_space<semaphore_mem>>) src(%arg10 : memref<128x32xf32, #tpu.memory_space<vmem>>) dst(%dma_wait3A_72 : memref<128x32xf32, #tpu.memory_space<hbm>>)
      tpu.yield
    }) : () -> ()
    %mul3A_44 = arith.constant 640 : i32
    %mul3A_45 = arith.muli %arg1, %mul3A_44 : i32
    %add3A_46 = arith.constant 128 : i32
    %add3A_47 = arith.addi %mul3A_45, %add3A_46 : i32
    "tpu.region"() ({
      %run_scoped3A_60 = tpu.sem_alloc : memref<!tpu.dma_semaphore, #tpu.memory_space<semaphore_mem>>
      %dma_start3A_61 = arith.constant 0 : i32
      %dma_start3A_62 = tpu.memref_slice %arg11[%add3A_47, %dma_start3A_61] : memref<10240x32xf32, #tpu.memory_space<vmem_shared>> -> memref<128x32xf32, #tpu.memory_space<vmem_shared>>
      %dma_start3A_63 = arith.constant 0 : i32
      %dma_start3A_64 = tpu.memref_slice %arg11[%add3A_47, %dma_start3A_63] : memref<10240x32xf32, #tpu.memory_space<vmem_shared>> -> memref<128x32xf32, #tpu.memory_space<vmem_shared>>
      tpu.enqueue_dma source(%dma_start3A_64 : memref<128x32xf32, #tpu.memory_space<vmem_shared>>) target(%arg10 : memref<128x32xf32, #tpu.memory_space<vmem>>) target_semaphore(%run_scoped3A_60 : memref<!tpu.dma_semaphore, #tpu.memory_space<semaphore_mem>>)
      %dma_wait3A_65 = arith.constant 0 : i32
      %dma_wait3A_66 = tpu.memref_slice %arg11[%add3A_47, %dma_wait3A_65] : memref<10240x32xf32, #tpu.memory_space<vmem_shared>> -> memref<128x32xf32, #tpu.memory_space<vmem_shared>>
      %dma_wait3A_67 = arith.constant 0 : i32
      %dma_wait3A_68 = tpu.memref_slice %arg11[%add3A_47, %dma_wait3A_67] : memref<10240x32xf32, #tpu.memory_space<vmem_shared>> -> memref<128x32xf32, #tpu.memory_space<vmem_shared>>
      tpu.wait_dma2 semaphore(%run_scoped3A_60 : memref<!tpu.dma_semaphore, #tpu.memory_space<semaphore_mem>>) src(%dma_wait3A_68 : memref<128x32xf32, #tpu.memory_space<vmem_shared>>) dst(%arg10 : memref<128x32xf32, #tpu.memory_space<vmem>>)
      tpu.yield
    }) : () -> ()
    "tpu.region"() ({
      %run_scoped3A_60 = tpu.sem_alloc : memref<!tpu.dma_semaphore, #tpu.memory_space<semaphore_mem>>
      %dma_start3A_61 = arith.constant 0 : i32
      %dma_start3A_62 = tpu.memref_slice %arg5[%arg0, %add3A_47, %dma_start3A_61] : memref<2x10240x32xf32, #tpu.memory_space<hbm>> -> memref<1x128x32xf32, #tpu.memory_space<hbm>>
      %dma_start3A_63 = tpu.memref_squeeze %dma_start3A_62 : memref<1x128x32xf32, #tpu.memory_space<hbm>> -> memref<128x32xf32, #tpu.memory_space<hbm>>
      %dma_start3A_64 = arith.constant 0 : i32
      %dma_start3A_65 = tpu.memref_slice %arg5[%arg0, %add3A_47, %dma_start3A_64] : memref<2x10240x32xf32, #tpu.memory_space<hbm>> -> memref<1x128x32xf32, #tpu.memory_space<hbm>>
      %dma_start3A_66 = tpu.memref_squeeze %dma_start3A_65 : memref<1x128x32xf32, #tpu.memory_space<hbm>> -> memref<128x32xf32, #tpu.memory_space<hbm>>
      tpu.enqueue_dma source(%arg10 : memref<128x32xf32, #tpu.memory_space<vmem>>) target(%dma_start3A_66 : memref<128x32xf32, #tpu.memory_space<hbm>>) target_semaphore(%run_scoped3A_60 : memref<!tpu.dma_semaphore, #tpu.memory_space<semaphore_mem>>)
      %dma_wait3A_67 = arith.constant 0 : i32
      %dma_wait3A_68 = tpu.memref_slice %arg5[%arg0, %add3A_47, %dma_wait3A_67] : memref<2x10240x32xf32, #tpu.memory_space<hbm>> -> memref<1x128x32xf32, #tpu.memory_space<hbm>>
      %dma_wait3A_69 = tpu.memref_squeeze %dma_wait3A_68 : memref<1x128x32xf32, #tpu.memory_space<hbm>> -> memref<128x32xf32, #tpu.memory_space<hbm>>
      %dma_wait3A_70 = arith.constant 0 : i32
      %dma_wait3A_71 = tpu.memref_slice %arg5[%arg0, %add3A_47, %dma_wait3A_70] : memref<2x10240x32xf32, #tpu.memory_space<hbm>> -> memref<1x128x32xf32, #tpu.memory_space<hbm>>
      %dma_wait3A_72 = tpu.memref_squeeze %dma_wait3A_71 : memref<1x128x32xf32, #tpu.memory_space<hbm>> -> memref<128x32xf32, #tpu.memory_space<hbm>>
      tpu.wait_dma2 semaphore(%run_scoped3A_60 : memref<!tpu.dma_semaphore, #tpu.memory_space<semaphore_mem>>) src(%arg10 : memref<128x32xf32, #tpu.memory_space<vmem>>) dst(%dma_wait3A_72 : memref<128x32xf32, #tpu.memory_space<hbm>>)
      tpu.yield
    }) : () -> ()
    %mul3A_48 = arith.constant 640 : i32
    %mul3A_49 = arith.muli %arg1, %mul3A_48 : i32
    %add3A_50 = arith.constant 256 : i32
    %add3A_51 = arith.addi %mul3A_49, %add3A_50 : i32
    "tpu.region"() ({
      %run_scoped3A_60 = tpu.sem_alloc : memref<!tpu.dma_semaphore, #tpu.memory_space<semaphore_mem>>
      %dma_start3A_61 = arith.constant 0 : i32
      %dma_start3A_62 = tpu.memref_slice %arg11[%add3A_51, %dma_start3A_61] : memref<10240x32xf32, #tpu.memory_space<vmem_shared>> -> memref<128x32xf32, #tpu.memory_space<vmem_shared>>
      %dma_start3A_63 = arith.constant 0 : i32
      %dma_start3A_64 = tpu.memref_slice %arg11[%add3A_51, %dma_start3A_63] : memref<10240x32xf32, #tpu.memory_space<vmem_shared>> -> memref<128x32xf32, #tpu.memory_space<vmem_shared>>
      tpu.enqueue_dma source(%dma_start3A_64 : memref<128x32xf32, #tpu.memory_space<vmem_shared>>) target(%arg10 : memref<128x32xf32, #tpu.memory_space<vmem>>) target_semaphore(%run_scoped3A_60 : memref<!tpu.dma_semaphore, #tpu.memory_space<semaphore_mem>>)
      %dma_wait3A_65 = arith.constant 0 : i32
      %dma_wait3A_66 = tpu.memref_slice %arg11[%add3A_51, %dma_wait3A_65] : memref<10240x32xf32, #tpu.memory_space<vmem_shared>> -> memref<128x32xf32, #tpu.memory_space<vmem_shared>>
      %dma_wait3A_67 = arith.constant 0 : i32
      %dma_wait3A_68 = tpu.memref_slice %arg11[%add3A_51, %dma_wait3A_67] : memref<10240x32xf32, #tpu.memory_space<vmem_shared>> -> memref<128x32xf32, #tpu.memory_space<vmem_shared>>
      tpu.wait_dma2 semaphore(%run_scoped3A_60 : memref<!tpu.dma_semaphore, #tpu.memory_space<semaphore_mem>>) src(%dma_wait3A_68 : memref<128x32xf32, #tpu.memory_space<vmem_shared>>) dst(%arg10 : memref<128x32xf32, #tpu.memory_space<vmem>>)
      tpu.yield
    }) : () -> ()
    "tpu.region"() ({
      %run_scoped3A_60 = tpu.sem_alloc : memref<!tpu.dma_semaphore, #tpu.memory_space<semaphore_mem>>
      %dma_start3A_61 = arith.constant 0 : i32
      %dma_start3A_62 = tpu.memref_slice %arg5[%arg0, %add3A_51, %dma_start3A_61] : memref<2x10240x32xf32, #tpu.memory_space<hbm>> -> memref<1x128x32xf32, #tpu.memory_space<hbm>>
      %dma_start3A_63 = tpu.memref_squeeze %dma_start3A_62 : memref<1x128x32xf32, #tpu.memory_space<hbm>> -> memref<128x32xf32, #tpu.memory_space<hbm>>
      %dma_start3A_64 = arith.constant 0 : i32
      %dma_start3A_65 = tpu.memref_slice %arg5[%arg0, %add3A_51, %dma_start3A_64] : memref<2x10240x32xf32, #tpu.memory_space<hbm>> -> memref<1x128x32xf32, #tpu.memory_space<hbm>>
      %dma_start3A_66 = tpu.memref_squeeze %dma_start3A_65 : memref<1x128x32xf32, #tpu.memory_space<hbm>> -> memref<128x32xf32, #tpu.memory_space<hbm>>
      tpu.enqueue_dma source(%arg10 : memref<128x32xf32, #tpu.memory_space<vmem>>) target(%dma_start3A_66 : memref<128x32xf32, #tpu.memory_space<hbm>>) target_semaphore(%run_scoped3A_60 : memref<!tpu.dma_semaphore, #tpu.memory_space<semaphore_mem>>)
      %dma_wait3A_67 = arith.constant 0 : i32
      %dma_wait3A_68 = tpu.memref_slice %arg5[%arg0, %add3A_51, %dma_wait3A_67] : memref<2x10240x32xf32, #tpu.memory_space<hbm>> -> memref<1x128x32xf32, #tpu.memory_space<hbm>>
      %dma_wait3A_69 = tpu.memref_squeeze %dma_wait3A_68 : memref<1x128x32xf32, #tpu.memory_space<hbm>> -> memref<128x32xf32, #tpu.memory_space<hbm>>
      %dma_wait3A_70 = arith.constant 0 : i32
      %dma_wait3A_71 = tpu.memref_slice %arg5[%arg0, %add3A_51, %dma_wait3A_70] : memref<2x10240x32xf32, #tpu.memory_space<hbm>> -> memref<1x128x32xf32, #tpu.memory_space<hbm>>
      %dma_wait3A_72 = tpu.memref_squeeze %dma_wait3A_71 : memref<1x128x32xf32, #tpu.memory_space<hbm>> -> memref<128x32xf32, #tpu.memory_space<hbm>>
      tpu.wait_dma2 semaphore(%run_scoped3A_60 : memref<!tpu.dma_semaphore, #tpu.memory_space<semaphore_mem>>) src(%arg10 : memref<128x32xf32, #tpu.memory_space<vmem>>) dst(%dma_wait3A_72 : memref<128x32xf32, #tpu.memory_space<hbm>>)
      tpu.yield
    }) : () -> ()
    %mul3A_52 = arith.constant 640 : i32
    %mul3A_53 = arith.muli %arg1, %mul3A_52 : i32
    %add3A_54 = arith.constant 384 : i32
    %add3A_55 = arith.addi %mul3A_53, %add3A_54 : i32
    "tpu.region"() ({
      %run_scoped3A_60 = tpu.sem_alloc : memref<!tpu.dma_semaphore, #tpu.memory_space<semaphore_mem>>
      %dma_start3A_61 = arith.constant 0 : i32
      %dma_start3A_62 = tpu.memref_slice %arg11[%add3A_55, %dma_start3A_61] : memref<10240x32xf32, #tpu.memory_space<vmem_shared>> -> memref<128x32xf32, #tpu.memory_space<vmem_shared>>
      %dma_start3A_63 = arith.constant 0 : i32
      %dma_start3A_64 = tpu.memref_slice %arg11[%add3A_55, %dma_start3A_63] : memref<10240x32xf32, #tpu.memory_space<vmem_shared>> -> memref<128x32xf32, #tpu.memory_space<vmem_shared>>
      tpu.enqueue_dma source(%dma_start3A_64 : memref<128x32xf32, #tpu.memory_space<vmem_shared>>) target(%arg10 : memref<128x32xf32, #tpu.memory_space<vmem>>) target_semaphore(%run_scoped3A_60 : memref<!tpu.dma_semaphore, #tpu.memory_space<semaphore_mem>>)
      %dma_wait3A_65 = arith.constant 0 : i32
      %dma_wait3A_66 = tpu.memref_slice %arg11[%add3A_55, %dma_wait3A_65] : memref<10240x32xf32, #tpu.memory_space<vmem_shared>> -> memref<128x32xf32, #tpu.memory_space<vmem_shared>>
      %dma_wait3A_67 = arith.constant 0 : i32
      %dma_wait3A_68 = tpu.memref_slice %arg11[%add3A_55, %dma_wait3A_67] : memref<10240x32xf32, #tpu.memory_space<vmem_shared>> -> memref<128x32xf32, #tpu.memory_space<vmem_shared>>
      tpu.wait_dma2 semaphore(%run_scoped3A_60 : memref<!tpu.dma_semaphore, #tpu.memory_space<semaphore_mem>>) src(%dma_wait3A_68 : memref<128x32xf32, #tpu.memory_space<vmem_shared>>) dst(%arg10 : memref<128x32xf32, #tpu.memory_space<vmem>>)
      tpu.yield
    }) : () -> ()
    "tpu.region"() ({
      %run_scoped3A_60 = tpu.sem_alloc : memref<!tpu.dma_semaphore, #tpu.memory_space<semaphore_mem>>
      %dma_start3A_61 = arith.constant 0 : i32
      %dma_start3A_62 = tpu.memref_slice %arg5[%arg0, %add3A_55, %dma_start3A_61] : memref<2x10240x32xf32, #tpu.memory_space<hbm>> -> memref<1x128x32xf32, #tpu.memory_space<hbm>>
      %dma_start3A_63 = tpu.memref_squeeze %dma_start3A_62 : memref<1x128x32xf32, #tpu.memory_space<hbm>> -> memref<128x32xf32, #tpu.memory_space<hbm>>
      %dma_start3A_64 = arith.constant 0 : i32
      %dma_start3A_65 = tpu.memref_slice %arg5[%arg0, %add3A_55, %dma_start3A_64] : memref<2x10240x32xf32, #tpu.memory_space<hbm>> -> memref<1x128x32xf32, #tpu.memory_space<hbm>>
      %dma_start3A_66 = tpu.memref_squeeze %dma_start3A_65 : memref<1x128x32xf32, #tpu.memory_space<hbm>> -> memref<128x32xf32, #tpu.memory_space<hbm>>
      tpu.enqueue_dma source(%arg10 : memref<128x32xf32, #tpu.memory_space<vmem>>) target(%dma_start3A_66 : memref<128x32xf32, #tpu.memory_space<hbm>>) target_semaphore(%run_scoped3A_60 : memref<!tpu.dma_semaphore, #tpu.memory_space<semaphore_mem>>)
      %dma_wait3A_67 = arith.constant 0 : i32
      %dma_wait3A_68 = tpu.memref_slice %arg5[%arg0, %add3A_55, %dma_wait3A_67] : memref<2x10240x32xf32, #tpu.memory_space<hbm>> -> memref<1x128x32xf32, #tpu.memory_space<hbm>>
      %dma_wait3A_69 = tpu.memref_squeeze %dma_wait3A_68 : memref<1x128x32xf32, #tpu.memory_space<hbm>> -> memref<128x32xf32, #tpu.memory_space<hbm>>
      %dma_wait3A_70 = arith.constant 0 : i32
      %dma_wait3A_71 = tpu.memref_slice %arg5[%arg0, %add3A_55, %dma_wait3A_70] : memref<2x10240x32xf32, #tpu.memory_space<hbm>> -> memref<1x128x32xf32, #tpu.memory_space<hbm>>
      %dma_wait3A_72 = tpu.memref_squeeze %dma_wait3A_71 : memref<1x128x32xf32, #tpu.memory_space<hbm>> -> memref<128x32xf32, #tpu.memory_space<hbm>>
      tpu.wait_dma2 semaphore(%run_scoped3A_60 : memref<!tpu.dma_semaphore, #tpu.memory_space<semaphore_mem>>) src(%arg10 : memref<128x32xf32, #tpu.memory_space<vmem>>) dst(%dma_wait3A_72 : memref<128x32xf32, #tpu.memory_space<hbm>>)
      tpu.yield
    }) : () -> ()
    %mul3A_56 = arith.constant 640 : i32
    %mul3A_57 = arith.muli %arg1, %mul3A_56 : i32
    %add3A_58 = arith.constant 512 : i32
    %add3A_59 = arith.addi %mul3A_57, %add3A_58 : i32
    "tpu.region"() ({
      %run_scoped3A_60 = tpu.sem_alloc : memref<!tpu.dma_semaphore, #tpu.memory_space<semaphore_mem>>
      %dma_start3A_61 = arith.constant 0 : i32
      %dma_start3A_62 = tpu.memref_slice %arg11[%add3A_59, %dma_start3A_61] : memref<10240x32xf32, #tpu.memory_space<vmem_shared>> -> memref<128x32xf32, #tpu.memory_space<vmem_shared>>
      %dma_start3A_63 = arith.constant 0 : i32
      %dma_start3A_64 = tpu.memref_slice %arg11[%add3A_59, %dma_start3A_63] : memref<10240x32xf32, #tpu.memory_space<vmem_shared>> -> memref<128x32xf32, #tpu.memory_space<vmem_shared>>
      tpu.enqueue_dma source(%dma_start3A_64 : memref<128x32xf32, #tpu.memory_space<vmem_shared>>) target(%arg10 : memref<128x32xf32, #tpu.memory_space<vmem>>) target_semaphore(%run_scoped3A_60 : memref<!tpu.dma_semaphore, #tpu.memory_space<semaphore_mem>>)
      %dma_wait3A_65 = arith.constant 0 : i32
      %dma_wait3A_66 = tpu.memref_slice %arg11[%add3A_59, %dma_wait3A_65] : memref<10240x32xf32, #tpu.memory_space<vmem_shared>> -> memref<128x32xf32, #tpu.memory_space<vmem_shared>>
      %dma_wait3A_67 = arith.constant 0 : i32
      %dma_wait3A_68 = tpu.memref_slice %arg11[%add3A_59, %dma_wait3A_67] : memref<10240x32xf32, #tpu.memory_space<vmem_shared>> -> memref<128x32xf32, #tpu.memory_space<vmem_shared>>
      tpu.wait_dma2 semaphore(%run_scoped3A_60 : memref<!tpu.dma_semaphore, #tpu.memory_space<semaphore_mem>>) src(%dma_wait3A_68 : memref<128x32xf32, #tpu.memory_space<vmem_shared>>) dst(%arg10 : memref<128x32xf32, #tpu.memory_space<vmem>>)
      tpu.yield
    }) : () -> ()
    "tpu.region"() ({
      %run_scoped3A_60 = tpu.sem_alloc : memref<!tpu.dma_semaphore, #tpu.memory_space<semaphore_mem>>
      %dma_start3A_61 = arith.constant 0 : i32
      %dma_start3A_62 = tpu.memref_slice %arg5[%arg0, %add3A_59, %dma_start3A_61] : memref<2x10240x32xf32, #tpu.memory_space<hbm>> -> memref<1x128x32xf32, #tpu.memory_space<hbm>>
      %dma_start3A_63 = tpu.memref_squeeze %dma_start3A_62 : memref<1x128x32xf32, #tpu.memory_space<hbm>> -> memref<128x32xf32, #tpu.memory_space<hbm>>
      %dma_start3A_64 = arith.constant 0 : i32
      %dma_start3A_65 = tpu.memref_slice %arg5[%arg0, %add3A_59, %dma_start3A_64] : memref<2x10240x32xf32, #tpu.memory_space<hbm>> -> memref<1x128x32xf32, #tpu.memory_space<hbm>>
      %dma_start3A_66 = tpu.memref_squeeze %dma_start3A_65 : memref<1x128x32xf32, #tpu.memory_space<hbm>> -> memref<128x32xf32, #tpu.memory_space<hbm>>
      tpu.enqueue_dma source(%arg10 : memref<128x32xf32, #tpu.memory_space<vmem>>) target(%dma_start3A_66 : memref<128x32xf32, #tpu.memory_space<hbm>>) target_semaphore(%run_scoped3A_60 : memref<!tpu.dma_semaphore, #tpu.memory_space<semaphore_mem>>)
      %dma_wait3A_67 = arith.constant 0 : i32
      %dma_wait3A_68 = tpu.memref_slice %arg5[%arg0, %add3A_59, %dma_wait3A_67] : memref<2x10240x32xf32, #tpu.memory_space<hbm>> -> memref<1x128x32xf32, #tpu.memory_space<hbm>>
      %dma_wait3A_69 = tpu.memref_squeeze %dma_wait3A_68 : memref<1x128x32xf32, #tpu.memory_space<hbm>> -> memref<128x32xf32, #tpu.memory_space<hbm>>
      %dma_wait3A_70 = arith.constant 0 : i32
      %dma_wait3A_71 = tpu.memref_slice %arg5[%arg0, %add3A_59, %dma_wait3A_70] : memref<2x10240x32xf32, #tpu.memory_space<hbm>> -> memref<1x128x32xf32, #tpu.memory_space<hbm>>
      %dma_wait3A_72 = tpu.memref_squeeze %dma_wait3A_71 : memref<1x128x32xf32, #tpu.memory_space<hbm>> -> memref<128x32xf32, #tpu.memory_space<hbm>>
      tpu.wait_dma2 semaphore(%run_scoped3A_60 : memref<!tpu.dma_semaphore, #tpu.memory_space<semaphore_mem>>) src(%arg10 : memref<128x32xf32, #tpu.memory_space<vmem>>) dst(%dma_wait3A_72 : memref<128x32xf32, #tpu.memory_space<hbm>>)
      tpu.yield
    }) : () -> ()
    return
  }
}

module attributes {stable_mosaic.version = 14 : i64} {
  func.func @_enc1_body(%arg0: i32, %arg1: memref<2000x128xf32, #tpu.memory_space<vmem>>, %arg2: memref<128x128xf32, #tpu.memory_space<vmem>>, %arg3: memref<2000x80xf32, #tpu.memory_space<vmem>>, %arg4: memref<2000x64xf32, #tpu.memory_space<vmem>>) attributes {dimension_semantics = [#tpu.dimension_semantics<arbitrary>], iteration_bounds = array<i64: 5>, scalar_prefetch = 0 : i64, scratch_operands = 0 : i64, tpu.core_type = #tpu.core_type<tc>, window_params = [{transform_indices = @transform_0, window_bounds = array<i64: 2000, 128>}, {pipeline_mode = #tpu.pipeline_mode<synchronous>, transform_indices = @transform_1, window_bounds = array<i64: 128, 128>}, {transform_indices = @transform_2, window_bounds = array<i64: 2000, 80>}, {transform_indices = @transform_3, window_bounds = array<i64: 2000, 64>}]} {
    %get3A = arith.constant 0 : index
    %get3A_0 = arith.constant 0 : index
    %get3A_1 = vector.load %arg1[%get3A, %get3A_0] : memref<2000x128xf32, #tpu.memory_space<vmem>>, vector<2000x128xf32>
    %get3A_2 = arith.constant 0 : index
    %get3A_3 = arith.constant 0 : index
    %get3A_4 = vector.load %arg2[%get3A_2, %get3A_3] : memref<128x128xf32, #tpu.memory_space<vmem>>, vector<128x128xf32>
    %dot_general3A = arith.constant dense<0.000000e+00> : vector<2000x128xf32>
    %dot_general3A_5 = tpu.matmul %get3A_1, %get3A_4, %dot_general3A {dimension_numbers = #tpu.dot_dimension_numbers<[1], [0], [0], [1], [0, 0, 1, 1], [], []>, transpose_lhs_hint = false} : vector<2000x128xf32>, vector<128x128xf32>, vector<2000x128xf32> -> vector<2000x128xf32>
    %iota3A = tpu.iota {dimensions = array<i32: 1>} : vector<2000x16xi32>
    %eq3A = arith.constant 0 : i32
    %eq3A_6 = vector.broadcast %eq3A : i32 to vector<2000x16xi32>
    %eq3A_7 = arith.cmpi eq, %iota3A, %eq3A_6 : vector<2000x16xi32>
    %convert_element_type3A = arith.extui %eq3A_7 : vector<2000x16xi1> to vector<2000x16xi32>
    %convert_element_type3A_8 = arith.sitofp %convert_element_type3A : vector<2000x16xi32> to vector<2000x16xf32>
    %slice3A = vector.extract_strided_slice %dot_general3A_5 {offsets = [0, 0], sizes = [2000, 64], strides = [1, 1]} : vector<2000x128xf32> to vector<2000x64xf32>
    %concatenate3A = tpu.concatenate %slice3A, %convert_element_type3A_8 in 1 : vector<2000x64xf32>, vector<2000x16xf32> -> vector<2000x80xf32>
    %swap3A = arith.constant 0 : index
    %swap3A_9 = arith.constant 0 : index
    %swap3A_10 = vector.load %arg3[%swap3A, %swap3A_9] : memref<2000x80xf32, #tpu.memory_space<vmem>>, vector<2000x80xf32>
    tpu.vector_store %arg3[%swap3A, %swap3A_9], %concatenate3A {strides = array<i32>} : memref<2000x80xf32, #tpu.memory_space<vmem>>, vector<2000x80xf32>,
    %slice3A_11 = vector.extract_strided_slice %dot_general3A_5 {offsets = [0, 64], sizes = [2000, 64], strides = [1, 1]} : vector<2000x128xf32> to vector<2000x64xf32>
    %swap3A_12 = arith.constant 0 : index
    %swap3A_13 = arith.constant 0 : index
    %swap3A_14 = vector.load %arg4[%swap3A_12, %swap3A_13] : memref<2000x64xf32, #tpu.memory_space<vmem>>, vector<2000x64xf32>
    tpu.vector_store %arg4[%swap3A_12, %swap3A_13], %slice3A_11 {strides = array<i32>} : memref<2000x64xf32, #tpu.memory_space<vmem>>, vector<2000x64xf32>,
    return
  }
  func.func @transform_0(%arg0: i32) -> (i32, i32) {
    %c0_i32 = arith.constant 0 : i32
    %c0_i32_0 = arith.constant 0 : i32
    return %arg0, %c0_i32 : i32, i32
  }
  func.func @transform_1(%arg0: i32) -> (i32, i32) {
    %c0_i32 = arith.constant 0 : i32
    %c0_i32_0 = arith.constant 0 : i32
    %c0_i32_1 = arith.constant 0 : i32
    return %c0_i32, %c0_i32_0 : i32, i32
  }
  func.func @transform_2(%arg0: i32) -> (i32, i32) {
    %c0_i32 = arith.constant 0 : i32
    %c0_i32_0 = arith.constant 0 : i32
    return %arg0, %c0_i32 : i32, i32
  }
  func.func @transform_3(%arg0: i32) -> (i32, i32) {
    %c0_i32 = arith.constant 0 : i32
    %c0_i32_0 = arith.constant 0 : i32
    return %arg0, %c0_i32 : i32, i32
  }
}

module attributes {stable_mosaic.version = 14 : i64} {
  func.func @_mid_body(%arg0: i32, %arg1: memref<1x2000x80xf32, #tpu.memory_space<vmem>>, %arg2: memref<1x2000x80xf32, #tpu.memory_space<vmem>>, %arg3: memref<2000x64xf32, #tpu.memory_space<vmem>>, %arg4: memref<64x64xf32, #tpu.memory_space<vmem>>, %arg5: memref<1x64xf32, #tpu.memory_space<vmem>>, %arg6: memref<2000x32xf32, #tpu.memory_space<vmem>>, %arg7: memref<2000x32xf32, #tpu.memory_space<vmem>>, %arg8: memref<2000x8xf32, #tpu.memory_space<vmem>>) attributes {dimension_semantics = [#tpu.dimension_semantics<arbitrary>], iteration_bounds = array<i64: 5>, scalar_prefetch = 0 : i64, scratch_operands = 0 : i64, tpu.core_type = #tpu.core_type<tc>, window_params = [{transform_indices = @transform_0, window_bounds = array<i64: 1, 2000, 80>}, {transform_indices = @transform_1, window_bounds = array<i64: 1, 2000, 80>}, {transform_indices = @transform_2, window_bounds = array<i64: 2000, 64>}, {pipeline_mode = #tpu.pipeline_mode<synchronous>, transform_indices = @transform_3, window_bounds = array<i64: 64, 64>}, {pipeline_mode = #tpu.pipeline_mode<synchronous>, transform_indices = @transform_4, window_bounds = array<i64: 1, 64>}, {transform_indices = @transform_5, window_bounds = array<i64: 2000, 32>}, {transform_indices = @transform_6, window_bounds = array<i64: 2000, 32>}, {transform_indices = @transform_7, window_bounds = array<i64: 2000, 8>}]} {
    %get3A = arith.constant 0 : index
    %get3A_0 = arith.constant 0 : index
    %get3A_1 = arith.constant 0 : index
    %get3A_2 = vector.load %arg1[%get3A, %get3A_0, %get3A_1] : memref<1x2000x80xf32, #tpu.memory_space<vmem>>, vector<1x2000x80xf32>
    %get3A_3 = vector.shape_cast %get3A_2 : vector<1x2000x80xf32> to vector<2000x80xf32>
    %get3A_4 = arith.constant 0 : index
    %get3A_5 = arith.constant 0 : index
    %get3A_6 = arith.constant 0 : index
    %get3A_7 = vector.load %arg2[%get3A_4, %get3A_5, %get3A_6] : memref<1x2000x80xf32, #tpu.memory_space<vmem>>, vector<1x2000x80xf32>
    %get3A_8 = vector.shape_cast %get3A_7 : vector<1x2000x80xf32> to vector<2000x80xf32>
    %add3A = arith.addf %get3A_3, %get3A_8 : vector<2000x80xf32>
    %slice3A = vector.extract_strided_slice %add3A {offsets = [0, 64], sizes = [2000, 16], strides = [1, 1]} : vector<2000x80xf32> to vector<2000x16xf32>
    %reduce_sum3A = arith.constant dense<0.000000e+00> : vector<2000xf32>
    %reduce_sum3A_9 = vector.multi_reduction <add>, %slice3A, %reduce_sum3A [1] : vector<2000x16xf32> to vector<2000xf32>
    %broadcast_in_dim3A = vector.shape_cast %reduce_sum3A_9 : vector<2000xf32> to vector<2000x1xf32>
    %max3A = arith.constant 1.000000e+00 : f32
    %max3A_10 = vector.broadcast %max3A : f32 to vector<2000x1xf32>
    %max3A_11 = arith.maximumf %broadcast_in_dim3A, %max3A_10 : vector<2000x1xf32>
    %div3A = arith.constant 1.000000e+00 : f32
    %div3A_12 = vector.broadcast %div3A : f32 to vector<2000x1xf32>
    %div3A_13 = arith.divf %div3A_12, %max3A_11 : vector<2000x1xf32>
    %slice3A_14 = vector.extract_strided_slice %add3A {offsets = [0, 0], sizes = [2000, 64], strides = [1, 1]} : vector<2000x80xf32> to vector<2000x64xf32>
    %mul3A = vector.broadcast %div3A_13 : vector<2000x1xf32> to vector<2000x64xf32>
    %mul3A_15 = arith.mulf %slice3A_14, %mul3A : vector<2000x64xf32>
    %get3A_16 = arith.constant 0 : index
    %get3A_17 = arith.constant 0 : index
    %get3A_18 = vector.load %arg5[%get3A_16, %get3A_17] : memref<1x64xf32, #tpu.memory_space<vmem>>, vector<1x64xf32>
    %add3A_19 = vector.broadcast %get3A_18 : vector<1x64xf32> to vector<2000x64xf32>
    %add3A_20 = arith.addf %mul3A_15, %add3A_19 : vector<2000x64xf32>
    %get3A_21 = arith.constant 0 : index
    %get3A_22 = arith.constant 0 : index
    %get3A_23 = vector.load %arg3[%get3A_21, %get3A_22] : memref<2000x64xf32, #tpu.memory_space<vmem>>, vector<2000x64xf32>
    %add3A_24 = arith.addf %add3A_20, %get3A_23 : vector<2000x64xf32>
    %max3A_25 = arith.constant 0.000000e+00 : f32
    %max3A_26 = vector.broadcast %max3A_25 : f32 to vector<2000x64xf32>
    %max3A_27 = arith.maximumf %add3A_24, %max3A_26 : vector<2000x64xf32>
    %get3A_28 = arith.constant 0 : index
    %get3A_29 = arith.constant 0 : index
    %get3A_30 = vector.load %arg4[%get3A_28, %get3A_29] : memref<64x64xf32, #tpu.memory_space<vmem>>, vector<64x64xf32>
    %dot_general3A = arith.constant dense<0.000000e+00> : vector<2000x64xf32>
    %dot_general3A_31 = tpu.matmul %max3A_27, %get3A_30, %dot_general3A {dimension_numbers = #tpu.dot_dimension_numbers<[1], [0], [0], [1], [0, 0, 1, 1], [], []>, transpose_lhs_hint = false} : vector<2000x64xf32>, vector<64x64xf32>, vector<2000x64xf32> -> vector<2000x64xf32>
    %slice3A_32 = vector.extract_strided_slice %dot_general3A_31 {offsets = [0, 0], sizes = [2000, 32], strides = [1, 1]} : vector<2000x64xf32> to vector<2000x32xf32>
    %swap3A = arith.constant 0 : index
    %swap3A_33 = arith.constant 0 : index
    %swap3A_34 = vector.load %arg6[%swap3A, %swap3A_33] : memref<2000x32xf32, #tpu.memory_space<vmem>>, vector<2000x32xf32>
    tpu.vector_store %arg6[%swap3A, %swap3A_33], %slice3A_32 {strides = array<i32>} : memref<2000x32xf32, #tpu.memory_space<vmem>>, vector<2000x32xf32>,
    %slice3A_35 = vector.extract_strided_slice %dot_general3A_31 {offsets = [0, 32], sizes = [2000, 32], strides = [1, 1]} : vector<2000x64xf32> to vector<2000x32xf32>
    %swap3A_36 = arith.constant 0 : index
    %swap3A_37 = arith.constant 0 : index
    %swap3A_38 = vector.load %arg7[%swap3A_36, %swap3A_37] : memref<2000x32xf32, #tpu.memory_space<vmem>>, vector<2000x32xf32>
    tpu.vector_store %arg7[%swap3A_36, %swap3A_37], %slice3A_35 {strides = array<i32>} : memref<2000x32xf32, #tpu.memory_space<vmem>>, vector<2000x32xf32>,
    %broadcast_in_dim3A_39 = vector.shape_cast %div3A_13 : vector<2000x1xf32> to vector<2000x1xf32>
    %broadcast_in_dim3A_40 = vector.broadcast %broadcast_in_dim3A_39 : vector<2000x1xf32> to vector<2000x8xf32>
    %swap3A_41 = arith.constant 0 : index
    %swap3A_42 = arith.constant 0 : index
    %swap3A_43 = vector.load %arg8[%swap3A_41, %swap3A_42] : memref<2000x8xf32, #tpu.memory_space<vmem>>, vector<2000x8xf32>
    tpu.vector_store %arg8[%swap3A_41, %swap3A_42], %broadcast_in_dim3A_40 {strides = array<i32>} : memref<2000x8xf32, #tpu.memory_space<vmem>>, vector<2000x8xf32>,
    return
  }
  func.func @transform_0(%arg0: i32) -> (i32, i32, i32) {
    %c0_i32 = arith.constant 0 : i32
    %c0_i32_0 = arith.constant 0 : i32
    %c0_i32_1 = arith.constant 0 : i32
    return %c0_i32, %arg0, %c0_i32_0 : i32, i32, i32
  }
  func.func @transform_1(%arg0: i32) -> (i32, i32, i32) {
    %c1_i32 = arith.constant 1 : i32
    %c0_i32 = arith.constant 0 : i32
    %c0_i32_0 = arith.constant 0 : i32
    return %c1_i32, %arg0, %c0_i32 : i32, i32, i32
  }
  func.func @transform_2(%arg0: i32) -> (i32, i32) {
    %c0_i32 = arith.constant 0 : i32
    %c0_i32_0 = arith.constant 0 : i32
    return %arg0, %c0_i32 : i32, i32
  }
  func.func @transform_3(%arg0: i32) -> (i32, i32) {
    %c0_i32 = arith.constant 0 : i32
    %c0_i32_0 = arith.constant 0 : i32
    %c0_i32_1 = arith.constant 0 : i32
    return %c0_i32, %c0_i32_0 : i32, i32
  }
  func.func @transform_4(%arg0: i32) -> (i32, i32) {
    %c0_i32 = arith.constant 0 : i32
    %c0_i32_0 = arith.constant 0 : i32
    %c0_i32_1 = arith.constant 0 : i32
    return %c0_i32, %c0_i32_0 : i32, i32
  }
  func.func @transform_5(%arg0: i32) -> (i32, i32) {
    %c0_i32 = arith.constant 0 : i32
    %c0_i32_0 = arith.constant 0 : i32
    return %arg0, %c0_i32 : i32, i32
  }
  func.func @transform_6(%arg0: i32) -> (i32, i32) {
    %c0_i32 = arith.constant 0 : i32
    %c0_i32_0 = arith.constant 0 : i32
    return %arg0, %c0_i32 : i32, i32
  }
  func.func @transform_7(%arg0: i32) -> (i32, i32) {
    %c0_i32 = arith.constant 0 : i32
    %c0_i32_0 = arith.constant 0 : i32
    return %arg0, %c0_i32 : i32, i32
  }
}

module attributes {stable_mosaic.version = 14 : i64} {
  func.func @_fin_body(%arg0: i32, %arg1: memref<1x2000x32xf32, #tpu.memory_space<vmem>>, %arg2: memref<1x2000x32xf32, #tpu.memory_space<vmem>>, %arg3: memref<2000x32xf32, #tpu.memory_space<vmem>>, %arg4: memref<2000x8xf32, #tpu.memory_space<vmem>>, %arg5: memref<1x32xf32, #tpu.memory_space<vmem>>, %arg6: memref<2000x32xbf16, #tpu.memory_space<vmem>>) attributes {dimension_semantics = [#tpu.dimension_semantics<arbitrary>], iteration_bounds = array<i64: 5>, scalar_prefetch = 0 : i64, scratch_operands = 0 : i64, tpu.core_type = #tpu.core_type<tc>, window_params = [{transform_indices = @transform_0, window_bounds = array<i64: 1, 2000, 32>}, {transform_indices = @transform_1, window_bounds = array<i64: 1, 2000, 32>}, {transform_indices = @transform_2, window_bounds = array<i64: 2000, 32>}, {transform_indices = @transform_3, window_bounds = array<i64: 2000, 8>}, {pipeline_mode = #tpu.pipeline_mode<synchronous>, transform_indices = @transform_4, window_bounds = array<i64: 1, 32>}, {transform_indices = @transform_5, window_bounds = array<i64: 2000, 32>}]} {
    %get3A = arith.constant 0 : index
    %get3A_0 = arith.constant 0 : index
    %get3A_1 = arith.constant 0 : index
    %get3A_2 = vector.load %arg1[%get3A, %get3A_0, %get3A_1] : memref<1x2000x32xf32, #tpu.memory_space<vmem>>, vector<1x2000x32xf32>
    %get3A_3 = vector.shape_cast %get3A_2 : vector<1x2000x32xf32> to vector<2000x32xf32>
    %get3A_4 = arith.constant 0 : index
    %get3A_5 = arith.constant 0 : index
    %get3A_6 = arith.constant 0 : index
    %get3A_7 = vector.load %arg2[%get3A_4, %get3A_5, %get3A_6] : memref<1x2000x32xf32, #tpu.memory_space<vmem>>, vector<1x2000x32xf32>
    %get3A_8 = vector.shape_cast %get3A_7 : vector<1x2000x32xf32> to vector<2000x32xf32>
    %add3A = arith.addf %get3A_3, %get3A_8 : vector<2000x32xf32>
    %get3A_9 = arith.constant 0 : index
    %get3A_10 = arith.constant 0 : index
    %get3A_11 = vector.load %arg4[%get3A_9, %get3A_10] : memref<2000x8xf32, #tpu.memory_space<vmem>>, vector<2000x1xf32>
    %mul3A = vector.broadcast %get3A_11 : vector<2000x1xf32> to vector<2000x32xf32>
    %mul3A_12 = arith.mulf %add3A, %mul3A : vector<2000x32xf32>
    %get3A_13 = arith.constant 0 : index
    %get3A_14 = arith.constant 0 : index
    %get3A_15 = vector.load %arg5[%get3A_13, %get3A_14] : memref<1x32xf32, #tpu.memory_space<vmem>>, vector<1x32xf32>
    %add3A_16 = vector.broadcast %get3A_15 : vector<1x32xf32> to vector<2000x32xf32>
    %add3A_17 = arith.addf %mul3A_12, %add3A_16 : vector<2000x32xf32>
    %get3A_18 = arith.constant 0 : index
    %get3A_19 = arith.constant 0 : index
    %get3A_20 = vector.load %arg3[%get3A_18, %get3A_19] : memref<2000x32xf32, #tpu.memory_space<vmem>>, vector<2000x32xf32>
    %add3A_21 = arith.addf %add3A_17, %get3A_20 : vector<2000x32xf32>
    %convert_element_type3A = arith.truncf %add3A_21 : vector<2000x32xf32> to vector<2000x32xbf16>
    %swap3A = arith.constant 0 : index
    %swap3A_22 = arith.constant 0 : index
    %swap3A_23 = vector.load %arg6[%swap3A, %swap3A_22] : memref<2000x32xbf16, #tpu.memory_space<vmem>>, vector<2000x32xbf16>
    tpu.vector_store %arg6[%swap3A, %swap3A_22], %convert_element_type3A {strides = array<i32>} : memref<2000x32xbf16, #tpu.memory_space<vmem>>, vector<2000x32xbf16>,
    return
  }
  func.func @transform_0(%arg0: i32) -> (i32, i32, i32) {
    %c0_i32 = arith.constant 0 : i32
    %c0_i32_0 = arith.constant 0 : i32
    %c0_i32_1 = arith.constant 0 : i32
    return %c0_i32, %arg0, %c0_i32_0 : i32, i32, i32
  }
  func.func @transform_1(%arg0: i32) -> (i32, i32, i32) {
    %c1_i32 = arith.constant 1 : i32
    %c0_i32 = arith.constant 0 : i32
    %c0_i32_0 = arith.constant 0 : i32
    return %c1_i32, %arg0, %c0_i32 : i32, i32, i32
  }
  func.func @transform_2(%arg0: i32) -> (i32, i32) {
    %c0_i32 = arith.constant 0 : i32
    %c0_i32_0 = arith.constant 0 : i32
    return %arg0, %c0_i32 : i32, i32
  }
  func.func @transform_3(%arg0: i32) -> (i32, i32) {
    %c0_i32 = arith.constant 0 : i32
    %c0_i32_0 = arith.constant 0 : i32
    return %arg0, %c0_i32 : i32, i32
  }
  func.func @transform_4(%arg0: i32) -> (i32, i32) {
    %c0_i32 = arith.constant 0 : i32
    %c0_i32_0 = arith.constant 0 : i32
    %c0_i32_1 = arith.constant 0 : i32
    return %c0_i32, %c0_i32_0 : i32, i32
  }
  func.func @transform_5(%arg0: i32) -> (i32, i32) {
    %c0_i32 = arith.constant 0 : i32
    %c0_i32_0 = arith.constant 0 : i32
    return %arg0, %c0_i32 : i32, i32
  }
}

module attributes {stable_mosaic.version = 14 : i64} {
  func.func @_mlp_body(%arg0: i32, %arg1: memref<2x2048x32xbf16, #tpu.memory_space<vmem>>, %arg2: memref<2048x6xbf16, #tpu.memory_space<vmem>>, %arg3: memref<134x64xbf16, #tpu.memory_space<vmem>>, %arg4: memref<1x64xf32, #tpu.memory_space<vmem>>, %arg5: memref<64x32xbf16, #tpu.memory_space<vmem>>, %arg6: memref<1x32xf32, #tpu.memory_space<vmem>>, %arg7: memref<1x32xf32, #tpu.memory_space<vmem>>, %arg8: memref<1x1xf32, #tpu.memory_space<vmem>>, %arg9: memref<2048xf32, #tpu.memory_space<vmem>>) attributes {dimension_semantics = [#tpu.dimension_semantics<arbitrary>], iteration_bounds = array<i64: 49>, scalar_prefetch = 0 : i64, scratch_operands = 0 : i64, tpu.core_type = #tpu.core_type<tc>, window_params = [{transform_indices = @transform_0, window_bounds = array<i64: 2, 2048, 32>}, {transform_indices = @transform_1, window_bounds = array<i64: 2048, 6>}, {pipeline_mode = #tpu.pipeline_mode<synchronous>, transform_indices = @transform_2, window_bounds = array<i64: 134, 64>}, {pipeline_mode = #tpu.pipeline_mode<synchronous>, transform_indices = @transform_3, window_bounds = array<i64: 1, 64>}, {pipeline_mode = #tpu.pipeline_mode<synchronous>, transform_indices = @transform_4, window_bounds = array<i64: 64, 32>}, {pipeline_mode = #tpu.pipeline_mode<synchronous>, transform_indices = @transform_5, window_bounds = array<i64: 1, 32>}, {pipeline_mode = #tpu.pipeline_mode<synchronous>, transform_indices = @transform_6, window_bounds = array<i64: 1, 32>}, {pipeline_mode = #tpu.pipeline_mode<synchronous>, transform_indices = @transform_7, window_bounds = array<i64: 1, 1>}, {transform_indices = @transform_8, window_bounds = array<i64: 2048>}]} {
    %get3A = arith.constant 0 : index
    %get3A_0 = arith.constant 0 : index
    %get3A_1 = arith.constant 0 : index
    %get3A_2 = vector.load %arg1[%get3A, %get3A_0, %get3A_1] : memref<2x2048x32xbf16, #tpu.memory_space<vmem>>, vector<1x2048x32xbf16>
    %get3A_3 = vector.shape_cast %get3A_2 : vector<1x2048x32xbf16> to vector<2048x32xbf16>
    %get3A_4 = arith.constant 1 : index
    %get3A_5 = arith.constant 0 : index
    %get3A_6 = arith.constant 0 : index
    %get3A_7 = vector.load %arg1[%get3A_4, %get3A_5, %get3A_6] : memref<2x2048x32xbf16, #tpu.memory_space<vmem>>, vector<1x2048x32xbf16>
    %get3A_8 = vector.shape_cast %get3A_7 : vector<1x2048x32xbf16> to vector<2048x32xbf16>
    %sub3A = arith.subf %get3A_3, %get3A_8 : vector<2048x32xbf16>
    %abs3A = math.absf %sub3A : vector<2048x32xbf16>
    %mul3A = arith.mulf %get3A_3, %get3A_8 : vector<2048x32xbf16>
    %get3A_9 = arith.constant 0 : index
    %get3A_10 = arith.constant 0 : index
    %get3A_11 = vector.load %arg2[%get3A_9, %get3A_10] : memref<2048x6xbf16, #tpu.memory_space<vmem>>, vector<2048x6xbf16>
    %concatenate3A = tpu.concatenate %get3A_3, %get3A_8, %abs3A, %mul3A, %get3A_11 in 1 : vector<2048x32xbf16>, vector<2048x32xbf16>, vector<2048x32xbf16>, vector<2048x32xbf16>, vector<2048x6xbf16> -> vector<2048x134xbf16>
    %get3A_12 = arith.constant 0 : index
    %get3A_13 = arith.constant 0 : index
    %get3A_14 = vector.load %arg3[%get3A_12, %get3A_13] : memref<134x64xbf16, #tpu.memory_space<vmem>>, vector<134x64xbf16>
    %dot_general3A = arith.constant dense<0.000000e+00> : vector<2048x64xf32>
    %dot_general3A_15 = tpu.matmul %concatenate3A, %get3A_14, %dot_general3A {dimension_numbers = #tpu.dot_dimension_numbers<[1], [0], [0], [1], [0, 0, 1, 1], [], []>, transpose_lhs_hint = false} : vector<2048x134xbf16>, vector<134x64xbf16>, vector<2048x64xf32> -> vector<2048x64xf32>
    %get3A_16 = arith.constant 0 : index
    %get3A_17 = arith.constant 0 : index
    %get3A_18 = vector.load %arg4[%get3A_16, %get3A_17] : memref<1x64xf32, #tpu.memory_space<vmem>>, vector<1x64xf32>
    %add3A = vector.broadcast %get3A_18 : vector<1x64xf32> to vector<2048x64xf32>
    %add3A_19 = arith.addf %dot_general3A_15, %add3A : vector<2048x64xf32>
    %max3A = arith.constant 0.000000e+00 : f32
    %max3A_20 = vector.broadcast %max3A : f32 to vector<2048x64xf32>
    %max3A_21 = arith.maximumf %add3A_19, %max3A_20 : vector<2048x64xf32>
    %convert_element_type3A = arith.truncf %max3A_21 : vector<2048x64xf32> to vector<2048x64xbf16>
    %get3A_22 = arith.constant 0 : index
    %get3A_23 = arith.constant 0 : index
    %get3A_24 = vector.load %arg5[%get3A_22, %get3A_23] : memref<64x32xbf16, #tpu.memory_space<vmem>>, vector<64x32xbf16>
    %dot_general3A_25 = arith.constant dense<0.000000e+00> : vector<2048x32xf32>
    %dot_general3A_26 = tpu.matmul %convert_element_type3A, %get3A_24, %dot_general3A_25 {dimension_numbers = #tpu.dot_dimension_numbers<[1], [0], [0], [1], [0, 0, 1, 1], [], []>, transpose_lhs_hint = false} : vector<2048x64xbf16>, vector<64x32xbf16>, vector<2048x32xf32> -> vector<2048x32xf32>
    %get3A_27 = arith.constant 0 : index
    %get3A_28 = arith.constant 0 : index
    %get3A_29 = vector.load %arg6[%get3A_27, %get3A_28] : memref<1x32xf32, #tpu.memory_space<vmem>>, vector<1x32xf32>
    %add3A_30 = vector.broadcast %get3A_29 : vector<1x32xf32> to vector<2048x32xf32>
    %add3A_31 = arith.addf %dot_general3A_26, %add3A_30 : vector<2048x32xf32>
    %max3A_32 = arith.constant 0.000000e+00 : f32
    %max3A_33 = vector.broadcast %max3A_32 : f32 to vector<2048x32xf32>
    %max3A_34 = arith.maximumf %add3A_31, %max3A_33 : vector<2048x32xf32>
    %get3A_35 = arith.constant 0 : index
    %get3A_36 = arith.constant 0 : index
    %get3A_37 = vector.load %arg7[%get3A_35, %get3A_36] : memref<1x32xf32, #tpu.memory_space<vmem>>, vector<1x32xf32>
    %mul3A_38 = vector.broadcast %get3A_37 : vector<1x32xf32> to vector<2048x32xf32>
    %mul3A_39 = arith.mulf %max3A_34, %mul3A_38 : vector<2048x32xf32>
    %reduce_sum3A = arith.constant dense<0.000000e+00> : vector<2048xf32>
    %reduce_sum3A_40 = vector.multi_reduction <add>, %mul3A_39, %reduce_sum3A [1] : vector<2048x32xf32> to vector<2048xf32>
    %get3A_41 = arith.constant 0 : index
    %get3A_42 = arith.constant 0 : index
    %get3A_43 = vector.load %arg8[%get3A_41, %get3A_42] : memref<1x1xf32, #tpu.memory_space<vmem>>, vector<1x1xf32>
    %get3A_44 = vector.extract %get3A_43[0, 0] : f32 from vector<1x1xf32>
    %add3A_45 = vector.broadcast %get3A_44 : f32 to vector<2048xf32>
    %add3A_46 = arith.addf %reduce_sum3A_40, %add3A_45 : vector<2048xf32>
    %swap3A = arith.constant 0 : index
    %swap3A_47 = vector.load %arg9[%swap3A] : memref<2048xf32, #tpu.memory_space<vmem>>, vector<2048xf32>
    tpu.vector_store %arg9[%swap3A], %add3A_46 {strides = array<i32>} : memref<2048xf32, #tpu.memory_space<vmem>>, vector<2048xf32>,
    return
  }
  func.func @transform_0(%arg0: i32) -> (i32, i32, i32) {
    %c0_i32 = arith.constant 0 : i32
    %c0_i32_0 = arith.constant 0 : i32
    %c0_i32_1 = arith.constant 0 : i32
    return %c0_i32, %arg0, %c0_i32_0 : i32, i32, i32
  }
  func.func @transform_1(%arg0: i32) -> (i32, i32) {
    %c0_i32 = arith.constant 0 : i32
    %c0_i32_0 = arith.constant 0 : i32
    return %arg0, %c0_i32 : i32, i32
  }
  func.func @transform_2(%arg0: i32) -> (i32, i32) {
    %c0_i32 = arith.constant 0 : i32
    %c0_i32_0 = arith.constant 0 : i32
    %c0_i32_1 = arith.constant 0 : i32
    return %c0_i32, %c0_i32_0 : i32, i32
  }
  func.func @transform_3(%arg0: i32) -> (i32, i32) {
    %c0_i32 = arith.constant 0 : i32
    %c0_i32_0 = arith.constant 0 : i32
    %c0_i32_1 = arith.constant 0 : i32
    return %c0_i32, %c0_i32_0 : i32, i32
  }
  func.func @transform_4(%arg0: i32) -> (i32, i32) {
    %c0_i32 = arith.constant 0 : i32
    %c0_i32_0 = arith.constant 0 : i32
    %c0_i32_1 = arith.constant 0 : i32
    return %c0_i32, %c0_i32_0 : i32, i32
  }
  func.func @transform_5(%arg0: i32) -> (i32, i32) {
    %c0_i32 = arith.constant 0 : i32
    %c0_i32_0 = arith.constant 0 : i32
    %c0_i32_1 = arith.constant 0 : i32
    return %c0_i32, %c0_i32_0 : i32, i32
  }
  func.func @transform_6(%arg0: i32) -> (i32, i32) {
    %c0_i32 = arith.constant 0 : i32
    %c0_i32_0 = arith.constant 0 : i32
    %c0_i32_1 = arith.constant 0 : i32
    return %c0_i32, %c0_i32_0 : i32, i32
  }
  func.func @transform_7(%arg0: i32) -> (i32, i32) {
    %c0_i32 = arith.constant 0 : i32
    %c0_i32_0 = arith.constant 0 : i32
    %c0_i32_1 = arith.constant 0 : i32
    return %c0_i32, %c0_i32_0 : i32, i32
  }
  func.func @transform_8(%arg0: i32) -> i32 {
    %c0_i32 = arith.constant 0 : i32
    return %arg0 : i32
  }
}

</mosaic_0001>

<sc_bundles>
// kernel: kernel.12.cloned.1.call-start
scs
__scs_entry_jumppad:
0x0: {  	(pc) =	sbr.rel $0x88, $3  }
0x1: {  	(tag) =	ssettag $0x0;
	lr =	simm.s32 $0x1  }
0x2: {  	[smem:$0x3F91] =	sst lr;
	_ =	strace $0xD0000000  }
0x3: {  	_ = 	snop  }
0x4: {  	_ = 	snop  }
0x5: {  	_ = 	snop  }
0x6: {  	_ = 	snop  }
0x7: {  	_ = 	snop  }
__scs_overlays_trampoline_lowered:
0x8: {  	[smem:$0x3FA0] =	sst s0  }
0x9: {  	[smem:$0x3FA1] =	sst s1  }
0xa: {  	[smem:$0x3FA2] =	sst s2  }
0xb: {  	[smem:$0x3FA3] =	sst s3  }
0xc: {  	[smem:$0x3FA4] =	sst s4  }
0xd: {  	[smem:$0x3FA5] =	sst s5  }
0xe: {  	[smem:$0x3FA6] =	sst s6  }
0xf: {  	[smem:$0x3FA7] =	sst s7  }
0x10: {  	[smem:$0x3FA8] =	sst s8  }
0x11: {  	[smem:$0x3FA9] =	sst s9;
	s0 =	simm.s32 @!p0 $0x0  }
0x12: {  	s1 =	sld [smem:$0x3F8F];
	s0 =	simm.s32 @p0 $0x1  }
0x13: {  	[smem:$0x3FAA] =	sst s0;
	s0 =	simm.s32 @!p1 $0x0  }
0x14: {  	s2 =	sld [smem:$0x3F8E];
	s0 =	simm.s32 @p1 $0x1  }
0x15: {  	[smem:$0x3FAB] =	sst s0;
	s0 =	simm.s32 @!p2 $0x0  }
0x16: {  	s3 =	sld [smem:$0x3FDB];
	s0 =	simm.s32 @p2 $0x1  }
0x17: {  	s4 =	simm.s32 $0x1BF5;
	[smem:$0x3FAD] =	sst s0  }
0x18: {  	s0 =	sld [smem:$0x3F90];
	_ =	swait.ge [sflag:s4], $0x0  }
0x19: {  	s7 =	sld [smem:$0x3F91]  }
0x1a: {  	s8 =	sadd.s32 $0xFFFFE003, lr  }
0x1b: {  	s9 =	sadd.s32 $0xFFFFFEF7, lr;
	s5 =	simm.s32 $0xFFFFFFFF;
	p2 =	slt.u32 s8, $0xFFFFF086  }
0x1c: {  	p1 =	slt.u32 s9, $0xF7A;
	s5 =	simm.s32 @!p2 $0x0  }
0x1d: {  	s5 =	simm.s32 @p1 $0x1;
	p0 =	seq.s32 s7, s2  }
0x1e: {  	s7 =	smul.u32 @!p0 $0xF7A, s2;
	p2 =	seq.s32 @!p0 s5, $0x0  }
0x1f: {  	s9 =	smul.u32 $0xF7A, s1;
	s8 =	simm.s32 @!p0 $0x1BF5;
	p2 =	por !p2, p0  }
0x20: {  	[sflag:s8] =	ssyncset.s32 @!p0 $0xFFFFF086;
	s6 =	sadd.s32 @!p0 s3, s7;
	s7 =	simm.s32 @!p0 $0x108  }
0x21: {  	s3 =	sadd.s32 s3, s9;
	s6 =	sadd.s32 @!p0 $0x88, s6;
	s7 =	simm.s32 @p2 $0x1082  }
0x22: {  	[simem:s7], [sflag:s8] =	dma.local @!p0 [hbm:s6], $0xF7A  }
0x23: {  	s9 =	sor.u32 $0xD0000000, s2;
	s6 =	simm.s32 $0x108;
	_ =	swait.ge @!p0 [sflag:s8], $0x0  }
0x24: {  	s3 =	sadd.s32 $0x88, s3;
	s6 =	simm.s32 @!p1 $0x1082;
	[sflag:s4] =	ssyncset.s32 $0xFFFFF086  }
0x25: {  	[simem:s6], [sflag:s4] =	dma.local [hbm:s3], $0xF7A  }
0x26: {  	[smem:$0x3F91] =	sst s1;
	(tag) =	ssettag s2;
	_ =	strace s9  }
0x27: {  	s1 =	sld [smem:$0x3FA1]  }
0x28: {  	s2 =	sld [smem:$0x3FA2]  }
0x29: {  	s4 =	sld [smem:$0x3FA4]  }
0x2a: {  	p0 =	seq.s32 s5, $0x0;
	s5 =	sld [smem:$0x3FA5]  }
0x2b: {  	s6 =	sld [smem:$0x3FA6]  }
0x2c: {  	s7 =	sld [smem:$0x3FA7]  }
0x2d: {  	s3 =	simm.s32 $0x108;
	s8 =	sld [smem:$0x3FA8]  }
0x2e: {  	s3 =	simm.s32 @!p0 $0x1082;
	s9 =	sld [smem:$0x3FA9]  }
0x2f: {  	lr =	sadd.s32 s0, s3;
	s0 =	sld [smem:$0x3FA0]  }
0x30: {  	s3 =	sld [smem:$0x3FA3]  }
0x31: {  	[smem:$0x3FAC] =	sst s10  }
0x32: {  	s10 =	sld [smem:$0x3FAA];
	_ =	sdelay $0x3  }
0x33: {  	p0 =	seq.s32 s10, $0x1;
	s10 =	sld [smem:$0x3FAC];
	_ =	sdelay $0x3  }
0x34: {  	[smem:$0x3FAC] =	sst s10  }
0x35: {  	s10 =	sld [smem:$0x3FAB];
	_ =	sdelay $0x3  }
0x36: {  	p1 =	seq.s32 s10, $0x1;
	s10 =	sld [smem:$0x3FAC];
	_ =	sdelay $0x3  }
0x37: {  	[smem:$0x3FAC] =	sst s10  }
0x38: {  	s10 =	sld [smem:$0x3FAD]  }
0x39: {  	_ = 	snop;
	(pc) =	sbr.ind lr, $3  }
0x3a: {  	_ = 	snop  }
0x3b: {  	_ = 	snop  }
0x3c: {  	p2 =	seq.s32 s10, $0x1;
	s10 =	sld [smem:$0x3FAC]  }
0x3d: {  	_ =	shalt  }
0x3e: {  	_ =	shalt  }
0x3f: {  	_ =	shalt  }
0x40: {  	_ =	shalt  }
0x41: {  	_ =	shalt  }
0x42: {  	_ =	shalt  }
0x43: {  	_ =	shalt  }
0x44: {  	_ =	shalt  }
0x45: {  	_ =	shalt  }
0x46: {  	_ =	shalt  }
0x47: {  	_ =	shalt  }
0x48: {  	_ =	shalt  }
0x49: {  	_ =	shalt  }
0x4a: {  	_ =	shalt  }
0x4b: {  	_ =	shalt  }
0x4c: {  	_ =	shalt  }
0x4d: {  	_ =	shalt  }
0x4e: {  	_ =	shalt  }
0x4f: {  	_ =	shalt  }
0x50: {  	_ =	shalt  }
0x51: {  	_ =	shalt  }
0x52: {  	_ =	shalt  }
0x53: {  	_ =	shalt  }
0x54: {  	_ =	shalt  }
0x55: {  	_ =	shalt  }
0x56: {  	_ =	shalt  }
0x57: {  	_ =	shalt  }
0x58: {  	_ =	shalt  }
0x59: {  	_ =	shalt  }
0x5a: {  	_ =	shalt  }
0x5b: {  	_ =	shalt  }
0x5c: {  	_ =	shalt  }
0x5d: {  	_ =	shalt  }
0x5e: {  	_ =	shalt  }
0x5f: {  	_ =	shalt  }
0x60: {  	_ =	shalt  }
0x61: {  	_ =	shalt  }
0x62: {  	_ =	shalt  }
0x63: {  	_ =	shalt  }
0x64: {  	_ =	shalt  }
0x65: {  	_ =	shalt  }
0x66: {  	_ =	shalt  }
0x67: {  	_ =	shalt  }
0x68: {  	_ =	shalt  }
0x69: {  	_ =	shalt  }
0x6a: {  	_ =	shalt  }
0x6b: {  	_ =	shalt  }
0x6c: {  	_ =	shalt  }
0x6d: {  	_ =	shalt  }
0x6e: {  	_ =	shalt  }
0x6f: {  	_ =	shalt  }
0x70: {  	_ =	shalt  }
0x71: {  	_ =	shalt  }
0x72: {  	_ =	shalt  }
0x73: {  	_ =	shalt  }
0x74: {  	_ =	shalt  }
0x75: {  	_ =	shalt  }
0x76: {  	_ =	shalt  }
0x77: {  	_ =	shalt  }
0x78: {  	_ =	shalt  }
0x79: {  	_ =	shalt  }
0x7a: {  	_ =	shalt  }
0x7b: {  	_ =	shalt  }
0x7c: {  	_ =	shalt  }
0x7d: {  	_ =	shalt  }
0x7e: {  	_ =	shalt  }
0x7f: {  	_ =	shalt  }
0x80: {  	_ =	shalt  }
0x81: {  	_ =	shalt  }
0x82: {  	_ =	shalt  }
0x83: {  	_ =	shalt  }
0x84: {  	_ =	shalt  }
0x85: {  	_ =	shalt  }
0x86: {  	_ =	shalt  }
0x87: {  	_ =	shalt  }
.Lfunc_end0:
.L_simem_size_0:
called_computation.1_lowered:
.L_overlay_start_0:
0x88: {  	s2 =	sld [smem:$0x3FD9]  }
0x89: {  	s3 =	sld [smem:$0x3FFE];
	_ =	sdelay $0x1  }
0x8a: {  	s1 =	srdreg.scid  }
0x8b: {  	s0 =	sand.u32 $0x1, s1  }
0x8c: {  	s17 =	sshll.u32 s0, $0xA;
	s2 =	sadd.s32 s3, s2  }
0x8d: {  	s2 =	sadd.s32 s2, s17  }
0x8e: {  	[smem:$0x3FB8] =	sst s2  }
0x8f: {  	_ = 	snop  }
0x90: {  	s2 =	sld [smem:$0x3FD0];
	(tm) =	ssettm $0x1  }
0x91: {  	s18 =	sld [smem:$0x3FFB];
	_ =	sdelay $0x3  }
0x92: {  	_ =	strace s18  }
0x93: {  	s3 =	sld [smem:$0x3FFC];
	_ =	sdelay $0x3  }
0x94: {  	_ =	strace s3  }
0x95: {  	s3 =	sld [smem:$0x3FFD];
	_ =	sdelay $0x3  }
0x96: {  	_ =	strace s3  }
0x97: {  	_ =	strace $0x8FFFFFFF  }
0x98: {  	s19 =	sld [smem:$0x3FDB];
	_ =	sdelay $0x1  }
0x99: {  	s4 =	simm.s32 $_scs_section_size  }
0x9a: {  	s5 =	simm.s32 $_size__tile_overlayer_lowered;
	s6 =	simm.s32 $_tile_overlayer_lowered  }
0x9b: {  	s22 =	simm.s32 $0x1BFF;
	s21 =	sshll.u32 s6, $0x1;
	s3 =	sadd.s32 s4, s19  }
0x9c: {  	s7 =	simm.s32 $0x0;
	s20 =	sshll.u32 s5, $0x1;
	s5 =	sadd.s32 s21, s3  }
0x9d: {  	[timem:s7], [sflag:s22] =	dma.local [hbm:s5], s20  }
0x9e: {  	_ =	swait.ge [sflag:s22], s20  }
0x9f: {  	s4 =	ssub.s32 $0x0, s20;
	[sflag:s22] =	ssyncset.done $0x0  }
0xa0: {  	[sflag:s22] =	ssyncadd.s32 s4;
	_ =	sdelay $0x1  }
0xa1: {  	s23 =	simm.s32 $0x1B8B  }
0xa2: {  	_ =	swait.ge [sflag:s23], $0x1  }
0xa3: {  	[sflag:s23] =	ssyncset.done $0x0  }
0xa4: {  	s25 =	simm.s32 $0x1B8E;
	s24 =	sld [smem:$0x3FFE];
	[sflag:s23] =	ssyncadd.s32 $0xFFFFFFFF  }
0xa5: {  	s26 =	simm.s32 $execute0_lowered;
	[smem:$0x3FD2] =	sst s25  }
0xa6: {  	s5 =	sshll.u32 s26, $0x1;
	_ =	strace $0x80000049;
	[dreg:$0x1] =	wrdreg $0xFFFFFFFF  }
0xa7: {  	s28 =	simm.s32 $_size_execute0_lowered;
	s3 =	sadd.s32 s3, s5;
	[dreg:$0x0] =	wrdreg $0x0  }
0xa8: {  	s5 =	sshll.u32 s28, $0x1;
	[dreg:$0x2] =	wrdreg s3  }
0xa9: {  	[dreg:$0x3] =	wrdreg s5  }
0xaa: {  	[dreg:$0x4] =	wrdreg $0xC0  }
0xab: {  	_ =	task [dreg:s7], $0x5FFFF  }
0xac: {  	[dreg:$0x1] =	wrdreg $0xFFFFFFFF  }
0xad: {  	[dreg:$0x0] =	wrdreg $0x60  }
0xae: {  	[dreg:$0x2] =	wrdreg s24  }
0xaf: {  	[dreg:$0x3] =	wrdreg s2  }
0xb0: {  	[dreg:$0x4] =	wrdreg $0x7F400  }
0xb1: {  	[dreg:$0x5] =	wrdreg $0x9  }
0xb2: {  	_ =	task.clear_ibuf [dreg:s7], $0x6FFFF;
	_ =	strace $0x90000049  }
0xb3: {  	s29 =	simm.s32 $0x9;
	_ =	strace $0x8000004B  }
0xb4: {  	_ =	swait.ge [sflag:s29], $0x1  }
0xb5: {  	[sflag:s29] =	ssyncadd.s32 $0xFFFFFFFF  }
0xb6: {  	_ =	strace $0x9000004B  }
0xb7: {  	_ =	sfence  }
0xb8: {  	s30 =	sld [smem:$0x0];
	_ =	sdelay $0x2  }
0xb9: {  	s31 =	sshll.u32 s1, $0xD;
	s1 =	sshrl.u32 s1, $0x2  }
0xba: {  	s3 =	sand.u32 $0x4000, s31;
	s1 =	sadd.s32 s1, s30  }
0xbb: {  	s0 =	sor.u32 s3, s0;
	s1 =	sshll.u32 s1, $0x11  }
0xbc: {  	s0 =	sor.u32 s1, s0  }
0xbd: {  	s0 =	sadd.s32 $0x8F2B, s0  }
0xbe: {  	[sflag:s0] =	ssyncadd.remote.s32 $0x1  }
0xbf: {  	_ =	sfence.sel $0xFFFF  }
0xc0: {  	[dreg:$0x0] =	wrdreg $0xFFFFFFFF;
	(pc) =	sbr.abs _section_cstart, $3  }
0xc1: {  	[dreg:$0x1] =	wrdreg $0xFFFFFFFF  }
0xc2: {  	_ =	task.clear_ibuf [dreg:s7], $0x2FFFF;
	_ =	strace $0x9FFFFFFF  }
0xc3: {  	(tm) =	ssettm $0x7FFFFFFF  }
tec
execute0_lowered:
.L_overlay_start_1:
0x0: {  	(tag) =	ssettag $0x1  }
0x1: {  	s0 =	rddreg [dreg:$0x0];
	s1 =	srdreg.scid  }
0x2: {  	s5 =	stileid.u32;
	s3 =	rddreg [dreg:$0x2];
	s4 =	simm.s32 $0x0  }
0x3: {  	s19 =	simm.s32 $0x6F40;
	s20 =	simm.s32 $0x5;
	s21 =	simm.s32 $0x2800  }
0x4: {  	s22 =	simm.s32 $0x7D;
	s23 =	simm.s32 $0x5000;
	s24 =	simm.s32 $0x1  }
0x5: {  	s28 =	simm.s32 $0x3;
	s30 =	simm.s32 $0x2;
	s25 =	simm.s32 $0x4F80  }
0x6: {  	s29 =	simm.s32 $0x0;
	s1 =	sand.u32 $0x1, s1;
	s2 =	sshll.u32 s5, $0x1  }
0x7: {  	[smem:$0x7FF] =	sst s4;
	s11 =	smul.u32 $0x5000, s5;
	s5 =	sadd.s32 $0x2A00, s0  }
0x8: {  	s2 =	sor.u32 s1, s2;
	s6 =	ssub.s32 $0x2, s1;
	s1 =	smul.u32 $0x50000, s1  }
0x9: {  	_ =	strace $0x8000004A;
	s2 =	smul.u32 $0x2800, s2;
	s7 =	sshrl.u32 s6, $0x1  }
0xa: {  	s12 =	sadd.s32 $0x1000, s11;
	s15 =	sadd.s32 $0x2000, s11;
	s16 =	sadd.s32 $0x3000, s11  }
0xb: {  	s17 =	sadd.s32 $0x4000, s11;
	s18 =	ssub.s32 s6, s7;
	s6 =	sadd.s32 s11, s3  }
0xc: {  	s7 =	sadd.s32 s12, s3;
	s8 =	sadd.s32 s15, s3;
	s9 =	sadd.s32 s16, s3  }
0xd: {  	s10 =	sadd.s32 s17, s3;
	s13 =	sadd.s32 s11, s1;
	s12 =	sadd.s32 s1, s12  }
0xe: {  	s26 =	sadd.s32 s1, s15;
	s31 =	sadd.s32 s1, s16;
	s1 =	sadd.s32 s1, s17  }
0xf: {  	s2 =	sshrl.u32 s2, $0x3;
	s13 =	sshrl.u32 s13, $0x3;
	s14 =	sshrl.u32 s12, $0x3  }
0x10: {  	s16 =	sshrl.u32 s31, $0x3;
	s1 =	sshrl.u32 s1, $0x3;
	s2 =	sadd.s32 s2, s0  }
0x11: {  	s18 =	smax.u32 s18, $0x1;
	s0 =	sadd.s32 $0x2F200, s0;
	s11 =	sadd.s32 $0x1B200, s2  }
0x12: {  	s12 =	sadd.s32 $0x25200, s2;
	s13 =	sadd.s32 s0, s13;
	s14 =	sadd.s32 s0, s14  }
0x13: {  	s2 =	sshrl.u32 s26, $0x3;
	s16 =	sadd.s32 s0, s16;
	s17 =	sadd.s32 s0, s1  }
0x14: {  	s26 =	simm.s32 $0x5FA0;
	s1 =	simm.s32 $0x4;
	s15 =	sadd.s32 s0, s2  }
.LBB2_1:
0x15: {  	s0 =	rddreg [dreg:$0x1]  }
0x16: {  	[tilespmem:s19], [sflag:$0x5] =	stream.linear.gather [hbm4b:s0+s4], $0x1000, $0x38;
	[tilespmem:$0xCF40] =	vst v63  }
0x17: {  	_ =	swait.ge [sflag:s20], $0x1000  }
0x18: {  	[sflag:s20] =	ssyncset.done $0x0  }
0x19: {  	[sflag:s20] =	ssyncadd.s32 $0xFFFFF000  }
0x1a: {  	[spmem:s6] =	stream.linear.scatter [tilespmem:s19], [sflag:$0x5], $0x1000, $0x38;
	[tilespmem:$0xCF40] =	vst v63  }
0x1b: {  	_ =	swait.ge [sflag:s20], $0x1000  }
0x1c: {  	[sflag:s20] =	ssyncset.done $0x0  }
0x1d: {  	[sflag:s20] =	ssyncadd.s32 $0xFFFFF000  }
0x1e: {  	[spmem:s7] =	stream.linear.scatter [tilespmem:s19], [sflag:$0x5], $0x1000, $0x38;
	[tilespmem:$0xCF40] =	vst v63  }
0x1f: {  	_ =	swait.ge [sflag:s20], $0x1000  }
0x20: {  	[sflag:s20] =	ssyncset.done $0x0  }
0x21: {  	[sflag:s20] =	ssyncadd.s32 $0xFFFFF000  }
0x22: {  	[spmem:s8] =	stream.linear.scatter [tilespmem:s19], [sflag:$0x5], $0x1000, $0x38;
	[tilespmem:$0xCF40] =	vst v63  }
0x23: {  	_ =	swait.ge [sflag:s20], $0x1000  }
0x24: {  	[sflag:s20] =	ssyncset.done $0x0  }
0x25: {  	[sflag:s20] =	ssyncadd.s32 $0xFFFFF000  }
0x26: {  	[spmem:s9] =	stream.linear.scatter [tilespmem:s19], [sflag:$0x5], $0x1000, $0x38;
	[tilespmem:$0xCF40] =	vst v63  }
0x27: {  	_ =	swait.ge [sflag:s20], $0x1000  }
0x28: {  	[sflag:s20] =	ssyncset.done $0x0  }
0x29: {  	[sflag:s20] =	ssyncadd.s32 $0xFFFFF000  }
0x2a: {  	[spmem:s10] =	stream.linear.scatter [tilespmem:s19], [sflag:$0x5], $0x1000, $0x38;
	[tilespmem:$0xCF40] =	vst v63  }
0x2b: {  	_ =	swait.ge [sflag:s20], $0x1000  }
0x2c: {  	[sflag:s20] =	ssyncset.done $0x0  }
0x2d: {  	[sflag:s20] =	ssyncadd.s32 $0xFFFFF000  }
0x2e: {  	[tilespmem:s4], [sflag:$0x5] =	stream.linear.gather [hbm4b:s11+s4], $0x2800, $0x38;
	[tilespmem:$0xCF40] =	vst v63  }
0x2f: {  	_ =	swait.ge [sflag:s20], $0x2800  }
0x30: {  	[sflag:s20] =	ssyncset.done $0x0  }
0x31: {  	[sflag:s20] =	ssyncadd.s32 $0xFFFFD800  }
0x32: {  	[tilespmem:s21], [sflag:$0x5] =	stream.linear.gather [hbm4b:s12+s4], $0x2800, $0x38;
	[tilespmem:$0xCF40] =	vst v63  }
0x33: {  	_ =	swait.ge [sflag:s20], $0x2800  }
0x34: {  	[sflag:s20] =	ssyncset.done $0x0  }
0x35: {  	[sflag:s20] =	ssyncadd.s32 $0xFFFFD800  }
0x36: {  	[bflag:$0x0] =	sbarrier.arrive $0xFFFF  }
0x37: {  	[tilespmem:s23], [sflag:$0x1] =	stream.indirect.gather [hbm4b:s5+s22], $0x20, s4, s22, $0xb8;
	[tilespmem:$0xCF40] =	vst v63  }
0x38: {  	_ =	swait.ge [sflag:s24], $0xFA0  }
0x39: {  	[sflag:s24] =	ssyncset.done $0x0  }
0x3a: {  	s2 =	simm.s32 $0x80;
	[sflag:s24] =	ssyncadd.s32 $0xFFFFF060  }
0x3b: {  	[tilespmem:s26], [sflag:$0x2] =	stream.indirect.gather [hbm4b:s5+s22], $0x20, s2, s22, $0xb8;
	[tilespmem:$0xCF40] =	vst v63  }
0x3c: {  	_ = 	snop  }
0x3d: {  	[spmem:s3] =	stream.indirect.scatter.add.f32 [tilespmem:s23], [sflag:$0x3], $0x20, s21, s22, $0xb8;
	[tilespmem:$0xCF40] =	vst v63  }
0x3e: {  	_ =	swait.ge [sflag:s28], $0xFA0  }
0x3f: {  	[sflag:s28] =	ssyncset.done $0x0  }
0x40: {  	s2 =	simm.s32 $0x100;
	[sflag:s28] =	ssyncadd.s32 $0xFFFFF060  }
0x41: {  	[tilespmem:s23], [sflag:$0x1] =	stream.indirect.gather [hbm4b:s5+s22], $0x20, s2, s22, $0xb8;
	[tilespmem:$0xCF40] =	vst v63  }
0x42: {  	_ =	swait.ge [sflag:s30], $0xFA0  }
0x43: {  	[sflag:s30] =	ssyncset.done $0x0  }
0x44: {  	s2 =	simm.s32 $0x2880;
	[sflag:s30] =	ssyncadd.s32 $0xFFFFF060  }
0x45: {  	[spmem:s3] =	stream.indirect.scatter.add.f32 [tilespmem:s26], [sflag:$0x4], $0x20, s2, s22, $0xb8;
	[tilespmem:$0xCF40] =	vst v63  }
0x46: {  	_ =	swait.ge [sflag:s1], $0xFA0  }
0x47: {  	[sflag:s1] =	ssyncset.done $0x0  }
0x48: {  	[sflag:s1] =	ssyncadd.s32 $0xFFFFF060  }
0x49: {  	_ =	swait.ge [sflag:s24], $0xFA0  }
0x4a: {  	[sflag:s24] =	ssyncset.done $0x0  }
0x4b: {  	s2 =	simm.s32 $0x180;
	[sflag:s24] =	ssyncadd.s32 $0xFFFFF060  }
0x4c: {  	[tilespmem:s26], [sflag:$0x2] =	stream.indirect.gather [hbm4b:s5+s22], $0x20, s2, s22, $0xb8;
	[tilespmem:$0xCF40] =	vst v63  }
0x4d: {  	s2 =	simm.s32 $0x2900  }
0x4e: {  	[spmem:s3] =	stream.indirect.scatter.add.f32 [tilespmem:s23], [sflag:$0x3], $0x20, s2, s22, $0xb8;
	[tilespmem:$0xCF40] =	vst v63  }
0x4f: {  	_ =	swait.ge [sflag:s28], $0xFA0  }
0x50: {  	[sflag:s28] =	ssyncset.done $0x0  }
0x51: {  	s2 =	simm.s32 $0x200;
	[sflag:s28] =	ssyncadd.s32 $0xFFFFF060  }
0x52: {  	[tilespmem:s23], [sflag:$0x1] =	stream.indirect.gather [hbm4b:s5+s22], $0x20, s2, s22, $0xb8;
	[tilespmem:$0xCF40] =	vst v63  }
0x53: {  	_ =	swait.ge [sflag:s30], $0xFA0  }
0x54: {  	[sflag:s30] =	ssyncset.done $0x0  }
0x55: {  	s31 =	simm.s32 $0xFFFF6C00;
	s0 =	simm.s32 $0x2980;
	[sflag:s30] =	ssyncadd.s32 $0xFFFFF060  }
.LBB2_2:
0x56: {  	[spmem:s3] =	stream.indirect.scatter.add.f32 [tilespmem:s26], [sflag:$0x4], $0x20, s0, s22, $0xb8;
	[tilespmem:$0xCF40] =	vst v63  }
0x57: {  	s0 =	smov.u32 s31  }
0x58: {  	p0 =	sne.s32 s31, $0xFFFFFC00;
	s31 =	sadd.s32 $0x400, s31;
	_ =	swait.ge [sflag:s1], $0xFA0  }
0x59: {  	[sflag:s1] =	ssyncset.done $0x0  }
0x5a: {  	[sflag:s1] =	ssyncadd.s32 $0xFFFFF060  }
0x5b: {  	_ =	swait.ge [sflag:s24], $0xFA0  }
0x5c: {  	s0 =	sshra.s32 s0, $0x2;
	[sflag:s24] =	ssyncset.done $0x0  }
0x5d: {  	s2 =	sadd.s32 $0x2780, s0;
	[sflag:s24] =	ssyncadd.s32 $0xFFFFF060  }
0x5e: {  	[tilespmem:s26], [sflag:$0x2] =	stream.indirect.gather [hbm4b:s5+s22], $0x20, s2, s22, $0xb8;
	[tilespmem:$0xCF40] =	vst v63  }
0x5f: {  	s2 =	sadd.s32 $0x4F00, s0  }
0x60: {  	[spmem:s3] =	stream.indirect.scatter.add.f32 [tilespmem:s23], [sflag:$0x3], $0x20, s2, s22, $0xb8;
	[tilespmem:$0xCF40] =	vst v63  }
0x61: {  	_ =	swait.ge [sflag:s28], $0xFA0  }
0x62: {  	[sflag:s28] =	ssyncset.done $0x0  }
.Ltmp0:
0x63: {  	s2 =	sadd.s32 $0x2800, s0;
	[sflag:s28] =	ssyncadd.s32 $0xFFFFF060;
	(pc) =	sbr.rel @p0 .LBB2_2-.Ltmp0, $4  }
0x64: {  	[tilespmem:s23], [sflag:$0x1] =	stream.indirect.gather [hbm4b:s5+s22], $0x20, s2, s22, $0xb8;
	[tilespmem:$0xCF40] =	vst v63  }
0x65: {  	_ =	swait.ge [sflag:s30], $0xFA0  }
0x66: {  	[sflag:s30] =	ssyncset.done $0x0  }
0x67: {  	s0 =	sadd.s32 $0x4F80, s0;
	[sflag:s30] =	ssyncadd.s32 $0xFFFFF060  }
0x68: {  	[spmem:s3] =	stream.indirect.scatter.add.f32 [tilespmem:s26], [sflag:$0x4], $0x20, s0, s22, $0xb8;
	[tilespmem:$0xCF40] =	vst v63  }
0x69: {  	_ =	swait.ge [sflag:s1], $0xFA0  }
0x6a: {  	[sflag:s1] =	ssyncset.done $0x0  }
0x6b: {  	[sflag:s1] =	ssyncadd.s32 $0xFFFFF060  }
0x6c: {  	_ =	swait.ge [sflag:s24], $0xFA0  }
0x6d: {  	[sflag:s24] =	ssyncset.done $0x0  }
0x6e: {  	s2 =	simm.s32 $0x2780;
	[sflag:s24] =	ssyncadd.s32 $0xFFFFF060  }
0x6f: {  	[tilespmem:s26], [sflag:$0x2] =	stream.indirect.gather [hbm4b:s5+s22], $0x20, s2, s22, $0xb8;
	[tilespmem:$0xCF40] =	vst v63  }
0x70: {  	s31 =	simm.s32 $0x4F00  }
0x71: {  	[spmem:s3] =	stream.indirect.scatter.add.f32 [tilespmem:s23], [sflag:$0x3], $0x20, s31, s22, $0xb8;
	[tilespmem:$0xCF40] =	vst v63  }
0x72: {  	_ =	swait.ge [sflag:s28], $0xFA0  }
0x73: {  	[sflag:s28] =	ssyncset.done $0x0  }
0x74: {  	[sflag:s28] =	ssyncadd.s32 $0xFFFFF060  }
0x75: {  	_ =	swait.ge [sflag:s30], $0xFA0  }
0x76: {  	[sflag:s30] =	ssyncset.done $0x0  }
0x77: {  	[sflag:s30] =	ssyncadd.s32 $0xFFFFF060  }
0x78: {  	[spmem:s3] =	stream.indirect.scatter.add.f32 [tilespmem:s26], [sflag:$0x4], $0x20, s25, s22, $0xb8;
	[tilespmem:$0xCF40] =	vst v63  }
0x79: {  	_ =	swait.ge [sflag:s1], $0xFA0  }
0x7a: {  	[sflag:s1] =	ssyncset.done $0x0  }
0x7b: {  	[sflag:s1] =	ssyncadd.s32 $0xFFFFF060  }
0x7c: {  	[bflag:$0x0] =	sbarrier.arrive $0xFFFF  }
0x7d: {  	[tilespmem:s19], [sflag:$0x5] =	stream.linear.gather [spmem:s6], $0x1000, $0x38;
	[tilespmem:$0xCF40] =	vst v63  }
0x7e: {  	_ =	swait.ge [sflag:s20], $0x1000  }
0x7f: {  	[sflag:s20] =	ssyncset.done $0x0  }
0x80: {  	[sflag:s20] =	ssyncadd.s32 $0xFFFFF000  }
0x81: {  	[hbm4b:s13+s4] =	stream.linear.scatter [tilespmem:s19], [sflag:$0x5], $0x1000, $0x38;
	[tilespmem:$0xCF40] =	vst v63  }
0x82: {  	_ =	swait.ge [sflag:s20], $0x1000  }
0x83: {  	[sflag:s20] =	ssyncset.done $0x0  }
0x84: {  	[sflag:s20] =	ssyncadd.s32 $0xFFFFF000  }
0x85: {  	[tilespmem:s19], [sflag:$0x5] =	stream.linear.gather [spmem:s7], $0x1000, $0x38;
	[tilespmem:$0xCF40] =	vst v63  }
0x86: {  	_ =	swait.ge [sflag:s20], $0x1000  }
0x87: {  	[sflag:s20] =	ssyncset.done $0x0  }
0x88: {  	[sflag:s20] =	ssyncadd.s32 $0xFFFFF000  }
0x89: {  	[hbm4b:s14+s4] =	stream.linear.scatter [tilespmem:s19], [sflag:$0x5], $0x1000, $0x38;
	[tilespmem:$0xCF40] =	vst v63  }
0x8a: {  	_ =	swait.ge [sflag:s20], $0x1000  }
0x8b: {  	[sflag:s20] =	ssyncset.done $0x0  }
0x8c: {  	[sflag:s20] =	ssyncadd.s32 $0xFFFFF000  }
0x8d: {  	[tilespmem:s19], [sflag:$0x5] =	stream.linear.gather [spmem:s8], $0x1000, $0x38;
	[tilespmem:$0xCF40] =	vst v63  }
0x8e: {  	_ =	swait.ge [sflag:s20], $0x1000  }
0x8f: {  	[sflag:s20] =	ssyncset.done $0x0  }
0x90: {  	[sflag:s20] =	ssyncadd.s32 $0xFFFFF000  }
0x91: {  	[hbm4b:s15+s4] =	stream.linear.scatter [tilespmem:s19], [sflag:$0x5], $0x1000, $0x38;
	[tilespmem:$0xCF40] =	vst v63  }
0x92: {  	_ =	swait.ge [sflag:s20], $0x1000  }
0x93: {  	[sflag:s20] =	ssyncset.done $0x0  }
0x94: {  	[sflag:s20] =	ssyncadd.s32 $0xFFFFF000  }
0x95: {  	[tilespmem:s19], [sflag:$0x5] =	stream.linear.gather [spmem:s9], $0x1000, $0x38;
	[tilespmem:$0xCF40] =	vst v63  }
0x96: {  	_ =	swait.ge [sflag:s20], $0x1000  }
0x97: {  	[sflag:s20] =	ssyncset.done $0x0  }
0x98: {  	[sflag:s20] =	ssyncadd.s32 $0xFFFFF000  }
0x99: {  	[hbm4b:s16+s4] =	stream.linear.scatter [tilespmem:s19], [sflag:$0x5], $0x1000, $0x38;
	[tilespmem:$0xCF40] =	vst v63  }
0x9a: {  	_ =	swait.ge [sflag:s20], $0x1000  }
0x9b: {  	[sflag:s20] =	ssyncset.done $0x0  }
0x9c: {  	[sflag:s20] =	ssyncadd.s32 $0xFFFFF000  }
0x9d: {  	[tilespmem:s19], [sflag:$0x5] =	stream.linear.gather [spmem:s10], $0x1000, $0x38;
	[tilespmem:$0xCF40] =	vst v63  }
0x9e: {  	s29 =	sadd.s32 $0x1, s29;
	_ =	swait.ge [sflag:s20], $0x1000  }
0x9f: {  	p0 =	sne.s32 s29, s18;
	[sflag:s20] =	ssyncset.done $0x0  }
.Ltmp1:
0xa0: {  	[sflag:s20] =	ssyncadd.s32 $0xFFFFF000;
	(pc) =	sbr.rel @p0 .LBB2_1-.Ltmp1, $4  }
0xa1: {  	[hbm4b:s17+s4] =	stream.linear.scatter [tilespmem:s19], [sflag:$0x5], $0x1000, $0x38;
	[tilespmem:$0xCF40] =	vst v63  }
0xa2: {  	_ =	swait.ge [sflag:s20], $0x1000  }
0xa3: {  	[sflag:s20] =	ssyncset.done $0x0  }
0xa4: {  	[sflag:s20] =	ssyncadd.s32 $0xFFFFF000  }
0xa5: {  	_ =	sfence.sel $0x180000  }
0xa6: {  	[bflag:$0x0] =	sbarrier.arrive $0xFFFF  }
0xa7: {  	_ =	strace $0x9000004A  }
0xa8: {  	s0 =	stileid.u32;
	[bflag:$0x2] =	sbarrier.arrive $0xFFFF  }
0xa9: {  	p0 =	sne.s32 s0, $0x0;
	s0 =	rddreg [dreg:$0x3]  }
0xaa: {  	s0 =	sadd.s32 @!p0 $0x100000, s0  }
0xab: {  	[sflag:s0] =	ssyncadd.tile.s32 @!p0 $0x1;
	_ =	shalt  }
.Lfunc_end2:
_tile_overlayer_lowered:
.L_overlay_start_2:
0xac: {  	(tag) =	ssettag $0x2  }
0xad: {  	s0 =	rddreg [dreg:$0x0];
	s2 =	stileid.u32  }
0xae: {  	s1 =	rddreg [dreg:$0x1];
	p0 =	sne.s32 s2, $0x0  }
0xaf: {  	s3 =	rddreg [dreg:$0x2];
	[bflag:$0x3] =	sbarrier.arrive $0xFFFF;
	s2 =	simm.s32 @!p0 $0x1C05  }
0xb0: {  	[timem:s3], [sflag:s2] =	dma.local @!p0 [hbm:s0], s1  }
0xb1: {  	s0 =	simm.s32 @!p0 $0x5  }
0xb2: {  	_ =	swait.ge @!p0 [sflag:s0], s1  }
0xb3: {  	s1 =	ssub.s32 @!p0 $0x0, s1;
	[sflag:s0] =	ssyncset.done @!p0 $0x0  }
0xb4: {  	[sflag:s0] =	ssyncadd.s32 @!p0 s1  }
0xb5: {  	[bflag:$0x3] =	sbarrier.arrive $0xFFFF  }
0xb6: {  	_ =	shalt  }

// kernel: kernel.15.cloned.1.call-start
scs
__scs_entry_jumppad:
0x0: {  	(pc) =	sbr.rel $0x88, $3  }
0x1: {  	(tag) =	ssettag $0x0;
	lr =	simm.s32 $0x1  }
0x2: {  	[smem:$0x3F91] =	sst lr;
	_ =	strace $0xD0000000  }
0x3: {  	_ = 	snop  }
0x4: {  	_ = 	snop  }
0x5: {  	_ = 	snop  }
0x6: {  	_ = 	snop  }
0x7: {  	_ = 	snop  }
__scs_overlays_trampoline_lowered:
0x8: {  	[smem:$0x3FA0] =	sst s0  }
0x9: {  	[smem:$0x3FA1] =	sst s1  }
0xa: {  	[smem:$0x3FA2] =	sst s2  }
0xb: {  	[smem:$0x3FA3] =	sst s3  }
0xc: {  	[smem:$0x3FA4] =	sst s4  }
0xd: {  	[smem:$0x3FA5] =	sst s5  }
0xe: {  	[smem:$0x3FA6] =	sst s6  }
0xf: {  	[smem:$0x3FA7] =	sst s7  }
0x10: {  	[smem:$0x3FA8] =	sst s8  }
0x11: {  	[smem:$0x3FA9] =	sst s9;
	s0 =	simm.s32 @!p0 $0x0  }
0x12: {  	s1 =	sld [smem:$0x3F8F];
	s0 =	simm.s32 @p0 $0x1  }
0x13: {  	[smem:$0x3FAA] =	sst s0;
	s0 =	simm.s32 @!p1 $0x0  }
0x14: {  	s2 =	sld [smem:$0x3F8E];
	s0 =	simm.s32 @p1 $0x1  }
0x15: {  	[smem:$0x3FAB] =	sst s0;
	s0 =	simm.s32 @!p2 $0x0  }
0x16: {  	s3 =	sld [smem:$0x3FDB];
	s0 =	simm.s32 @p2 $0x1  }
0x17: {  	s4 =	simm.s32 $0x1BF5;
	[smem:$0x3FAD] =	sst s0  }
0x18: {  	s0 =	sld [smem:$0x3F90];
	_ =	swait.ge [sflag:s4], $0x0  }
0x19: {  	s7 =	sld [smem:$0x3F91]  }
0x1a: {  	s8 =	sadd.s32 $0xFFFFE003, lr  }
0x1b: {  	s9 =	sadd.s32 $0xFFFFFEF7, lr;
	s5 =	simm.s32 $0xFFFFFFFF;
	p2 =	slt.u32 s8, $0xFFFFF086  }
0x1c: {  	p1 =	slt.u32 s9, $0xF7A;
	s5 =	simm.s32 @!p2 $0x0  }
0x1d: {  	s5 =	simm.s32 @p1 $0x1;
	p0 =	seq.s32 s7, s2  }
0x1e: {  	s7 =	smul.u32 @!p0 $0xF7A, s2;
	p2 =	seq.s32 @!p0 s5, $0x0  }
0x1f: {  	s9 =	smul.u32 $0xF7A, s1;
	s8 =	simm.s32 @!p0 $0x1BF5;
	p2 =	por !p2, p0  }
0x20: {  	[sflag:s8] =	ssyncset.s32 @!p0 $0xFFFFF086;
	s6 =	sadd.s32 @!p0 s3, s7;
	s7 =	simm.s32 @!p0 $0x108  }
0x21: {  	s3 =	sadd.s32 s3, s9;
	s6 =	sadd.s32 @!p0 $0x88, s6;
	s7 =	simm.s32 @p2 $0x1082  }
0x22: {  	[simem:s7], [sflag:s8] =	dma.local @!p0 [hbm:s6], $0xF7A  }
0x23: {  	s9 =	sor.u32 $0xD0000000, s2;
	s6 =	simm.s32 $0x108;
	_ =	swait.ge @!p0 [sflag:s8], $0x0  }
0x24: {  	s3 =	sadd.s32 $0x88, s3;
	s6 =	simm.s32 @!p1 $0x1082;
	[sflag:s4] =	ssyncset.s32 $0xFFFFF086  }
0x25: {  	[simem:s6], [sflag:s4] =	dma.local [hbm:s3], $0xF7A  }
0x26: {  	[smem:$0x3F91] =	sst s1;
	(tag) =	ssettag s2;
	_ =	strace s9  }
0x27: {  	s1 =	sld [smem:$0x3FA1]  }
0x28: {  	s2 =	sld [smem:$0x3FA2]  }
0x29: {  	s4 =	sld [smem:$0x3FA4]  }
0x2a: {  	p0 =	seq.s32 s5, $0x0;
	s5 =	sld [smem:$0x3FA5]  }
0x2b: {  	s6 =	sld [smem:$0x3FA6]  }
0x2c: {  	s7 =	sld [smem:$0x3FA7]  }
0x2d: {  	s3 =	simm.s32 $0x108;
	s8 =	sld [smem:$0x3FA8]  }
0x2e: {  	s3 =	simm.s32 @!p0 $0x1082;
	s9 =	sld [smem:$0x3FA9]  }
0x2f: {  	lr =	sadd.s32 s0, s3;
	s0 =	sld [smem:$0x3FA0]  }
0x30: {  	s3 =	sld [smem:$0x3FA3]  }
0x31: {  	[smem:$0x3FAC] =	sst s10  }
0x32: {  	s10 =	sld [smem:$0x3FAA];
	_ =	sdelay $0x3  }
0x33: {  	p0 =	seq.s32 s10, $0x1;
	s10 =	sld [smem:$0x3FAC];
	_ =	sdelay $0x3  }
0x34: {  	[smem:$0x3FAC] =	sst s10  }
0x35: {  	s10 =	sld [smem:$0x3FAB];
	_ =	sdelay $0x3  }
0x36: {  	p1 =	seq.s32 s10, $0x1;
	s10 =	sld [smem:$0x3FAC];
	_ =	sdelay $0x3  }
0x37: {  	[smem:$0x3FAC] =	sst s10  }
0x38: {  	s10 =	sld [smem:$0x3FAD]  }
0x39: {  	_ = 	snop;
	(pc) =	sbr.ind lr, $3  }
0x3a: {  	_ = 	snop  }
0x3b: {  	_ = 	snop  }
0x3c: {  	p2 =	seq.s32 s10, $0x1;
	s10 =	sld [smem:$0x3FAC]  }
0x3d: {  	_ =	shalt  }
0x3e: {  	_ =	shalt  }
0x3f: {  	_ =	shalt  }
0x40: {  	_ =	shalt  }
0x41: {  	_ =	shalt  }
0x42: {  	_ =	shalt  }
0x43: {  	_ =	shalt  }
0x44: {  	_ =	shalt  }
0x45: {  	_ =	shalt  }
0x46: {  	_ =	shalt  }
0x47: {  	_ =	shalt  }
0x48: {  	_ =	shalt  }
0x49: {  	_ =	shalt  }
0x4a: {  	_ =	shalt  }
0x4b: {  	_ =	shalt  }
0x4c: {  	_ =	shalt  }
0x4d: {  	_ =	shalt  }
0x4e: {  	_ =	shalt  }
0x4f: {  	_ =	shalt  }
0x50: {  	_ =	shalt  }
0x51: {  	_ =	shalt  }
0x52: {  	_ =	shalt  }
0x53: {  	_ =	shalt  }
0x54: {  	_ =	shalt  }
0x55: {  	_ =	shalt  }
0x56: {  	_ =	shalt  }
0x57: {  	_ =	shalt  }
0x58: {  	_ =	shalt  }
0x59: {  	_ =	shalt  }
0x5a: {  	_ =	shalt  }
0x5b: {  	_ =	shalt  }
0x5c: {  	_ =	shalt  }
0x5d: {  	_ =	shalt  }
0x5e: {  	_ =	shalt  }
0x5f: {  	_ =	shalt  }
0x60: {  	_ =	shalt  }
0x61: {  	_ =	shalt  }
0x62: {  	_ =	shalt  }
0x63: {  	_ =	shalt  }
0x64: {  	_ =	shalt  }
0x65: {  	_ =	shalt  }
0x66: {  	_ =	shalt  }
0x67: {  	_ =	shalt  }
0x68: {  	_ =	shalt  }
0x69: {  	_ =	shalt  }
0x6a: {  	_ =	shalt  }
0x6b: {  	_ =	shalt  }
0x6c: {  	_ =	shalt  }
0x6d: {  	_ =	shalt  }
0x6e: {  	_ =	shalt  }
0x6f: {  	_ =	shalt  }
0x70: {  	_ =	shalt  }
0x71: {  	_ =	shalt  }
0x72: {  	_ =	shalt  }
0x73: {  	_ =	shalt  }
0x74: {  	_ =	shalt  }
0x75: {  	_ =	shalt  }
0x76: {  	_ =	shalt  }
0x77: {  	_ =	shalt  }
0x78: {  	_ =	shalt  }
0x79: {  	_ =	shalt  }
0x7a: {  	_ =	shalt  }
0x7b: {  	_ =	shalt  }
0x7c: {  	_ =	shalt  }
0x7d: {  	_ =	shalt  }
0x7e: {  	_ =	shalt  }
0x7f: {  	_ =	shalt  }
0x80: {  	_ =	shalt  }
0x81: {  	_ =	shalt  }
0x82: {  	_ =	shalt  }
0x83: {  	_ =	shalt  }
0x84: {  	_ =	shalt  }
0x85: {  	_ =	shalt  }
0x86: {  	_ =	shalt  }
0x87: {  	_ =	shalt  }
.Lfunc_end0:
.L_simem_size_0:
called_computation.2_lowered:
.L_overlay_start_0:
0x88: {  	s2 =	sld [smem:$0x3FD9]  }
0x89: {  	s3 =	sld [smem:$0x3FFE];
	_ =	sdelay $0x1  }
0x8a: {  	s1 =	srdreg.scid  }
0x8b: {  	s0 =	sand.u32 $0x1, s1  }
0x8c: {  	s16 =	sshll.u32 s0, $0xA;
	s2 =	sadd.s32 s3, s2  }
0x8d: {  	s2 =	sadd.s32 s2, s16  }
0x8e: {  	[smem:$0x3FB8] =	sst s2  }
0x8f: {  	_ = 	snop  }
0x90: {  	(tm) =	ssettm $0x1  }
0x91: {  	s17 =	sld [smem:$0x3FFB];
	_ =	sdelay $0x3  }
0x92: {  	_ =	strace s17  }
0x93: {  	s2 =	sld [smem:$0x3FFC];
	_ =	sdelay $0x3  }
0x94: {  	_ =	strace s2  }
0x95: {  	s2 =	sld [smem:$0x3FFD];
	_ =	sdelay $0x3  }
0x96: {  	_ =	strace s2  }
0x97: {  	_ =	strace $0x8FFFFFFF  }
0x98: {  	s18 =	sld [smem:$0x3FDB];
	_ =	sdelay $0x1  }
0x99: {  	s19 =	simm.s32 $_scs_section_size  }
0x9a: {  	s4 =	simm.s32 $_size__tile_overlayer_lowered;
	s5 =	simm.s32 $_tile_overlayer_lowered  }
0x9b: {  	s22 =	simm.s32 $0x1BFF;
	s21 =	sshll.u32 s5, $0x1;
	s2 =	sadd.s32 s19, s18  }
0x9c: {  	s6 =	simm.s32 $0x0;
	s20 =	sshll.u32 s4, $0x1;
	s4 =	sadd.s32 s21, s2  }
0x9d: {  	[timem:s6], [sflag:s22] =	dma.local [hbm:s4], s20  }
0x9e: {  	_ =	swait.ge [sflag:s22], s20  }
0x9f: {  	s3 =	ssub.s32 $0x0, s20;
	[sflag:s22] =	ssyncset.done $0x0  }
0xa0: {  	[sflag:s22] =	ssyncadd.s32 s3;
	_ =	sdelay $0x1  }
0xa1: {  	s23 =	simm.s32 $0x1B8B  }
0xa2: {  	_ =	swait.ge [sflag:s23], $0x1  }
0xa3: {  	[sflag:s23] =	ssyncset.done $0x0  }
0xa4: {  	s25 =	simm.s32 $0x1B8E;
	s24 =	sld [smem:$0x3FFE];
	[sflag:s23] =	ssyncadd.s32 $0xFFFFFFFF  }
0xa5: {  	s26 =	simm.s32 $execute0_lowered;
	[smem:$0x3FD2] =	sst s25  }
0xa6: {  	s4 =	sshll.u32 s26, $0x1;
	_ =	strace $0x8000004C;
	[dreg:$0x1] =	wrdreg $0xFFFFFFFF  }
0xa7: {  	s28 =	simm.s32 $_size_execute0_lowered;
	s2 =	sadd.s32 s2, s4;
	[dreg:$0x0] =	wrdreg $0x0  }
0xa8: {  	s4 =	sshll.u32 s28, $0x1;
	[dreg:$0x2] =	wrdreg s2  }
0xa9: {  	[dreg:$0x3] =	wrdreg s4  }
0xaa: {  	[dreg:$0x4] =	wrdreg $0xC0  }
0xab: {  	_ =	task [dreg:s6], $0x5FFFF  }
0xac: {  	[dreg:$0x1] =	wrdreg $0xFFFFFFFF  }
0xad: {  	[dreg:$0x0] =	wrdreg $0x60  }
0xae: {  	[dreg:$0x2] =	wrdreg s24  }
0xaf: {  	[dreg:$0x3] =	wrdreg $0x9  }
0xb0: {  	_ =	task.clear_ibuf [dreg:s6], $0x4FFFF;
	_ =	strace $0x9000004C  }
0xb1: {  	s29 =	simm.s32 $0x9;
	_ =	strace $0x8000004E  }
0xb2: {  	_ =	swait.ge [sflag:s29], $0x1  }
0xb3: {  	[sflag:s29] =	ssyncadd.s32 $0xFFFFFFFF  }
0xb4: {  	_ =	strace $0x9000004E  }
0xb5: {  	_ =	sfence  }
0xb6: {  	s30 =	sld [smem:$0x0];
	_ =	sdelay $0x2  }
0xb7: {  	s31 =	sshll.u32 s1, $0xD;
	s1 =	sshrl.u32 s1, $0x2  }
0xb8: {  	s3 =	sand.u32 $0x4000, s31;
	s1 =	sadd.s32 s1, s30  }
0xb9: {  	s0 =	sor.u32 s3, s0;
	s1 =	sshll.u32 s1, $0x11  }
0xba: {  	s0 =	sor.u32 s1, s0  }
0xbb: {  	s0 =	sadd.s32 $0x8F2B, s0  }
0xbc: {  	[sflag:s0] =	ssyncadd.remote.s32 $0x1  }
0xbd: {  	_ =	sfence.sel $0xFFFF  }
0xbe: {  	[dreg:$0x0] =	wrdreg $0xFFFFFFFF;
	(pc) =	sbr.abs _section_cstart, $3  }
0xbf: {  	[dreg:$0x1] =	wrdreg $0xFFFFFFFF  }
0xc0: {  	_ =	task.clear_ibuf [dreg:s6], $0x2FFFF;
	_ =	strace $0x9FFFFFFF  }
0xc1: {  	(tm) =	ssettm $0x7FFFFFFF  }
tec
execute0_lowered:
.L_overlay_start_1:
0x0: {  	(tag) =	ssettag $0x1  }
0x1: {  	s1 =	srdreg.scid  }
0x2: {  	s0 =	stileid.u32;
	s5 =	rddreg [dreg:$0x0];
	s2 =	simm.s32 $0x0  }
0x3: {  	s13 =	simm.s32 $0x5;
	s14 =	simm.s32 $0xC40;
	s15 =	simm.s32 $0x70  }
0x4: {  	s16 =	simm.s32 $0x1880;
	s17 =	simm.s32 $0x1F80;
	s18 =	simm.s32 $0xE0  }
0x5: {  	s19 =	simm.s32 $0x2;
	s20 =	simm.s32 $0x4;
	s21 =	simm.s32 $0x1  }
0x6: {  	s22 =	simm.s32 $0x3;
	s6 =	sand.u32 $0x1, s1;
	s3 =	sshll.u32 s0, $0x1  }
0x7: {  	s23 =	simm.s32 $0x1810;
	s24 =	simm.s32 $0x0;
	s7 =	sor.u32 s6, s3  }
0x8: {  	[smem:$0x7FF] =	sst s2;
	s4 =	sadd.s32 $0x2A00, s5;
	s3 =	smul.u32 $0xC40, s7  }
0x9: {  	_ =	strace $0x8000004D;
	s6 =	ssub.s32 $0x2, s6;
	s10 =	smul.u32 $0x18800, s7  }
0xa: {  	s9 =	sshrl.u32 s6, $0x1;
	s11 =	smul.u32 $0x1880, s7;
	s8 =	sshrl.u32 s3, $0x3  }
0xb: {  	s9 =	ssub.s32 s6, s9;
	s10 =	sshrl.u32 s10, $0x4;
	s8 =	sadd.s32 s8, s5  }
0xc: {  	s5 =	sadd.s32 $0x12A00, s5;
	s6 =	sadd.s32 $0xC800, s8;
	s7 =	sadd.s32 $0xF900, s8  }
0xd: {  	s8 =	smax.u32 s9, $0x1;
	s9 =	sadd.s32 s5, s11;
	s12 =	sadd.s32 s5, s10  }
0xe: {  	s10 =	sadd.s32 $0xE0, s12;
	s11 =	sadd.s32 $0x326C0, s12;
	s12 =	sadd.s32 $0x327A0, s12  }
.LBB2_1:
0xf: {  	[tilespmem:s2], [sflag:$0x5] =	stream.linear.gather [hbm4b:s6+s2], $0xC40, $0x38;
	[tilespmem:$0x2680] =	vst v63  }
0x10: {  	_ =	swait.ge [sflag:s13], $0xC40  }
0x11: {  	[sflag:s13] =	ssyncset.done $0x0  }
0x12: {  	[sflag:s13] =	ssyncadd.s32 $0xFFFFF3C0  }
0x13: {  	[tilespmem:s14], [sflag:$0x5] =	stream.linear.gather [hbm4b:s7+s2], $0xC40, $0x38;
	[tilespmem:$0x2680] =	vst v63  }
0x14: {  	_ =	swait.ge [sflag:s13], $0xC40  }
0x15: {  	[sflag:s13] =	ssyncset.done $0x0  }
0x16: {  	[sflag:s13] =	ssyncadd.s32 $0xFFFFF3C0  }
0x17: {  	[tilespmem:s16], [sflag:$0x1] =	stream.indirect.gather [hbm4b:s4+s15], $0x10, s2, s15, $0xb8;
	[tilespmem:$0x2680] =	vst v63  }
0x18: {  	_ =	swait.ge [sflag:s21], $0x700  }
0x19: {  	[sflag:s21] =	ssyncset.done $0x0  }
0x1a: {  	[sflag:s21] =	ssyncadd.s32 $0xFFFFF900  }
0x1b: {  	[tilespmem:s17], [sflag:$0x2] =	stream.indirect.gather [hbm4b:s4+s15], $0x10, s15, s15, $0xb8;
	[tilespmem:$0x2680] =	vst v63  }
0x1c: {  	_ = 	snop  }
0x1d: {  	[hbm4b:s9+s2] =	stream.linear.scatter [tilespmem:s16], [sflag:$0x3], $0x700, $0x38;
	[tilespmem:$0x2680] =	vst v63  }
0x1e: {  	_ =	swait.ge [sflag:s22], $0x700  }
0x1f: {  	[sflag:s22] =	ssyncset.done $0x0  }
0x20: {  	p0 =	por $0x0, $0x0;
	s25 =	simm.s32 $0xFFFFFFE4;
	[sflag:s22] =	ssyncadd.s32 $0xFFFFF900  }
0x21: {  	[tilespmem:s16], [sflag:$0x1] =	stream.indirect.gather [hbm4b:s4+s15], $0x10, s18, s15, $0xb8;
	[tilespmem:$0x2680] =	vst v63  }
0x22: {  	s25 =	simm.s32 @!p0 $0x0;
	_ =	swait.ge [sflag:s19], $0x700  }
0x23: {  	s25 =	sadd.s32 $0x3, s25;
	[sflag:s19] =	ssyncset.done $0x0  }
0x24: {  	s25 =	smul.u32 $0x70, s25;
	[sflag:s19] =	ssyncadd.s32 $0xFFFFF900  }
0x25: {  	[hbm4b:s10+s2] =	stream.linear.scatter [tilespmem:s17], [sflag:$0x4], $0x700, $0x38;
	[tilespmem:$0x2680] =	vst v63  }
0x26: {  	_ =	swait.ge [sflag:s20], $0x700  }
0x27: {  	s26 =	simm.s32 $0x310000;
	s25 =	sadd.s32 s3, s25;
	[sflag:s20] =	ssyncset.done $0x0  }
0x28: {  	s26 =	simm.s32 @!p0 $0x0;
	s25 =	sshll.u32 s25, $0x5;
	[sflag:s20] =	ssyncadd.s32 $0xFFFFF900  }
0x29: {  	s25 =	sadd.s32 s26, s25;
	_ =	swait.ge [sflag:s21], $0x700  }
0x2a: {  	s26 =	sadd.s32 $0xFFFFF200, s25;
	[sflag:s21] =	ssyncset.done $0x0  }
0x2b: {  	s28 =	simm.s32 $0x150;
	s26 =	sshrl.u32 s26, $0x4;
	[sflag:s21] =	ssyncadd.s32 $0xFFFFF900  }
0x2c: {  	[tilespmem:s17], [sflag:$0x2] =	stream.indirect.gather [hbm4b:s4+s15], $0x10, s28, s15, $0xb8;
	[tilespmem:$0x2680] =	vst v63  }
0x2d: {  	s31 =	simm.s32 $0x1C0;
	s26 =	sadd.s32 s5, s26  }
0x2e: {  	[hbm4b:s26+s2] =	stream.linear.scatter [tilespmem:s16], [sflag:$0x3], $0x700, $0x38;
	[tilespmem:$0x2680] =	vst v63  }
0x2f: {  	s29 =	simm.s32 $0x3;
	p1 =	por $0x0, $0x0;
	_ =	swait.ge [sflag:s22], $0x700  }
0x30: {  	s30 =	simm.s32 $0xFFFFFFE4;
	s25 =	sshrl.u32 s25, $0x4;
	[sflag:s22] =	ssyncset.done $0x0  }
0x31: {  	s30 =	simm.s32 @!p1 $0x0;
	s28 =	sadd.s32 s5, s25;
	[sflag:s22] =	ssyncadd.s32 $0xFFFFF900  }
0x32: {  	[tilespmem:s16], [sflag:$0x1] =	stream.indirect.gather [hbm4b:s4+s15], $0x10, s31, s15, $0xb8;
	[tilespmem:$0x2680] =	vst v63  }
0x33: {  	s25 =	simm.s32 $0x2A0;
	s26 =	simm.s32 $0x5;
	_ =	swait.ge [sflag:s19], $0x700  }
.LBB2_2:
0x34: {  	s30 =	sadd.s32 s26, s30;
	[sflag:s19] =	ssyncset.done $0x0  }
0x35: {  	s31 =	smov.u32 s29;
	s1 =	sadd.s32 $0x1, s29;
	s0 =	smov.u32 s25  }
0x36: {  	p0 =	sne.s32 s29, $0x1A;
	s29 =	smul.u32 $0x70, s30;
	[sflag:s19] =	ssyncadd.s32 $0xFFFFF900  }
0x37: {  	[hbm4b:s28+s2] =	stream.linear.scatter [tilespmem:s17], [sflag:$0x4], $0x700, $0x38;
	[tilespmem:$0x2680] =	vst v63  }
0x38: {  	_ =	swait.ge [sflag:s20], $0x700;
	s28 =	sadd.s32 s3, s29;
	s29 =	simm.s32 $0x310000  }
0x39: {  	[sflag:s20] =	ssyncset.done $0x0;
	s29 =	simm.s32 @!p1 $0x0;
	s28 =	sshll.u32 s28, $0x5  }
0x3a: {  	[sflag:s20] =	ssyncadd.s32 $0xFFFFF900;
	s28 =	sadd.s32 s29, s28  }
0x3b: {  	_ =	swait.ge [sflag:s21], $0x700;
	s29 =	sadd.s32 $0xFFFFF200, s28;
	s28 =	sshrl.u32 s28, $0x4  }
0x3c: {  	[sflag:s21] =	ssyncset.done $0x0;
	s29 =	sshrl.u32 s29, $0x4;
	s28 =	sadd.s32 s5, s28  }
0x3d: {  	s30 =	sadd.s32 $0xFFFFFF90, s25;
	[sflag:s21] =	ssyncadd.s32 $0xFFFFF900  }
0x3e: {  	[tilespmem:s17], [sflag:$0x2] =	stream.indirect.gather [hbm4b:s4+s15], $0x10, s30, s15, $0xb8;
	[tilespmem:$0x2680] =	vst v63  }
0x3f: {  	s29 =	sadd.s32 s5, s29  }
0x40: {  	[hbm4b:s29+s2] =	stream.linear.scatter [tilespmem:s16], [sflag:$0x3], $0x700, $0x38;
	[tilespmem:$0x2680] =	vst v63  }
.Ltmp0:
0x41: {  	_ =	swait.ge [sflag:s22], $0x700;
	(pc) =	sbr.rel @p0 .LBB2_2-.Ltmp0, $4  }
0x42: {  	s26 =	sadd.s32 $0x2, s26;
	s25 =	sadd.s32 $0xE0, s25;
	[sflag:s22] =	ssyncset.done $0x0  }
0x43: {  	p1 =	sgt.u32 s31, $0xD;
	s30 =	simm.s32 $0xFFFFFFE4;
	[sflag:s22] =	ssyncadd.s32 $0xFFFFF900  }
0x44: {  	[tilespmem:s16], [sflag:$0x1] =	stream.indirect.gather [hbm4b:s4+s15], $0x10, s0, s15, $0xb8;
	[tilespmem:$0x2680] =	vst v63  }
0x45: {  	s30 =	simm.s32 @!p1 $0x0;
	s29 =	smov.u32 s1;
	_ =	swait.ge [sflag:s19], $0x700  }
0x46: {  	s0 =	sadd.s32 s26, s30;
	[sflag:s19] =	ssyncset.done $0x0  }
0x47: {  	s0 =	smul.u32 $0x70, s0;
	[sflag:s19] =	ssyncadd.s32 $0xFFFFF900  }
0x48: {  	[hbm4b:s28+s2] =	stream.linear.scatter [tilespmem:s17], [sflag:$0x4], $0x700, $0x38;
	[tilespmem:$0x2680] =	vst v63  }
0x49: {  	_ =	swait.ge [sflag:s20], $0x700  }
0x4a: {  	s1 =	simm.s32 $0x310000;
	s0 =	sadd.s32 s3, s0;
	[sflag:s20] =	ssyncset.done $0x0  }
0x4b: {  	s1 =	simm.s32 @!p1 $0x0;
	s0 =	sshll.u32 s0, $0x5;
	[sflag:s20] =	ssyncadd.s32 $0xFFFFF900  }
0x4c: {  	s0 =	sadd.s32 s1, s0;
	_ =	swait.ge [sflag:s21], $0x700  }
0x4d: {  	s1 =	sadd.s32 $0xFFFFF200, s0;
	[sflag:s21] =	ssyncset.done $0x0  }
0x4e: {  	s31 =	sadd.s32 $0xFFFFFF90, s25;
	s1 =	sshrl.u32 s1, $0x4;
	[sflag:s21] =	ssyncadd.s32 $0xFFFFF900  }
0x4f: {  	[tilespmem:s17], [sflag:$0x2] =	stream.indirect.gather [hbm4b:s4+s15], $0x10, s31, s15, $0xb8;
	[tilespmem:$0x2680] =	vst v63  }
0x50: {  	s1 =	sadd.s32 s5, s1  }
0x51: {  	[hbm4b:s1+s2] =	stream.linear.scatter [tilespmem:s16], [sflag:$0x3], $0x700, $0x38;
	[tilespmem:$0x2680] =	vst v63  }
0x52: {  	_ =	swait.ge [sflag:s22], $0x700  }
0x53: {  	[sflag:s22] =	ssyncset.done $0x0  }
0x54: {  	[sflag:s22] =	ssyncadd.s32 $0xFFFFF900  }
0x55: {  	[tilespmem:s16], [sflag:$0x1] =	stream.indirect.gather [hbm4b:s4+s15], $0x10, s25, s15, $0xb8;
	[tilespmem:$0x2680] =	vst v63  }
0x56: {  	_ =	swait.ge [sflag:s19], $0x700  }
0x57: {  	s0 =	sshrl.u32 s0, $0x4;
	[sflag:s19] =	ssyncset.done $0x0  }
0x58: {  	s0 =	sadd.s32 s5, s0;
	[sflag:s19] =	ssyncadd.s32 $0xFFFFF900  }
0x59: {  	[hbm4b:s0+s2] =	stream.linear.scatter [tilespmem:s17], [sflag:$0x4], $0x700, $0x38;
	[tilespmem:$0x2680] =	vst v63  }
0x5a: {  	_ =	swait.ge [sflag:s20], $0x700  }
0x5b: {  	[sflag:s20] =	ssyncset.done $0x0  }
0x5c: {  	[sflag:s20] =	ssyncadd.s32 $0xFFFFF900  }
0x5d: {  	_ =	swait.ge [sflag:s21], $0x700  }
0x5e: {  	[sflag:s21] =	ssyncset.done $0x0  }
0x5f: {  	[sflag:s21] =	ssyncadd.s32 $0xFFFFF900  }
0x60: {  	[tilespmem:s17], [sflag:$0x2] =	stream.indirect.gather [hbm4b:s4+s15], $0x10, s23, s15, $0xb8;
	[tilespmem:$0x2680] =	vst v63  }
0x61: {  	_ = 	snop  }
0x62: {  	[hbm4b:s11+s2] =	stream.linear.scatter [tilespmem:s16], [sflag:$0x3], $0x700, $0x38;
	[tilespmem:$0x2680] =	vst v63  }
0x63: {  	_ =	swait.ge [sflag:s22], $0x700  }
0x64: {  	[sflag:s22] =	ssyncset.done $0x0  }
0x65: {  	[sflag:s22] =	ssyncadd.s32 $0xFFFFF900  }
0x66: {  	s24 =	sadd.s32 $0x1, s24;
	_ =	swait.ge [sflag:s19], $0x700  }
0x67: {  	p0 =	sne.s32 s24, s8;
	[sflag:s19] =	ssyncset.done $0x0  }
.Ltmp1:
0x68: {  	[sflag:s19] =	ssyncadd.s32 $0xFFFFF900;
	(pc) =	sbr.rel @p0 .LBB2_1-.Ltmp1, $4  }
0x69: {  	[hbm4b:s12+s2] =	stream.linear.scatter [tilespmem:s17], [sflag:$0x4], $0x700, $0x38;
	[tilespmem:$0x2680] =	vst v63  }
0x6a: {  	_ =	swait.ge [sflag:s20], $0x700  }
0x6b: {  	[sflag:s20] =	ssyncset.done $0x0  }
0x6c: {  	[sflag:s20] =	ssyncadd.s32 $0xFFFFF900  }
0x6d: {  	_ =	sfence.sel $0x180000  }
0x6e: {  	[bflag:$0x0] =	sbarrier.arrive $0xFFFF  }
0x6f: {  	_ =	strace $0x9000004D  }
0x70: {  	s0 =	stileid.u32;
	[bflag:$0x2] =	sbarrier.arrive $0xFFFF  }
0x71: {  	p0 =	sne.s32 s0, $0x0;
	s0 =	rddreg [dreg:$0x1]  }
0x72: {  	s0 =	sadd.s32 @!p0 $0x100000, s0  }
0x73: {  	[sflag:s0] =	ssyncadd.tile.s32 @!p0 $0x1;
	_ =	shalt  }
.Lfunc_end2:
_tile_overlayer_lowered:
.L_overlay_start_2:
0x74: {  	(tag) =	ssettag $0x2  }
0x75: {  	s0 =	rddreg [dreg:$0x0];
	s2 =	stileid.u32  }
0x76: {  	s1 =	rddreg [dreg:$0x1];
	p0 =	sne.s32 s2, $0x0  }
0x77: {  	s3 =	rddreg [dreg:$0x2];
	[bflag:$0x3] =	sbarrier.arrive $0xFFFF;
	s2 =	simm.s32 @!p0 $0x1C05  }
0x78: {  	[timem:s3], [sflag:s2] =	dma.local @!p0 [hbm:s0], s1  }
0x79: {  	s0 =	simm.s32 @!p0 $0x5  }
0x7a: {  	_ =	swait.ge @!p0 [sflag:s0], s1  }
0x7b: {  	s1 =	ssub.s32 @!p0 $0x0, s1;
	[sflag:s0] =	ssyncset.done @!p0 $0x0  }
0x7c: {  	[sflag:s0] =	ssyncadd.s32 @!p0 s1  }
0x7d: {  	[bflag:$0x3] =	sbarrier.arrive $0xFFFF  }
0x7e: {  	_ =	shalt  }

// kernel: kernel.9.cloned.1.call-start
scs
__scs_entry_jumppad:
0x0: {  	(pc) =	sbr.rel $0x88, $3  }
0x1: {  	(tag) =	ssettag $0x0;
	lr =	simm.s32 $0x1  }
0x2: {  	[smem:$0x3F91] =	sst lr;
	_ =	strace $0xD0000000  }
0x3: {  	_ = 	snop  }
0x4: {  	_ = 	snop  }
0x5: {  	_ = 	snop  }
0x6: {  	_ = 	snop  }
0x7: {  	_ = 	snop  }
__scs_overlays_trampoline_lowered:
0x8: {  	[smem:$0x3FA0] =	sst s0  }
0x9: {  	[smem:$0x3FA1] =	sst s1  }
0xa: {  	[smem:$0x3FA2] =	sst s2  }
0xb: {  	[smem:$0x3FA3] =	sst s3  }
0xc: {  	[smem:$0x3FA4] =	sst s4  }
0xd: {  	[smem:$0x3FA5] =	sst s5  }
0xe: {  	[smem:$0x3FA6] =	sst s6  }
0xf: {  	[smem:$0x3FA7] =	sst s7  }
0x10: {  	[smem:$0x3FA8] =	sst s8  }
0x11: {  	[smem:$0x3FA9] =	sst s9;
	s0 =	simm.s32 @!p0 $0x0  }
0x12: {  	s1 =	sld [smem:$0x3F8F];
	s0 =	simm.s32 @p0 $0x1  }
0x13: {  	[smem:$0x3FAA] =	sst s0;
	s0 =	simm.s32 @!p1 $0x0  }
0x14: {  	s2 =	sld [smem:$0x3F8E];
	s0 =	simm.s32 @p1 $0x1  }
0x15: {  	[smem:$0x3FAB] =	sst s0;
	s0 =	simm.s32 @!p2 $0x0  }
0x16: {  	s3 =	sld [smem:$0x3FDB];
	s0 =	simm.s32 @p2 $0x1  }
0x17: {  	s4 =	simm.s32 $0x1BF5;
	[smem:$0x3FAD] =	sst s0  }
0x18: {  	s0 =	sld [smem:$0x3F90];
	_ =	swait.ge [sflag:s4], $0x0  }
0x19: {  	s7 =	sld [smem:$0x3F91]  }
0x1a: {  	s8 =	sadd.s32 $0xFFFFE003, lr  }
0x1b: {  	s9 =	sadd.s32 $0xFFFFFEF7, lr;
	s5 =	simm.s32 $0xFFFFFFFF;
	p2 =	slt.u32 s8, $0xFFFFF086  }
0x1c: {  	p1 =	slt.u32 s9, $0xF7A;
	s5 =	simm.s32 @!p2 $0x0  }
0x1d: {  	s5 =	simm.s32 @p1 $0x1;
	p0 =	seq.s32 s7, s2  }
0x1e: {  	s7 =	smul.u32 @!p0 $0xF7A, s2;
	p2 =	seq.s32 @!p0 s5, $0x0  }
0x1f: {  	s9 =	smul.u32 $0xF7A, s1;
	s8 =	simm.s32 @!p0 $0x1BF5;
	p2 =	por !p2, p0  }
0x20: {  	[sflag:s8] =	ssyncset.s32 @!p0 $0xFFFFF086;
	s6 =	sadd.s32 @!p0 s3, s7;
	s7 =	simm.s32 @!p0 $0x108  }
0x21: {  	s3 =	sadd.s32 s3, s9;
	s6 =	sadd.s32 @!p0 $0x88, s6;
	s7 =	simm.s32 @p2 $0x1082  }
0x22: {  	[simem:s7], [sflag:s8] =	dma.local @!p0 [hbm:s6], $0xF7A  }
0x23: {  	s9 =	sor.u32 $0xD0000000, s2;
	s6 =	simm.s32 $0x108;
	_ =	swait.ge @!p0 [sflag:s8], $0x0  }
0x24: {  	s3 =	sadd.s32 $0x88, s3;
	s6 =	simm.s32 @!p1 $0x1082;
	[sflag:s4] =	ssyncset.s32 $0xFFFFF086  }
0x25: {  	[simem:s6], [sflag:s4] =	dma.local [hbm:s3], $0xF7A  }
0x26: {  	[smem:$0x3F91] =	sst s1;
	(tag) =	ssettag s2;
	_ =	strace s9  }
0x27: {  	s1 =	sld [smem:$0x3FA1]  }
0x28: {  	s2 =	sld [smem:$0x3FA2]  }
0x29: {  	s4 =	sld [smem:$0x3FA4]  }
0x2a: {  	p0 =	seq.s32 s5, $0x0;
	s5 =	sld [smem:$0x3FA5]  }
0x2b: {  	s6 =	sld [smem:$0x3FA6]  }
0x2c: {  	s7 =	sld [smem:$0x3FA7]  }
0x2d: {  	s3 =	simm.s32 $0x108;
	s8 =	sld [smem:$0x3FA8]  }
0x2e: {  	s3 =	simm.s32 @!p0 $0x1082;
	s9 =	sld [smem:$0x3FA9]  }
0x2f: {  	lr =	sadd.s32 s0, s3;
	s0 =	sld [smem:$0x3FA0]  }
0x30: {  	s3 =	sld [smem:$0x3FA3]  }
0x31: {  	[smem:$0x3FAC] =	sst s10  }
0x32: {  	s10 =	sld [smem:$0x3FAA];
	_ =	sdelay $0x3  }
0x33: {  	p0 =	seq.s32 s10, $0x1;
	s10 =	sld [smem:$0x3FAC];
	_ =	sdelay $0x3  }
0x34: {  	[smem:$0x3FAC] =	sst s10  }
0x35: {  	s10 =	sld [smem:$0x3FAB];
	_ =	sdelay $0x3  }
0x36: {  	p1 =	seq.s32 s10, $0x1;
	s10 =	sld [smem:$0x3FAC];
	_ =	sdelay $0x3  }
0x37: {  	[smem:$0x3FAC] =	sst s10  }
0x38: {  	s10 =	sld [smem:$0x3FAD]  }
0x39: {  	_ = 	snop;
	(pc) =	sbr.ind lr, $3  }
0x3a: {  	_ = 	snop  }
0x3b: {  	_ = 	snop  }
0x3c: {  	p2 =	seq.s32 s10, $0x1;
	s10 =	sld [smem:$0x3FAC]  }
0x3d: {  	_ =	shalt  }
0x3e: {  	_ =	shalt  }
0x3f: {  	_ =	shalt  }
0x40: {  	_ =	shalt  }
0x41: {  	_ =	shalt  }
0x42: {  	_ =	shalt  }
0x43: {  	_ =	shalt  }
0x44: {  	_ =	shalt  }
0x45: {  	_ =	shalt  }
0x46: {  	_ =	shalt  }
0x47: {  	_ =	shalt  }
0x48: {  	_ =	shalt  }
0x49: {  	_ =	shalt  }
0x4a: {  	_ =	shalt  }
0x4b: {  	_ =	shalt  }
0x4c: {  	_ =	shalt  }
0x4d: {  	_ =	shalt  }
0x4e: {  	_ =	shalt  }
0x4f: {  	_ =	shalt  }
0x50: {  	_ =	shalt  }
0x51: {  	_ =	shalt  }
0x52: {  	_ =	shalt  }
0x53: {  	_ =	shalt  }
0x54: {  	_ =	shalt  }
0x55: {  	_ =	shalt  }
0x56: {  	_ =	shalt  }
0x57: {  	_ =	shalt  }
0x58: {  	_ =	shalt  }
0x59: {  	_ =	shalt  }
0x5a: {  	_ =	shalt  }
0x5b: {  	_ =	shalt  }
0x5c: {  	_ =	shalt  }
0x5d: {  	_ =	shalt  }
0x5e: {  	_ =	shalt  }
0x5f: {  	_ =	shalt  }
0x60: {  	_ =	shalt  }
0x61: {  	_ =	shalt  }
0x62: {  	_ =	shalt  }
0x63: {  	_ =	shalt  }
0x64: {  	_ =	shalt  }
0x65: {  	_ =	shalt  }
0x66: {  	_ =	shalt  }
0x67: {  	_ =	shalt  }
0x68: {  	_ =	shalt  }
0x69: {  	_ =	shalt  }
0x6a: {  	_ =	shalt  }
0x6b: {  	_ =	shalt  }
0x6c: {  	_ =	shalt  }
0x6d: {  	_ =	shalt  }
0x6e: {  	_ =	shalt  }
0x6f: {  	_ =	shalt  }
0x70: {  	_ =	shalt  }
0x71: {  	_ =	shalt  }
0x72: {  	_ =	shalt  }
0x73: {  	_ =	shalt  }
0x74: {  	_ =	shalt  }
0x75: {  	_ =	shalt  }
0x76: {  	_ =	shalt  }
0x77: {  	_ =	shalt  }
0x78: {  	_ =	shalt  }
0x79: {  	_ =	shalt  }
0x7a: {  	_ =	shalt  }
0x7b: {  	_ =	shalt  }
0x7c: {  	_ =	shalt  }
0x7d: {  	_ =	shalt  }
0x7e: {  	_ =	shalt  }
0x7f: {  	_ =	shalt  }
0x80: {  	_ =	shalt  }
0x81: {  	_ =	shalt  }
0x82: {  	_ =	shalt  }
0x83: {  	_ =	shalt  }
0x84: {  	_ =	shalt  }
0x85: {  	_ =	shalt  }
0x86: {  	_ =	shalt  }
0x87: {  	_ =	shalt  }
.Lfunc_end0:
.L_simem_size_0:
called_computation_lowered:
.L_overlay_start_0:
0x88: {  	s2 =	sld [smem:$0x3FD9]  }
0x89: {  	s3 =	sld [smem:$0x3FFE];
	_ =	sdelay $0x1  }
0x8a: {  	s1 =	srdreg.scid  }
0x8b: {  	s0 =	sand.u32 $0x1, s1  }
0x8c: {  	s17 =	sshll.u32 s0, $0xA;
	s2 =	sadd.s32 s3, s2  }
0x8d: {  	s2 =	sadd.s32 s2, s17  }
0x8e: {  	[smem:$0x3FB8] =	sst s2  }
0x8f: {  	_ = 	snop  }
0x90: {  	s2 =	sld [smem:$0x3FD0];
	(tm) =	ssettm $0x1  }
0x91: {  	s18 =	sld [smem:$0x3FFB];
	_ =	sdelay $0x3  }
0x92: {  	_ =	strace s18  }
0x93: {  	s3 =	sld [smem:$0x3FFC];
	_ =	sdelay $0x3  }
0x94: {  	_ =	strace s3  }
0x95: {  	s3 =	sld [smem:$0x3FFD];
	_ =	sdelay $0x3  }
0x96: {  	_ =	strace s3  }
0x97: {  	_ =	strace $0x8FFFFFFF  }
0x98: {  	s19 =	sld [smem:$0x3FDB];
	_ =	sdelay $0x1  }
0x99: {  	s4 =	simm.s32 $_scs_section_size  }
0x9a: {  	s5 =	simm.s32 $_size__tile_overlayer_lowered;
	s6 =	simm.s32 $_tile_overlayer_lowered  }
0x9b: {  	s22 =	simm.s32 $0x1BFF;
	s21 =	sshll.u32 s6, $0x1;
	s3 =	sadd.s32 s4, s19  }
0x9c: {  	s7 =	simm.s32 $0x0;
	s20 =	sshll.u32 s5, $0x1;
	s5 =	sadd.s32 s21, s3  }
0x9d: {  	[timem:s7], [sflag:s22] =	dma.local [hbm:s5], s20  }
0x9e: {  	_ =	swait.ge [sflag:s22], s20  }
0x9f: {  	s4 =	ssub.s32 $0x0, s20;
	[sflag:s22] =	ssyncset.done $0x0  }
0xa0: {  	[sflag:s22] =	ssyncadd.s32 s4;
	_ =	sdelay $0x1  }
0xa1: {  	s23 =	simm.s32 $0x1B8B  }
0xa2: {  	_ =	swait.ge [sflag:s23], $0x1  }
0xa3: {  	[sflag:s23] =	ssyncset.done $0x0  }
0xa4: {  	s25 =	simm.s32 $0x1B8E;
	s24 =	sld [smem:$0x3FFE];
	[sflag:s23] =	ssyncadd.s32 $0xFFFFFFFF  }
0xa5: {  	s26 =	simm.s32 $execute0_lowered;
	[smem:$0x3FD2] =	sst s25  }
0xa6: {  	s5 =	sshll.u32 s26, $0x1;
	_ =	strace $0x80000046;
	[dreg:$0x1] =	wrdreg $0xFFFFFFFF  }
0xa7: {  	s28 =	simm.s32 $_size_execute0_lowered;
	s3 =	sadd.s32 s3, s5;
	[dreg:$0x0] =	wrdreg $0x0  }
0xa8: {  	s5 =	sshll.u32 s28, $0x1;
	[dreg:$0x2] =	wrdreg s3  }
0xa9: {  	[dreg:$0x3] =	wrdreg s5  }
0xaa: {  	[dreg:$0x4] =	wrdreg $0xC0  }
0xab: {  	_ =	task [dreg:s7], $0x5FFFF  }
0xac: {  	[dreg:$0x1] =	wrdreg $0xFFFFFFFF  }
0xad: {  	[dreg:$0x0] =	wrdreg $0x60  }
0xae: {  	[dreg:$0x2] =	wrdreg s24  }
0xaf: {  	[dreg:$0x3] =	wrdreg s2  }
0xb0: {  	[dreg:$0x4] =	wrdreg $0xC6200  }
0xb1: {  	[dreg:$0x5] =	wrdreg $0x9  }
0xb2: {  	_ =	task.clear_ibuf [dreg:s7], $0x6FFFF;
	_ =	strace $0x90000046  }
0xb3: {  	s29 =	simm.s32 $0x9;
	_ =	strace $0x80000048  }
0xb4: {  	_ =	swait.ge [sflag:s29], $0x1  }
0xb5: {  	[sflag:s29] =	ssyncadd.s32 $0xFFFFFFFF  }
0xb6: {  	_ =	strace $0x90000048  }
0xb7: {  	_ =	sfence  }
0xb8: {  	s30 =	sld [smem:$0x0];
	_ =	sdelay $0x2  }
0xb9: {  	s31 =	sshll.u32 s1, $0xD;
	s1 =	sshrl.u32 s1, $0x2  }
0xba: {  	s3 =	sand.u32 $0x4000, s31;
	s1 =	sadd.s32 s1, s30  }
0xbb: {  	s0 =	sor.u32 s3, s0;
	s1 =	sshll.u32 s1, $0x11  }
0xbc: {  	s0 =	sor.u32 s1, s0  }
0xbd: {  	s0 =	sadd.s32 $0x8F2B, s0  }
0xbe: {  	[sflag:s0] =	ssyncadd.remote.s32 $0x1  }
0xbf: {  	_ =	sfence.sel $0xFFFF  }
0xc0: {  	[dreg:$0x0] =	wrdreg $0xFFFFFFFF;
	(pc) =	sbr.abs _section_cstart, $3  }
0xc1: {  	[dreg:$0x1] =	wrdreg $0xFFFFFFFF  }
0xc2: {  	_ =	task.clear_ibuf [dreg:s7], $0x2FFFF;
	_ =	strace $0x9FFFFFFF  }
0xc3: {  	(tm) =	ssettm $0x7FFFFFFF  }
tec
execute0_lowered:
.L_overlay_start_1:
0x0: {  	(tag) =	ssettag $0x1  }
0x1: {  	s0 =	rddreg [dreg:$0x0];
	s1 =	srdreg.scid  }
0x2: {  	s5 =	stileid.u32;
	s3 =	rddreg [dreg:$0x2];
	s4 =	simm.s32 $0x0  }
0x3: {  	s19 =	simm.s32 $0x9E20;
	s20 =	simm.s32 $0x5;
	s21 =	simm.s32 $0x2800  }
0x4: {  	s22 =	simm.s32 $0x7D;
	s23 =	simm.s32 $0x5000;
	s24 =	simm.s32 $0x1  }
0x5: {  	s28 =	simm.s32 $0x3;
	s30 =	simm.s32 $0x2;
	s25 =	simm.s32 $0x4F80  }
0x6: {  	s29 =	simm.s32 $0x0;
	s1 =	sand.u32 $0x1, s1;
	s2 =	sshll.u32 s5, $0x1  }
0x7: {  	[smem:$0x7FF] =	sst s4;
	s11 =	smul.u32 $0xC800, s5;
	s5 =	sadd.s32 $0x2A00, s0  }
0x8: {  	s2 =	sor.u32 s1, s2;
	s6 =	ssub.s32 $0x2, s1;
	s1 =	smul.u32 $0xC8000, s1  }
0x9: {  	_ =	strace $0x80000047;
	s2 =	smul.u32 $0x2800, s2;
	s7 =	sshrl.u32 s6, $0x1  }
0xa: {  	s12 =	sadd.s32 $0x2800, s11;
	s15 =	sadd.s32 $0x5000, s11;
	s16 =	sadd.s32 $0x7800, s11  }
0xb: {  	s17 =	sadd.s32 $0xA000, s11;
	s18 =	ssub.s32 s6, s7;
	s6 =	sadd.s32 s11, s3  }
0xc: {  	s7 =	sadd.s32 s12, s3;
	s8 =	sadd.s32 s15, s3;
	s9 =	sadd.s32 s16, s3  }
0xd: {  	s10 =	sadd.s32 s17, s3;
	s13 =	sadd.s32 s11, s1;
	s12 =	sadd.s32 s1, s12  }
0xe: {  	s26 =	sadd.s32 s1, s15;
	s31 =	sadd.s32 s1, s16;
	s1 =	sadd.s32 s1, s17  }
0xf: {  	s2 =	sshrl.u32 s2, $0x3;
	s13 =	sshrl.u32 s13, $0x3;
	s14 =	sshrl.u32 s12, $0x3  }
0x10: {  	s16 =	sshrl.u32 s31, $0x3;
	s1 =	sshrl.u32 s1, $0x3;
	s2 =	sadd.s32 s2, s0  }
0x11: {  	s18 =	smax.u32 s18, $0x1;
	s0 =	sadd.s32 $0x2F200, s0;
	s11 =	sadd.s32 $0x1B200, s2  }
0x12: {  	s12 =	sadd.s32 $0x25200, s2;
	s13 =	sadd.s32 s0, s13;
	s14 =	sadd.s32 s0, s14  }
0x13: {  	s2 =	sshrl.u32 s26, $0x3;
	s16 =	sadd.s32 s0, s16;
	s17 =	sadd.s32 s0, s1  }
0x14: {  	s26 =	simm.s32 $0x7710;
	s1 =	simm.s32 $0x4;
	s15 =	sadd.s32 s0, s2  }
.LBB2_1:
0x15: {  	s0 =	rddreg [dreg:$0x1]  }
0x16: {  	[tilespmem:s19], [sflag:$0x5] =	stream.linear.gather [hbm4b:s0+s4], $0x2800, $0x38;
	[tilespmem:$0x18E20] =	vst v63  }
0x17: {  	_ =	swait.ge [sflag:s20], $0x2800  }
0x18: {  	[sflag:s20] =	ssyncset.done $0x0  }
0x19: {  	[sflag:s20] =	ssyncadd.s32 $0xFFFFD800  }
0x1a: {  	[spmem:s6] =	stream.linear.scatter [tilespmem:s19], [sflag:$0x5], $0x2800, $0x38;
	[tilespmem:$0x18E20] =	vst v63  }
0x1b: {  	_ =	swait.ge [sflag:s20], $0x2800  }
0x1c: {  	[sflag:s20] =	ssyncset.done $0x0  }
0x1d: {  	[sflag:s20] =	ssyncadd.s32 $0xFFFFD800  }
0x1e: {  	[spmem:s7] =	stream.linear.scatter [tilespmem:s19], [sflag:$0x5], $0x2800, $0x38;
	[tilespmem:$0x18E20] =	vst v63  }
0x1f: {  	_ =	swait.ge [sflag:s20], $0x2800  }
0x20: {  	[sflag:s20] =	ssyncset.done $0x0  }
0x21: {  	[sflag:s20] =	ssyncadd.s32 $0xFFFFD800  }
0x22: {  	[spmem:s8] =	stream.linear.scatter [tilespmem:s19], [sflag:$0x5], $0x2800, $0x38;
	[tilespmem:$0x18E20] =	vst v63  }
0x23: {  	_ =	swait.ge [sflag:s20], $0x2800  }
0x24: {  	[sflag:s20] =	ssyncset.done $0x0  }
0x25: {  	[sflag:s20] =	ssyncadd.s32 $0xFFFFD800  }
0x26: {  	[spmem:s9] =	stream.linear.scatter [tilespmem:s19], [sflag:$0x5], $0x2800, $0x38;
	[tilespmem:$0x18E20] =	vst v63  }
0x27: {  	_ =	swait.ge [sflag:s20], $0x2800  }
0x28: {  	[sflag:s20] =	ssyncset.done $0x0  }
0x29: {  	[sflag:s20] =	ssyncadd.s32 $0xFFFFD800  }
0x2a: {  	[spmem:s10] =	stream.linear.scatter [tilespmem:s19], [sflag:$0x5], $0x2800, $0x38;
	[tilespmem:$0x18E20] =	vst v63  }
0x2b: {  	_ =	swait.ge [sflag:s20], $0x2800  }
0x2c: {  	[sflag:s20] =	ssyncset.done $0x0  }
0x2d: {  	[sflag:s20] =	ssyncadd.s32 $0xFFFFD800  }
0x2e: {  	[tilespmem:s4], [sflag:$0x5] =	stream.linear.gather [hbm4b:s11+s4], $0x2800, $0x38;
	[tilespmem:$0x18E20] =	vst v63  }
0x2f: {  	_ =	swait.ge [sflag:s20], $0x2800  }
0x30: {  	[sflag:s20] =	ssyncset.done $0x0  }
0x31: {  	[sflag:s20] =	ssyncadd.s32 $0xFFFFD800  }
0x32: {  	[tilespmem:s21], [sflag:$0x5] =	stream.linear.gather [hbm4b:s12+s4], $0x2800, $0x38;
	[tilespmem:$0x18E20] =	vst v63  }
0x33: {  	_ =	swait.ge [sflag:s20], $0x2800  }
0x34: {  	[sflag:s20] =	ssyncset.done $0x0  }
0x35: {  	[sflag:s20] =	ssyncadd.s32 $0xFFFFD800  }
0x36: {  	[bflag:$0x0] =	sbarrier.arrive $0xFFFF  }
0x37: {  	[tilespmem:s23], [sflag:$0x1] =	stream.indirect.gather [hbm4b:s5+s22], $0x50, s4, s22, $0xb8;
	[tilespmem:$0x18E20] =	vst v63  }
0x38: {  	_ =	swait.ge [sflag:s24], $0x2710  }
0x39: {  	[sflag:s24] =	ssyncset.done $0x0  }
0x3a: {  	s2 =	simm.s32 $0x80;
	[sflag:s24] =	ssyncadd.s32 $0xFFFFD8F0  }
0x3b: {  	[tilespmem:s26], [sflag:$0x2] =	stream.indirect.gather [hbm4b:s5+s22], $0x50, s2, s22, $0xb8;
	[tilespmem:$0x18E20] =	vst v63  }
0x3c: {  	_ = 	snop  }
0x3d: {  	[spmem:s3] =	stream.indirect.scatter.add.f32 [tilespmem:s23], [sflag:$0x3], $0x50, s21, s22, $0xb8;
	[tilespmem:$0x18E20] =	vst v63  }
0x3e: {  	_ =	swait.ge [sflag:s28], $0x2710  }
0x3f: {  	[sflag:s28] =	ssyncset.done $0x0  }
0x40: {  	s2 =	simm.s32 $0x100;
	[sflag:s28] =	ssyncadd.s32 $0xFFFFD8F0  }
0x41: {  	[tilespmem:s23], [sflag:$0x1] =	stream.indirect.gather [hbm4b:s5+s22], $0x50, s2, s22, $0xb8;
	[tilespmem:$0x18E20] =	vst v63  }
0x42: {  	_ =	swait.ge [sflag:s30], $0x2710  }
0x43: {  	[sflag:s30] =	ssyncset.done $0x0  }
0x44: {  	s2 =	simm.s32 $0x2880;
	[sflag:s30] =	ssyncadd.s32 $0xFFFFD8F0  }
0x45: {  	[spmem:s3] =	stream.indirect.scatter.add.f32 [tilespmem:s26], [sflag:$0x4], $0x50, s2, s22, $0xb8;
	[tilespmem:$0x18E20] =	vst v63  }
0x46: {  	_ =	swait.ge [sflag:s1], $0x2710  }
0x47: {  	[sflag:s1] =	ssyncset.done $0x0  }
0x48: {  	[sflag:s1] =	ssyncadd.s32 $0xFFFFD8F0  }
0x49: {  	_ =	swait.ge [sflag:s24], $0x2710  }
0x4a: {  	[sflag:s24] =	ssyncset.done $0x0  }
0x4b: {  	s2 =	simm.s32 $0x180;
	[sflag:s24] =	ssyncadd.s32 $0xFFFFD8F0  }
0x4c: {  	[tilespmem:s26], [sflag:$0x2] =	stream.indirect.gather [hbm4b:s5+s22], $0x50, s2, s22, $0xb8;
	[tilespmem:$0x18E20] =	vst v63  }
0x4d: {  	s2 =	simm.s32 $0x2900  }
0x4e: {  	[spmem:s3] =	stream.indirect.scatter.add.f32 [tilespmem:s23], [sflag:$0x3], $0x50, s2, s22, $0xb8;
	[tilespmem:$0x18E20] =	vst v63  }
0x4f: {  	_ =	swait.ge [sflag:s28], $0x2710  }
0x50: {  	[sflag:s28] =	ssyncset.done $0x0  }
0x51: {  	s2 =	simm.s32 $0x200;
	[sflag:s28] =	ssyncadd.s32 $0xFFFFD8F0  }
0x52: {  	[tilespmem:s23], [sflag:$0x1] =	stream.indirect.gather [hbm4b:s5+s22], $0x50, s2, s22, $0xb8;
	[tilespmem:$0x18E20] =	vst v63  }
0x53: {  	_ =	swait.ge [sflag:s30], $0x2710  }
0x54: {  	[sflag:s30] =	ssyncset.done $0x0  }
0x55: {  	s31 =	simm.s32 $0xFFFF6C00;
	s0 =	simm.s32 $0x2980;
	[sflag:s30] =	ssyncadd.s32 $0xFFFFD8F0  }
.LBB2_2:
0x56: {  	[spmem:s3] =	stream.indirect.scatter.add.f32 [tilespmem:s26], [sflag:$0x4], $0x50, s0, s22, $0xb8;
	[tilespmem:$0x18E20] =	vst v63  }
0x57: {  	s0 =	smov.u32 s31  }
0x58: {  	p0 =	sne.s32 s31, $0xFFFFFC00;
	s31 =	sadd.s32 $0x400, s31;
	_ =	swait.ge [sflag:s1], $0x2710  }
0x59: {  	[sflag:s1] =	ssyncset.done $0x0  }
0x5a: {  	[sflag:s1] =	ssyncadd.s32 $0xFFFFD8F0  }
0x5b: {  	_ =	swait.ge [sflag:s24], $0x2710  }
0x5c: {  	s0 =	sshra.s32 s0, $0x2;
	[sflag:s24] =	ssyncset.done $0x0  }
0x5d: {  	s2 =	sadd.s32 $0x2780, s0;
	[sflag:s24] =	ssyncadd.s32 $0xFFFFD8F0  }
0x5e: {  	[tilespmem:s26], [sflag:$0x2] =	stream.indirect.gather [hbm4b:s5+s22], $0x50, s2, s22, $0xb8;
	[tilespmem:$0x18E20] =	vst v63  }
0x5f: {  	s2 =	sadd.s32 $0x4F00, s0  }
0x60: {  	[spmem:s3] =	stream.indirect.scatter.add.f32 [tilespmem:s23], [sflag:$0x3], $0x50, s2, s22, $0xb8;
	[tilespmem:$0x18E20] =	vst v63  }
0x61: {  	_ =	swait.ge [sflag:s28], $0x2710  }
0x62: {  	[sflag:s28] =	ssyncset.done $0x0  }
.Ltmp0:
0x63: {  	s2 =	sadd.s32 $0x2800, s0;
	[sflag:s28] =	ssyncadd.s32 $0xFFFFD8F0;
	(pc) =	sbr.rel @p0 .LBB2_2-.Ltmp0, $4  }
0x64: {  	[tilespmem:s23], [sflag:$0x1] =	stream.indirect.gather [hbm4b:s5+s22], $0x50, s2, s22, $0xb8;
	[tilespmem:$0x18E20] =	vst v63  }
0x65: {  	_ =	swait.ge [sflag:s30], $0x2710  }
0x66: {  	[sflag:s30] =	ssyncset.done $0x0  }
0x67: {  	s0 =	sadd.s32 $0x4F80, s0;
	[sflag:s30] =	ssyncadd.s32 $0xFFFFD8F0  }
0x68: {  	[spmem:s3] =	stream.indirect.scatter.add.f32 [tilespmem:s26], [sflag:$0x4], $0x50, s0, s22, $0xb8;
	[tilespmem:$0x18E20] =	vst v63  }
0x69: {  	_ =	swait.ge [sflag:s1], $0x2710  }
0x6a: {  	[sflag:s1] =	ssyncset.done $0x0  }
0x6b: {  	[sflag:s1] =	ssyncadd.s32 $0xFFFFD8F0  }
0x6c: {  	_ =	swait.ge [sflag:s24], $0x2710  }
0x6d: {  	[sflag:s24] =	ssyncset.done $0x0  }
0x6e: {  	s2 =	simm.s32 $0x2780;
	[sflag:s24] =	ssyncadd.s32 $0xFFFFD8F0  }
0x6f: {  	[tilespmem:s26], [sflag:$0x2] =	stream.indirect.gather [hbm4b:s5+s22], $0x50, s2, s22, $0xb8;
	[tilespmem:$0x18E20] =	vst v63  }
0x70: {  	s31 =	simm.s32 $0x4F00  }
0x71: {  	[spmem:s3] =	stream.indirect.scatter.add.f32 [tilespmem:s23], [sflag:$0x3], $0x50, s31, s22, $0xb8;
	[tilespmem:$0x18E20] =	vst v63  }
0x72: {  	_ =	swait.ge [sflag:s28], $0x2710  }
0x73: {  	[sflag:s28] =	ssyncset.done $0x0  }
0x74: {  	[sflag:s28] =	ssyncadd.s32 $0xFFFFD8F0  }
0x75: {  	_ =	swait.ge [sflag:s30], $0x2710  }
0x76: {  	[sflag:s30] =	ssyncset.done $0x0  }
0x77: {  	[sflag:s30] =	ssyncadd.s32 $0xFFFFD8F0  }
0x78: {  	[spmem:s3] =	stream.indirect.scatter.add.f32 [tilespmem:s26], [sflag:$0x4], $0x50, s25, s22, $0xb8;
	[tilespmem:$0x18E20] =	vst v63  }
0x79: {  	_ =	swait.ge [sflag:s1], $0x2710  }
0x7a: {  	[sflag:s1] =	ssyncset.done $0x0  }
0x7b: {  	[sflag:s1] =	ssyncadd.s32 $0xFFFFD8F0  }
0x7c: {  	[bflag:$0x0] =	sbarrier.arrive $0xFFFF  }
0x7d: {  	[tilespmem:s19], [sflag:$0x5] =	stream.linear.gather [spmem:s6], $0x2800, $0x38;
	[tilespmem:$0x18E20] =	vst v63  }
0x7e: {  	_ =	swait.ge [sflag:s20], $0x2800  }
0x7f: {  	[sflag:s20] =	ssyncset.done $0x0  }
0x80: {  	[sflag:s20] =	ssyncadd.s32 $0xFFFFD800  }
0x81: {  	[hbm4b:s13+s4] =	stream.linear.scatter [tilespmem:s19], [sflag:$0x5], $0x2800, $0x38;
	[tilespmem:$0x18E20] =	vst v63  }
0x82: {  	_ =	swait.ge [sflag:s20], $0x2800  }
0x83: {  	[sflag:s20] =	ssyncset.done $0x0  }
0x84: {  	[sflag:s20] =	ssyncadd.s32 $0xFFFFD800  }
0x85: {  	[tilespmem:s19], [sflag:$0x5] =	stream.linear.gather [spmem:s7], $0x2800, $0x38;
	[tilespmem:$0x18E20] =	vst v63  }
0x86: {  	_ =	swait.ge [sflag:s20], $0x2800  }
0x87: {  	[sflag:s20] =	ssyncset.done $0x0  }
0x88: {  	[sflag:s20] =	ssyncadd.s32 $0xFFFFD800  }
0x89: {  	[hbm4b:s14+s4] =	stream.linear.scatter [tilespmem:s19], [sflag:$0x5], $0x2800, $0x38;
	[tilespmem:$0x18E20] =	vst v63  }
0x8a: {  	_ =	swait.ge [sflag:s20], $0x2800  }
0x8b: {  	[sflag:s20] =	ssyncset.done $0x0  }
0x8c: {  	[sflag:s20] =	ssyncadd.s32 $0xFFFFD800  }
0x8d: {  	[tilespmem:s19], [sflag:$0x5] =	stream.linear.gather [spmem:s8], $0x2800, $0x38;
	[tilespmem:$0x18E20] =	vst v63  }
0x8e: {  	_ =	swait.ge [sflag:s20], $0x2800  }
0x8f: {  	[sflag:s20] =	ssyncset.done $0x0  }
0x90: {  	[sflag:s20] =	ssyncadd.s32 $0xFFFFD800  }
0x91: {  	[hbm4b:s15+s4] =	stream.linear.scatter [tilespmem:s19], [sflag:$0x5], $0x2800, $0x38;
	[tilespmem:$0x18E20] =	vst v63  }
0x92: {  	_ =	swait.ge [sflag:s20], $0x2800  }
0x93: {  	[sflag:s20] =	ssyncset.done $0x0  }
0x94: {  	[sflag:s20] =	ssyncadd.s32 $0xFFFFD800  }
0x95: {  	[tilespmem:s19], [sflag:$0x5] =	stream.linear.gather [spmem:s9], $0x2800, $0x38;
	[tilespmem:$0x18E20] =	vst v63  }
0x96: {  	_ =	swait.ge [sflag:s20], $0x2800  }
0x97: {  	[sflag:s20] =	ssyncset.done $0x0  }
0x98: {  	[sflag:s20] =	ssyncadd.s32 $0xFFFFD800  }
0x99: {  	[hbm4b:s16+s4] =	stream.linear.scatter [tilespmem:s19], [sflag:$0x5], $0x2800, $0x38;
	[tilespmem:$0x18E20] =	vst v63  }
0x9a: {  	_ =	swait.ge [sflag:s20], $0x2800  }
0x9b: {  	[sflag:s20] =	ssyncset.done $0x0  }
0x9c: {  	[sflag:s20] =	ssyncadd.s32 $0xFFFFD800  }
0x9d: {  	[tilespmem:s19], [sflag:$0x5] =	stream.linear.gather [spmem:s10], $0x2800, $0x38;
	[tilespmem:$0x18E20] =	vst v63  }
0x9e: {  	s29 =	sadd.s32 $0x1, s29;
	_ =	swait.ge [sflag:s20], $0x2800  }
0x9f: {  	p0 =	sne.s32 s29, s18;
	[sflag:s20] =	ssyncset.done $0x0  }
.Ltmp1:
0xa0: {  	[sflag:s20] =	ssyncadd.s32 $0xFFFFD800;
	(pc) =	sbr.rel @p0 .LBB2_1-.Ltmp1, $4  }
0xa1: {  	[hbm4b:s17+s4] =	stream.linear.scatter [tilespmem:s19], [sflag:$0x5], $0x2800, $0x38;
	[tilespmem:$0x18E20] =	vst v63  }
0xa2: {  	_ =	swait.ge [sflag:s20], $0x2800  }
0xa3: {  	[sflag:s20] =	ssyncset.done $0x0  }
0xa4: {  	[sflag:s20] =	ssyncadd.s32 $0xFFFFD800  }
0xa5: {  	_ =	sfence.sel $0x180000  }
0xa6: {  	[bflag:$0x0] =	sbarrier.arrive $0xFFFF  }
0xa7: {  	_ =	strace $0x90000047  }
0xa8: {  	s0 =	stileid.u32;
	[bflag:$0x2] =	sbarrier.arrive $0xFFFF  }
0xa9: {  	p0 =	sne.s32 s0, $0x0;
	s0 =	rddreg [dreg:$0x3]  }
0xaa: {  	s0 =	sadd.s32 @!p0 $0x100000, s0  }
0xab: {  	[sflag:s0] =	ssyncadd.tile.s32 @!p0 $0x1;
	_ =	shalt  }
.Lfunc_end2:
_tile_overlayer_lowered:
.L_overlay_start_2:
0xac: {  	(tag) =	ssettag $0x2  }
0xad: {  	s0 =	rddreg [dreg:$0x0];
	s2 =	stileid.u32  }
0xae: {  	s1 =	rddreg [dreg:$0x1];
	p0 =	sne.s32 s2, $0x0  }
0xaf: {  	s3 =	rddreg [dreg:$0x2];
	[bflag:$0x3] =	sbarrier.arrive $0xFFFF;
	s2 =	simm.s32 @!p0 $0x1C05  }
0xb0: {  	[timem:s3], [sflag:s2] =	dma.local @!p0 [hbm:s0], s1  }
0xb1: {  	s0 =	simm.s32 @!p0 $0x5  }
0xb2: {  	_ =	swait.ge @!p0 [sflag:s0], s1  }
0xb3: {  	s1 =	ssub.s32 @!p0 $0x0, s1;
	[sflag:s0] =	ssyncset.done @!p0 $0x0  }
0xb4: {  	[sflag:s0] =	ssyncadd.s32 @!p0 s1  }
0xb5: {  	[bflag:$0x3] =	sbarrier.arrive $0xFFFF  }
0xb6: {  	_ =	shalt  }

</sc_bundles>
